<compile_context>
chip_gen: v7x
topology: tpu7x:2x2x1
jax: 0.10.2.dev20260603
libtpu: 0.0.44.dev20260713+nightly
codegen_flags: <defaults>
</compile_context>

<pallas_src>
import functools

import jax
import jax.numpy as jnp
from jax import lax
from jax.experimental import pallas as pl
from jax.experimental.pallas import tpu as pltpu
from jax.experimental.pallas import tpu_sc as plsc

_T, _H, _E, _F = 128, 1024, 64, 1024
_NC, _NS, _L = 2, 16, 16
_NW = _T // _L
_P = 4
_RC = 16


def _logits_body(gate_ref, x_ref, out_ref):
    out_ref[...] = lax.dot_general(
        gate_ref[...], x_ref[...],
        (((0,), (1,)), ((), ())),
        preferred_element_type=jnp.float32)


def _router_body(logitsT_hbm, route_hbm, logits_v, route_v, route_sh, sem):
    cid = lax.axis_index("c")
    sid = lax.axis_index("s")
    active = jnp.logical_and(cid == 0, sid < _NW)
    base = jnp.minimum(sid, _NW - 1) * _L

    @pl.when(active)
    def _work():
        pltpu.sync_copy(logitsT_hbm, logits_v)
        vs = [logits_v[e, pl.ds(base, _L)] for e in range(_E)]
        m1 = vs[0]
        for e in range(1, _E):
            m1 = jnp.maximum(m1, vs[e])
        big = jnp.full((_L,), _E, jnp.int32)
        i1 = big
        for e in range(_E):
            i1 = jnp.minimum(i1, jnp.where(vs[e] == m1, e, _E))
        neg = jnp.full((_L,), -jnp.inf, jnp.float32)
        v2s = [jnp.where(i1 == e, neg, vs[e]) for e in range(_E)]
        m2 = v2s[0]
        for e in range(1, _E):
            m2 = jnp.maximum(m2, v2s[e])
        i2 = big
        for e in range(_E):
            i2 = jnp.minimum(i2, jnp.where(v2s[e] == m2, e, _E))
        r = jnp.exp(m2 - m1)
        w1 = 1.0 / (1.0 + r)
        w2 = 1.0 - w1
        i1f = i1.astype(jnp.float32)
        i2f = i2.astype(jnp.float32)
        lane = lax.iota(jnp.int32, _L)
        for tt in range(_L):
            row = jnp.where(
                lane == 0, i1f[tt],
                jnp.where(lane == 1, i2f[tt],
                          jnp.where(lane == 2, w1[tt],
                                    jnp.where(lane == 3, w2[tt], 0.0))))
            route_v[tt, :] = row
        pltpu.sync_copy(route_v, route_sh.at[pl.ds(base, _L), :])

    plsc.subcore_barrier()

    @pl.when(jnp.logical_and(cid == 0, sid == 0))
    def _drain():
        pltpu.sync_copy(route_sh, route_hbm)


def _prefix_body(x_ref, fc1_ref, fc2_ref, y_ref):
    h = jnp.dot(x_ref[...], fc1_ref[0], preferred_element_type=jnp.float32)
    h = h * jax.nn.sigmoid(h)
    y_ref[0] = jnp.dot(h, fc2_ref[0], preferred_element_type=jnp.float32)


def _ffn_body(x_ref, route_ref, fc1_ref, fc2_ref, yp_ref, out_ref):
    i = pl.program_id(0)
    e = jnp.where(i < _E - _P, i + _P, i - (_E - _P))
    ef = e.astype(jnp.float32)
    c = (jnp.where(route_ref[:, 0:1] == ef, route_ref[:, 2:3], 0.0)
         + jnp.where(route_ref[:, 1:2] == ef, route_ref[:, 3:4], 0.0))

    @pl.when(i < _E - _P)
    def _compute():
        h = jnp.dot(x_ref[...], fc1_ref[0],
                    preferred_element_type=jnp.float32)
        h = h * jax.nn.sigmoid(h) * c
        y = jnp.dot(h, fc2_ref[0], preferred_element_type=jnp.float32)

        @pl.when(i == 0)
        def _init():
            out_ref[...] = y

        @pl.when(i > 0)
        def _acc():
            out_ref[...] += y

    @pl.when(i >= _E - _P)
    def _fold_staged():
        out_ref[...] += yp_ref[0] * c


def kernel(hidden_states, gate_w, fc1_w, fc2_w):
    logitsT = pl.pallas_call(
        _logits_body,
        out_shape=jax.ShapeDtypeStruct((_E, _T), jnp.float32),
    )(gate_w, hidden_states)

    router = functools.partial(
        pl.kernel,
        mesh=plsc.VectorSubcoreMesh(core_axis_name="c", subcore_axis_name="s"),
        out_type=jax.ShapeDtypeStruct((_T, _RC), jnp.float32),
        scratch_types=[
            pltpu.VMEM((_E, _T), jnp.float32),
            pltpu.VMEM((_L, _RC), jnp.float32),
            pltpu.VMEM_SHARED((_T, _RC), jnp.float32),
            pltpu.SemaphoreType.DMA,
        ],
    )(_router_body)
    route = router(logitsT)

    y_prefix = pl.pallas_call(
        _prefix_body,
        grid=(_P,),
        in_specs=[
            pl.BlockSpec((_T, _H), lambda i: (0, 0)),
            pl.BlockSpec((1, _H, _F), lambda i: (i, 0, 0)),
            pl.BlockSpec((1, _F, _H), lambda i: (i, 0, 0)),
        ],
        out_specs=pl.BlockSpec((1, _T, _H), lambda i: (i, 0, 0)),
        out_shape=jax.ShapeDtypeStruct((_P, _T, _H), jnp.float32),
        compiler_params=pltpu.CompilerParams(
            dimension_semantics=("arbitrary",),
        ),
    )(hidden_states, fc1_w, fc2_w)

    return pl.pallas_call(
        _ffn_body,
        grid=(_E,),
        in_specs=[
            pl.BlockSpec((_T, _H), lambda i: (0, 0)),
            pl.BlockSpec((_T, _RC), lambda i: (0, 0)),
            pl.BlockSpec((1, _H, _F), lambda i: (jnp.minimum(i + _P, _E - 1), 0, 0)),
            pl.BlockSpec((1, _F, _H), lambda i: (jnp.minimum(i + _P, _E - 1), 0, 0)),
            pl.BlockSpec((1, _T, _H), lambda i: (jnp.maximum(i - (_E - _P), 0), 0, 0)),
        ],
        out_specs=pl.BlockSpec((_T, _H), lambda i: (0, 0)),
        out_shape=jax.ShapeDtypeStruct((_T, _H), jnp.float32),
        compiler_params=pltpu.CompilerParams(
            dimension_semantics=("arbitrary",),
        ),
    )(hidden_states, route, fc1_w, fc2_w, y_prefix)

# --- scband reference (transcript-rebuilt; emitter-appended) ---
"""Pipeline reference for scband-sparse-moe-block-orthelper-61555471286352 (READ-ONLY COPY).

The authoritative reference and input builder live on the scoring server;
editing this copy changes nothing except your own understanding.
"""

import jax, jax.numpy as jnp
import numpy as np

T, H, E, K, F = 128, 1024, 64, 2, 1024

def setup_inputs(seed: int = 0) -> dict:
    key = jax.random.key(seed)
    k1, k2, k3, k4 = jax.random.split(key, 4)
    hidden_states = jax.random.normal(k1, (T, H), dtype=jnp.float32)
    gate_w = jax.random.normal(k2, (H, E), dtype=jnp.float32) * 0.02
    fc1_w = jax.random.normal(k3, (E, H, F), dtype=jnp.float32) * 0.02
    fc2_w = jax.random.normal(k4, (E, F, H), dtype=jnp.float32) * 0.02
    return {"hidden_states": hidden_states, "gate_w": gate_w, "fc1_w": fc1_w, "fc2_w": fc2_w}

def reference(hidden_states, gate_w, fc1_w, fc2_w):
    # Router: logits -> softmax -> top-k -> normalized routing weights
    n_tok = hidden_states.shape[0]
    n_exp = gate_w.shape[1]
    router_logits = hidden_states @ gate_w                      # [T, E]
    router_probs = jax.nn.softmax(router_logits, axis=-1)      # [T, E]
    top_w, top_i = jax.lax.top_k(router_probs, K)               # [T, K]
    top_w = top_w / jnp.sum(top_w, axis=-1, keepdims=True)      # normalize_routing_weights=1
    # Scatter routing weights into dense [T, E] combine matrix (SparseCore scatter-add)
    combine = jnp.zeros((n_tok, n_exp), dtype=hidden_states.dtype)
    combine = combine.at[jnp.arange(n_tok)[:, None], top_i].add(top_w)
    # Expert FFN: fc1 -> silu -> fc2 (activation_type='silu'), combined by routing weights
    h = jnp.einsum('td,edf->tef', hidden_states, fc1_w)         # [T, E, F]
    h = h * jax.nn.sigmoid(h)                                   # SiLU
    y = jnp.einsum('tef,efd->ted', h, fc2_w)                    # [T, E, H]
    out = jnp.einsum('te,ted->td', combine, y)                  # [T, H]
    return out

if __name__ == "__main__":
    import jax
    _d = setup_inputs()
    print(jax.jit(kernel)(*tuple(_d.values())))

</pallas_src>

<mosaic_0001>
#map = affine_map<(d0, d1) -> (0, 0)>
module attributes {stable_mosaic.version = 14 : i64} {
  func.func @_router_body(%arg0: i32, %arg1: i32, %arg2: memref<64x128xf32, #tpu.memory_space<hbm>>, %arg3: memref<128x16xf32, #tpu.memory_space<hbm>>, %arg4: memref<64x128xf32, #tpu.memory_space<vmem>>, %arg5: memref<16x16xf32, #tpu.memory_space<vmem>>, %arg6: memref<128x16xf32, #tpu.memory_space<vmem_shared>>, %arg7: memref<!tpu.dma_semaphore, #tpu.memory_space<semaphore_mem>>) attributes {dimension_semantics = [#tpu.dimension_semantics<core_parallel>, #tpu.dimension_semantics<subcore_parallel>], iteration_bounds = array<i64: 2, 16>, scalar_prefetch = 0 : i64, scratch_operands = 4 : i64, tpu.core_type = #tpu.core_type<sc_vector_subcore>, window_params = [{transform_indices = #map}, {transform_indices = #map}]} {
    %eq3A = arith.constant 0 : i32
    %eq3A_0 = arith.cmpi eq, %arg0, %eq3A : i32
    %lt3A = arith.constant 8 : i32
    %lt3A_1 = arith.cmpi slt, %arg1, %lt3A : i32
    %and3A = arith.andi %eq3A_0, %lt3A_1 : i1
    %min3A = arith.constant 7 : i32
    %min3A_2 = arith.minsi %arg1, %min3A : i32
    %mul3A = arith.constant 16 : i32
    %mul3A_3 = arith.muli %min3A_2, %mul3A : i32
    %convert_element_type3A = arith.extui %and3A : i1 to i32
    %cond3A = arith.constant 0 : i32
    %cond3A_4 = arith.cmpi ne, %convert_element_type3A, %cond3A : i32
    scf.if %cond3A_4 {
      "tpu.region"() ({
        %run_scoped3A = tpu.sem_alloc : memref<!tpu.dma_semaphore, #tpu.memory_space<semaphore_mem>>
        tpu.enqueue_dma source(%arg2 : memref<64x128xf32, #tpu.memory_space<hbm>>) target(%arg4 : memref<64x128xf32, #tpu.memory_space<vmem>>) target_semaphore(%run_scoped3A : memref<!tpu.dma_semaphore, #tpu.memory_space<semaphore_mem>>)
        tpu.wait_dma2 semaphore(%run_scoped3A : memref<!tpu.dma_semaphore, #tpu.memory_space<semaphore_mem>>) src(%arg2 : memref<64x128xf32, #tpu.memory_space<hbm>>) dst(%arg4 : memref<64x128xf32, #tpu.memory_space<vmem>>)
        tpu.yield
      }) : () -> ()
      %get3A = arith.constant 0 : i32
      %get3A_13 = arith.index_cast %get3A : i32 to index
      %get3A_14 = arith.index_cast %mul3A_3 : i32 to index
      %get3A_15 = tpu.vector_load %arg4[%get3A_13, %get3A_14] {strides = array<i32>} : memref<64x128xf32, #tpu.memory_space<vmem>>, vector<1x16xf32>,
      %get3A_16 = vector.shape_cast %get3A_15 : vector<1x16xf32> to vector<16xf32>
      %get3A_17 = arith.constant 1 : i32
      %get3A_18 = arith.index_cast %get3A_17 : i32 to index
      %get3A_19 = arith.index_cast %mul3A_3 : i32 to index
      %get3A_20 = tpu.vector_load %arg4[%get3A_18, %get3A_19] {strides = array<i32>} : memref<64x128xf32, #tpu.memory_space<vmem>>, vector<1x16xf32>,
      %get3A_21 = vector.shape_cast %get3A_20 : vector<1x16xf32> to vector<16xf32>
      %get3A_22 = arith.constant 2 : i32
      %get3A_23 = arith.index_cast %get3A_22 : i32 to index
      %get3A_24 = arith.index_cast %mul3A_3 : i32 to index
      %get3A_25 = tpu.vector_load %arg4[%get3A_23, %get3A_24] {strides = array<i32>} : memref<64x128xf32, #tpu.memory_space<vmem>>, vector<1x16xf32>,
      %get3A_26 = vector.shape_cast %get3A_25 : vector<1x16xf32> to vector<16xf32>
      %get3A_27 = arith.constant 3 : i32
      %get3A_28 = arith.index_cast %get3A_27 : i32 to index
      %get3A_29 = arith.index_cast %mul3A_3 : i32 to index
      %get3A_30 = tpu.vector_load %arg4[%get3A_28, %get3A_29] {strides = array<i32>} : memref<64x128xf32, #tpu.memory_space<vmem>>, vector<1x16xf32>,
      %get3A_31 = vector.shape_cast %get3A_30 : vector<1x16xf32> to vector<16xf32>
      %get3A_32 = arith.constant 4 : i32
      %get3A_33 = arith.index_cast %get3A_32 : i32 to index
      %get3A_34 = arith.index_cast %mul3A_3 : i32 to index
      %get3A_35 = tpu.vector_load %arg4[%get3A_33, %get3A_34] {strides = array<i32>} : memref<64x128xf32, #tpu.memory_space<vmem>>, vector<1x16xf32>,
      %get3A_36 = vector.shape_cast %get3A_35 : vector<1x16xf32> to vector<16xf32>
      %get3A_37 = arith.constant 5 : i32
      %get3A_38 = arith.index_cast %get3A_37 : i32 to index
      %get3A_39 = arith.index_cast %mul3A_3 : i32 to index
      %get3A_40 = tpu.vector_load %arg4[%get3A_38, %get3A_39] {strides = array<i32>} : memref<64x128xf32, #tpu.memory_space<vmem>>, vector<1x16xf32>,
      %get3A_41 = vector.shape_cast %get3A_40 : vector<1x16xf32> to vector<16xf32>
      %get3A_42 = arith.constant 6 : i32
      %get3A_43 = arith.index_cast %get3A_42 : i32 to index
      %get3A_44 = arith.index_cast %mul3A_3 : i32 to index
      %get3A_45 = tpu.vector_load %arg4[%get3A_43, %get3A_44] {strides = array<i32>} : memref<64x128xf32, #tpu.memory_space<vmem>>, vector<1x16xf32>,
      %get3A_46 = vector.shape_cast %get3A_45 : vector<1x16xf32> to vector<16xf32>
      %get3A_47 = arith.constant 7 : i32
      %get3A_48 = arith.index_cast %get3A_47 : i32 to index
      %get3A_49 = arith.index_cast %mul3A_3 : i32 to index
      %get3A_50 = tpu.vector_load %arg4[%get3A_48, %get3A_49] {strides = array<i32>} : memref<64x128xf32, #tpu.memory_space<vmem>>, vector<1x16xf32>,
      %get3A_51 = vector.shape_cast %get3A_50 : vector<1x16xf32> to vector<16xf32>
      %get3A_52 = arith.constant 8 : i32
      %get3A_53 = arith.index_cast %get3A_52 : i32 to index
      %get3A_54 = arith.index_cast %mul3A_3 : i32 to index
      %get3A_55 = tpu.vector_load %arg4[%get3A_53, %get3A_54] {strides = array<i32>} : memref<64x128xf32, #tpu.memory_space<vmem>>, vector<1x16xf32>,
      %get3A_56 = vector.shape_cast %get3A_55 : vector<1x16xf32> to vector<16xf32>
      %get3A_57 = arith.constant 9 : i32
      %get3A_58 = arith.index_cast %get3A_57 : i32 to index
      %get3A_59 = arith.index_cast %mul3A_3 : i32 to index
      %get3A_60 = tpu.vector_load %arg4[%get3A_58, %get3A_59] {strides = array<i32>} : memref<64x128xf32, #tpu.memory_space<vmem>>, vector<1x16xf32>,
      %get3A_61 = vector.shape_cast %get3A_60 : vector<1x16xf32> to vector<16xf32>
      %get3A_62 = arith.constant 10 : i32
      %get3A_63 = arith.index_cast %get3A_62 : i32 to index
      %get3A_64 = arith.index_cast %mul3A_3 : i32 to index
      %get3A_65 = tpu.vector_load %arg4[%get3A_63, %get3A_64] {strides = array<i32>} : memref<64x128xf32, #tpu.memory_space<vmem>>, vector<1x16xf32>,
      %get3A_66 = vector.shape_cast %get3A_65 : vector<1x16xf32> to vector<16xf32>
      %get3A_67 = arith.constant 11 : i32
      %get3A_68 = arith.index_cast %get3A_67 : i32 to index
      %get3A_69 = arith.index_cast %mul3A_3 : i32 to index
      %get3A_70 = tpu.vector_load %arg4[%get3A_68, %get3A_69] {strides = array<i32>} : memref<64x128xf32, #tpu.memory_space<vmem>>, vector<1x16xf32>,
      %get3A_71 = vector.shape_cast %get3A_70 : vector<1x16xf32> to vector<16xf32>
      %get3A_72 = arith.constant 12 : i32
      %get3A_73 = arith.index_cast %get3A_72 : i32 to index
      %get3A_74 = arith.index_cast %mul3A_3 : i32 to index
      %get3A_75 = tpu.vector_load %arg4[%get3A_73, %get3A_74] {strides = array<i32>} : memref<64x128xf32, #tpu.memory_space<vmem>>, vector<1x16xf32>,
      %get3A_76 = vector.shape_cast %get3A_75 : vector<1x16xf32> to vector<16xf32>
      %get3A_77 = arith.constant 13 : i32
      %get3A_78 = arith.index_cast %get3A_77 : i32 to index
      %get3A_79 = arith.index_cast %mul3A_3 : i32 to index
      %get3A_80 = tpu.vector_load %arg4[%get3A_78, %get3A_79] {strides = array<i32>} : memref<64x128xf32, #tpu.memory_space<vmem>>, vector<1x16xf32>,
      %get3A_81 = vector.shape_cast %get3A_80 : vector<1x16xf32> to vector<16xf32>
      %get3A_82 = arith.constant 14 : i32
      %get3A_83 = arith.index_cast %get3A_82 : i32 to index
      %get3A_84 = arith.index_cast %mul3A_3 : i32 to index
      %get3A_85 = tpu.vector_load %arg4[%get3A_83, %get3A_84] {strides = array<i32>} : memref<64x128xf32, #tpu.memory_space<vmem>>, vector<1x16xf32>,
      %get3A_86 = vector.shape_cast %get3A_85 : vector<1x16xf32> to vector<16xf32>
      %get3A_87 = arith.constant 15 : i32
      %get3A_88 = arith.index_cast %get3A_87 : i32 to index
      %get3A_89 = arith.index_cast %mul3A_3 : i32 to index
      %get3A_90 = tpu.vector_load %arg4[%get3A_88, %get3A_89] {strides = array<i32>} : memref<64x128xf32, #tpu.memory_space<vmem>>, vector<1x16xf32>,
      %get3A_91 = vector.shape_cast %get3A_90 : vector<1x16xf32> to vector<16xf32>
      %get3A_92 = arith.constant 16 : i32
      %get3A_93 = arith.index_cast %get3A_92 : i32 to index
      %get3A_94 = arith.index_cast %mul3A_3 : i32 to index
      %get3A_95 = tpu.vector_load %arg4[%get3A_93, %get3A_94] {strides = array<i32>} : memref<64x128xf32, #tpu.memory_space<vmem>>, vector<1x16xf32>,
      %get3A_96 = vector.shape_cast %get3A_95 : vector<1x16xf32> to vector<16xf32>
      %get3A_97 = arith.constant 17 : i32
      %get3A_98 = arith.index_cast %get3A_97 : i32 to index
      %get3A_99 = arith.index_cast %mul3A_3 : i32 to index
      %get3A_100 = tpu.vector_load %arg4[%get3A_98, %get3A_99] {strides = array<i32>} : memref<64x128xf32, #tpu.memory_space<vmem>>, vector<1x16xf32>,
      %get3A_101 = vector.shape_cast %get3A_100 : vector<1x16xf32> to vector<16xf32>
      %get3A_102 = arith.constant 18 : i32
      %get3A_103 = arith.index_cast %get3A_102 : i32 to index
      %get3A_104 = arith.index_cast %mul3A_3 : i32 to index
      %get3A_105 = tpu.vector_load %arg4[%get3A_103, %get3A_104] {strides = array<i32>} : memref<64x128xf32, #tpu.memory_space<vmem>>, vector<1x16xf32>,
      %get3A_106 = vector.shape_cast %get3A_105 : vector<1x16xf32> to vector<16xf32>
      %get3A_107 = arith.constant 19 : i32
      %get3A_108 = arith.index_cast %get3A_107 : i32 to index
      %get3A_109 = arith.index_cast %mul3A_3 : i32 to index
      %get3A_110 = tpu.vector_load %arg4[%get3A_108, %get3A_109] {strides = array<i32>} : memref<64x128xf32, #tpu.memory_space<vmem>>, vector<1x16xf32>,
      %get3A_111 = vector.shape_cast %get3A_110 : vector<1x16xf32> to vector<16xf32>
      %get3A_112 = arith.constant 20 : i32
      %get3A_113 = arith.index_cast %get3A_112 : i32 to index
      %get3A_114 = arith.index_cast %mul3A_3 : i32 to index
      %get3A_115 = tpu.vector_load %arg4[%get3A_113, %get3A_114] {strides = array<i32>} : memref<64x128xf32, #tpu.memory_space<vmem>>, vector<1x16xf32>,
      %get3A_116 = vector.shape_cast %get3A_115 : vector<1x16xf32> to vector<16xf32>
      %get3A_117 = arith.constant 21 : i32
      %get3A_118 = arith.index_cast %get3A_117 : i32 to index
      %get3A_119 = arith.index_cast %mul3A_3 : i32 to index
      %get3A_120 = tpu.vector_load %arg4[%get3A_118, %get3A_119] {strides = array<i32>} : memref<64x128xf32, #tpu.memory_space<vmem>>, vector<1x16xf32>,
      %get3A_121 = vector.shape_cast %get3A_120 : vector<1x16xf32> to vector<16xf32>
      %get3A_122 = arith.constant 22 : i32
      %get3A_123 = arith.index_cast %get3A_122 : i32 to index
      %get3A_124 = arith.index_cast %mul3A_3 : i32 to index
      %get3A_125 = tpu.vector_load %arg4[%get3A_123, %get3A_124] {strides = array<i32>} : memref<64x128xf32, #tpu.memory_space<vmem>>, vector<1x16xf32>,
      %get3A_126 = vector.shape_cast %get3A_125 : vector<1x16xf32> to vector<16xf32>
      %get3A_127 = arith.constant 23 : i32
      %get3A_128 = arith.index_cast %get3A_127 : i32 to index
      %get3A_129 = arith.index_cast %mul3A_3 : i32 to index
      %get3A_130 = tpu.vector_load %arg4[%get3A_128, %get3A_129] {strides = array<i32>} : memref<64x128xf32, #tpu.memory_space<vmem>>, vector<1x16xf32>,
      %get3A_131 = vector.shape_cast %get3A_130 : vector<1x16xf32> to vector<16xf32>
      %get3A_132 = arith.constant 24 : i32
      %get3A_133 = arith.index_cast %get3A_132 : i32 to index
      %get3A_134 = arith.index_cast %mul3A_3 : i32 to index
      %get3A_135 = tpu.vector_load %arg4[%get3A_133, %get3A_134] {strides = array<i32>} : memref<64x128xf32, #tpu.memory_space<vmem>>, vector<1x16xf32>,
      %get3A_136 = vector.shape_cast %get3A_135 : vector<1x16xf32> to vector<16xf32>
      %get3A_137 = arith.constant 25 : i32
      %get3A_138 = arith.index_cast %get3A_137 : i32 to index
      %get3A_139 = arith.index_cast %mul3A_3 : i32 to index
      %get3A_140 = tpu.vector_load %arg4[%get3A_138, %get3A_139] {strides = array<i32>} : memref<64x128xf32, #tpu.memory_space<vmem>>, vector<1x16xf32>,
      %get3A_141 = vector.shape_cast %get3A_140 : vector<1x16xf32> to vector<16xf32>
      %get3A_142 = arith.constant 26 : i32
      %get3A_143 = arith.index_cast %get3A_142 : i32 to index
      %get3A_144 = arith.index_cast %mul3A_3 : i32 to index
      %get3A_145 = tpu.vector_load %arg4[%get3A_143, %get3A_144] {strides = array<i32>} : memref<64x128xf32, #tpu.memory_space<vmem>>, vector<1x16xf32>,
      %get3A_146 = vector.shape_cast %get3A_145 : vector<1x16xf32> to vector<16xf32>
      %get3A_147 = arith.constant 27 : i32
      %get3A_148 = arith.index_cast %get3A_147 : i32 to index
      %get3A_149 = arith.index_cast %mul3A_3 : i32 to index
      %get3A_150 = tpu.vector_load %arg4[%get3A_148, %get3A_149] {strides = array<i32>} : memref<64x128xf32, #tpu.memory_space<vmem>>, vector<1x16xf32>,
      %get3A_151 = vector.shape_cast %get3A_150 : vector<1x16xf32> to vector<16xf32>
      %get3A_152 = arith.constant 28 : i32
      %get3A_153 = arith.index_cast %get3A_152 : i32 to index
      %get3A_154 = arith.index_cast %mul3A_3 : i32 to index
      %get3A_155 = tpu.vector_load %arg4[%get3A_153, %get3A_154] {strides = array<i32>} : memref<64x128xf32, #tpu.memory_space<vmem>>, vector<1x16xf32>,
      %get3A_156 = vector.shape_cast %get3A_155 : vector<1x16xf32> to vector<16xf32>
      %get3A_157 = arith.constant 29 : i32
      %get3A_158 = arith.index_cast %get3A_157 : i32 to index
      %get3A_159 = arith.index_cast %mul3A_3 : i32 to index
      %get3A_160 = tpu.vector_load %arg4[%get3A_158, %get3A_159] {strides = array<i32>} : memref<64x128xf32, #tpu.memory_space<vmem>>, vector<1x16xf32>,
      %get3A_161 = vector.shape_cast %get3A_160 : vector<1x16xf32> to vector<16xf32>
      %get3A_162 = arith.constant 30 : i32
      %get3A_163 = arith.index_cast %get3A_162 : i32 to index
      %get3A_164 = arith.index_cast %mul3A_3 : i32 to index
      %get3A_165 = tpu.vector_load %arg4[%get3A_163, %get3A_164] {strides = array<i32>} : memref<64x128xf32, #tpu.memory_space<vmem>>, vector<1x16xf32>,
      %get3A_166 = vector.shape_cast %get3A_165 : vector<1x16xf32> to vector<16xf32>
      %get3A_167 = arith.constant 31 : i32
      %get3A_168 = arith.index_cast %get3A_167 : i32 to index
      %get3A_169 = arith.index_cast %mul3A_3 : i32 to index
      %get3A_170 = tpu.vector_load %arg4[%get3A_168, %get3A_169] {strides = array<i32>} : memref<64x128xf32, #tpu.memory_space<vmem>>, vector<1x16xf32>,
      %get3A_171 = vector.shape_cast %get3A_170 : vector<1x16xf32> to vector<16xf32>
      %get3A_172 = arith.constant 32 : i32
      %get3A_173 = arith.index_cast %get3A_172 : i32 to index
      %get3A_174 = arith.index_cast %mul3A_3 : i32 to index
      %get3A_175 = tpu.vector_load %arg4[%get3A_173, %get3A_174] {strides = array<i32>} : memref<64x128xf32, #tpu.memory_space<vmem>>, vector<1x16xf32>,
      %get3A_176 = vector.shape_cast %get3A_175 : vector<1x16xf32> to vector<16xf32>
      %get3A_177 = arith.constant 33 : i32
      %get3A_178 = arith.index_cast %get3A_177 : i32 to index
      %get3A_179 = arith.index_cast %mul3A_3 : i32 to index
      %get3A_180 = tpu.vector_load %arg4[%get3A_178, %get3A_179] {strides = array<i32>} : memref<64x128xf32, #tpu.memory_space<vmem>>, vector<1x16xf32>,
      %get3A_181 = vector.shape_cast %get3A_180 : vector<1x16xf32> to vector<16xf32>
      %get3A_182 = arith.constant 34 : i32
      %get3A_183 = arith.index_cast %get3A_182 : i32 to index
      %get3A_184 = arith.index_cast %mul3A_3 : i32 to index
      %get3A_185 = tpu.vector_load %arg4[%get3A_183, %get3A_184] {strides = array<i32>} : memref<64x128xf32, #tpu.memory_space<vmem>>, vector<1x16xf32>,
      %get3A_186 = vector.shape_cast %get3A_185 : vector<1x16xf32> to vector<16xf32>
      %get3A_187 = arith.constant 35 : i32
      %get3A_188 = arith.index_cast %get3A_187 : i32 to index
      %get3A_189 = arith.index_cast %mul3A_3 : i32 to index
      %get3A_190 = tpu.vector_load %arg4[%get3A_188, %get3A_189] {strides = array<i32>} : memref<64x128xf32, #tpu.memory_space<vmem>>, vector<1x16xf32>,
      %get3A_191 = vector.shape_cast %get3A_190 : vector<1x16xf32> to vector<16xf32>
      %get3A_192 = arith.constant 36 : i32
      %get3A_193 = arith.index_cast %get3A_192 : i32 to index
      %get3A_194 = arith.index_cast %mul3A_3 : i32 to index
      %get3A_195 = tpu.vector_load %arg4[%get3A_193, %get3A_194] {strides = array<i32>} : memref<64x128xf32, #tpu.memory_space<vmem>>, vector<1x16xf32>,
      %get3A_196 = vector.shape_cast %get3A_195 : vector<1x16xf32> to vector<16xf32>
      %get3A_197 = arith.constant 37 : i32
      %get3A_198 = arith.index_cast %get3A_197 : i32 to index
      %get3A_199 = arith.index_cast %mul3A_3 : i32 to index
      %get3A_200 = tpu.vector_load %arg4[%get3A_198, %get3A_199] {strides = array<i32>} : memref<64x128xf32, #tpu.memory_space<vmem>>, vector<1x16xf32>,
      %get3A_201 = vector.shape_cast %get3A_200 : vector<1x16xf32> to vector<16xf32>
      %get3A_202 = arith.constant 38 : i32
      %get3A_203 = arith.index_cast %get3A_202 : i32 to index
      %get3A_204 = arith.index_cast %mul3A_3 : i32 to index
      %get3A_205 = tpu.vector_load %arg4[%get3A_203, %get3A_204] {strides = array<i32>} : memref<64x128xf32, #tpu.memory_space<vmem>>, vector<1x16xf32>,
      %get3A_206 = vector.shape_cast %get3A_205 : vector<1x16xf32> to vector<16xf32>
      %get3A_207 = arith.constant 39 : i32
      %get3A_208 = arith.index_cast %get3A_207 : i32 to index
      %get3A_209 = arith.index_cast %mul3A_3 : i32 to index
      %get3A_210 = tpu.vector_load %arg4[%get3A_208, %get3A_209] {strides = array<i32>} : memref<64x128xf32, #tpu.memory_space<vmem>>, vector<1x16xf32>,
      %get3A_211 = vector.shape_cast %get3A_210 : vector<1x16xf32> to vector<16xf32>
      %get3A_212 = arith.constant 40 : i32
      %get3A_213 = arith.index_cast %get3A_212 : i32 to index
      %get3A_214 = arith.index_cast %mul3A_3 : i32 to index
      %get3A_215 = tpu.vector_load %arg4[%get3A_213, %get3A_214] {strides = array<i32>} : memref<64x128xf32, #tpu.memory_space<vmem>>, vector<1x16xf32>,
      %get3A_216 = vector.shape_cast %get3A_215 : vector<1x16xf32> to vector<16xf32>
      %get3A_217 = arith.constant 41 : i32
      %get3A_218 = arith.index_cast %get3A_217 : i32 to index
      %get3A_219 = arith.index_cast %mul3A_3 : i32 to index
      %get3A_220 = tpu.vector_load %arg4[%get3A_218, %get3A_219] {strides = array<i32>} : memref<64x128xf32, #tpu.memory_space<vmem>>, vector<1x16xf32>,
      %get3A_221 = vector.shape_cast %get3A_220 : vector<1x16xf32> to vector<16xf32>
      %get3A_222 = arith.constant 42 : i32
      %get3A_223 = arith.index_cast %get3A_222 : i32 to index
      %get3A_224 = arith.index_cast %mul3A_3 : i32 to index
      %get3A_225 = tpu.vector_load %arg4[%get3A_223, %get3A_224] {strides = array<i32>} : memref<64x128xf32, #tpu.memory_space<vmem>>, vector<1x16xf32>,
      %get3A_226 = vector.shape_cast %get3A_225 : vector<1x16xf32> to vector<16xf32>
      %get3A_227 = arith.constant 43 : i32
      %get3A_228 = arith.index_cast %get3A_227 : i32 to index
      %get3A_229 = arith.index_cast %mul3A_3 : i32 to index
      %get3A_230 = tpu.vector_load %arg4[%get3A_228, %get3A_229] {strides = array<i32>} : memref<64x128xf32, #tpu.memory_space<vmem>>, vector<1x16xf32>,
      %get3A_231 = vector.shape_cast %get3A_230 : vector<1x16xf32> to vector<16xf32>
      %get3A_232 = arith.constant 44 : i32
      %get3A_233 = arith.index_cast %get3A_232 : i32 to index
      %get3A_234 = arith.index_cast %mul3A_3 : i32 to index
      %get3A_235 = tpu.vector_load %arg4[%get3A_233, %get3A_234] {strides = array<i32>} : memref<64x128xf32, #tpu.memory_space<vmem>>, vector<1x16xf32>,
      %get3A_236 = vector.shape_cast %get3A_235 : vector<1x16xf32> to vector<16xf32>
      %get3A_237 = arith.constant 45 : i32
      %get3A_238 = arith.index_cast %get3A_237 : i32 to index
      %get3A_239 = arith.index_cast %mul3A_3 : i32 to index
      %get3A_240 = tpu.vector_load %arg4[%get3A_238, %get3A_239] {strides = array<i32>} : memref<64x128xf32, #tpu.memory_space<vmem>>, vector<1x16xf32>,
      %get3A_241 = vector.shape_cast %get3A_240 : vector<1x16xf32> to vector<16xf32>
      %get3A_242 = arith.constant 46 : i32
      %get3A_243 = arith.index_cast %get3A_242 : i32 to index
      %get3A_244 = arith.index_cast %mul3A_3 : i32 to index
      %get3A_245 = tpu.vector_load %arg4[%get3A_243, %get3A_244] {strides = array<i32>} : memref<64x128xf32, #tpu.memory_space<vmem>>, vector<1x16xf32>,
      %get3A_246 = vector.shape_cast %get3A_245 : vector<1x16xf32> to vector<16xf32>
      %get3A_247 = arith.constant 47 : i32
      %get3A_248 = arith.index_cast %get3A_247 : i32 to index
      %get3A_249 = arith.index_cast %mul3A_3 : i32 to index
      %get3A_250 = tpu.vector_load %arg4[%get3A_248, %get3A_249] {strides = array<i32>} : memref<64x128xf32, #tpu.memory_space<vmem>>, vector<1x16xf32>,
      %get3A_251 = vector.shape_cast %get3A_250 : vector<1x16xf32> to vector<16xf32>
      %get3A_252 = arith.constant 48 : i32
      %get3A_253 = arith.index_cast %get3A_252 : i32 to index
      %get3A_254 = arith.index_cast %mul3A_3 : i32 to index
      %get3A_255 = tpu.vector_load %arg4[%get3A_253, %get3A_254] {strides = array<i32>} : memref<64x128xf32, #tpu.memory_space<vmem>>, vector<1x16xf32>,
      %get3A_256 = vector.shape_cast %get3A_255 : vector<1x16xf32> to vector<16xf32>
      %get3A_257 = arith.constant 49 : i32
      %get3A_258 = arith.index_cast %get3A_257 : i32 to index
      %get3A_259 = arith.index_cast %mul3A_3 : i32 to index
      %get3A_260 = tpu.vector_load %arg4[%get3A_258, %get3A_259] {strides = array<i32>} : memref<64x128xf32, #tpu.memory_space<vmem>>, vector<1x16xf32>,
      %get3A_261 = vector.shape_cast %get3A_260 : vector<1x16xf32> to vector<16xf32>
      %get3A_262 = arith.constant 50 : i32
      %get3A_263 = arith.index_cast %get3A_262 : i32 to index
      %get3A_264 = arith.index_cast %mul3A_3 : i32 to index
      %get3A_265 = tpu.vector_load %arg4[%get3A_263, %get3A_264] {strides = array<i32>} : memref<64x128xf32, #tpu.memory_space<vmem>>, vector<1x16xf32>,
      %get3A_266 = vector.shape_cast %get3A_265 : vector<1x16xf32> to vector<16xf32>
      %get3A_267 = arith.constant 51 : i32
      %get3A_268 = arith.index_cast %get3A_267 : i32 to index
      %get3A_269 = arith.index_cast %mul3A_3 : i32 to index
      %get3A_270 = tpu.vector_load %arg4[%get3A_268, %get3A_269] {strides = array<i32>} : memref<64x128xf32, #tpu.memory_space<vmem>>, vector<1x16xf32>,
      %get3A_271 = vector.shape_cast %get3A_270 : vector<1x16xf32> to vector<16xf32>
      %get3A_272 = arith.constant 52 : i32
      %get3A_273 = arith.index_cast %get3A_272 : i32 to index
      %get3A_274 = arith.index_cast %mul3A_3 : i32 to index
      %get3A_275 = tpu.vector_load %arg4[%get3A_273, %get3A_274] {strides = array<i32>} : memref<64x128xf32, #tpu.memory_space<vmem>>, vector<1x16xf32>,
      %get3A_276 = vector.shape_cast %get3A_275 : vector<1x16xf32> to vector<16xf32>
      %get3A_277 = arith.constant 53 : i32
      %get3A_278 = arith.index_cast %get3A_277 : i32 to index
      %get3A_279 = arith.index_cast %mul3A_3 : i32 to index
      %get3A_280 = tpu.vector_load %arg4[%get3A_278, %get3A_279] {strides = array<i32>} : memref<64x128xf32, #tpu.memory_space<vmem>>, vector<1x16xf32>,
      %get3A_281 = vector.shape_cast %get3A_280 : vector<1x16xf32> to vector<16xf32>
      %get3A_282 = arith.constant 54 : i32
      %get3A_283 = arith.index_cast %get3A_282 : i32 to index
      %get3A_284 = arith.index_cast %mul3A_3 : i32 to index
      %get3A_285 = tpu.vector_load %arg4[%get3A_283, %get3A_284] {strides = array<i32>} : memref<64x128xf32, #tpu.memory_space<vmem>>, vector<1x16xf32>,
      %get3A_286 = vector.shape_cast %get3A_285 : vector<1x16xf32> to vector<16xf32>
      %get3A_287 = arith.constant 55 : i32
      %get3A_288 = arith.index_cast %get3A_287 : i32 to index
      %get3A_289 = arith.index_cast %mul3A_3 : i32 to index
      %get3A_290 = tpu.vector_load %arg4[%get3A_288, %get3A_289] {strides = array<i32>} : memref<64x128xf32, #tpu.memory_space<vmem>>, vector<1x16xf32>,
      %get3A_291 = vector.shape_cast %get3A_290 : vector<1x16xf32> to vector<16xf32>
      %get3A_292 = arith.constant 56 : i32
      %get3A_293 = arith.index_cast %get3A_292 : i32 to index
      %get3A_294 = arith.index_cast %mul3A_3 : i32 to index
      %get3A_295 = tpu.vector_load %arg4[%get3A_293, %get3A_294] {strides = array<i32>} : memref<64x128xf32, #tpu.memory_space<vmem>>, vector<1x16xf32>,
      %get3A_296 = vector.shape_cast %get3A_295 : vector<1x16xf32> to vector<16xf32>
      %get3A_297 = arith.constant 57 : i32
      %get3A_298 = arith.index_cast %get3A_297 : i32 to index
      %get3A_299 = arith.index_cast %mul3A_3 : i32 to index
      %get3A_300 = tpu.vector_load %arg4[%get3A_298, %get3A_299] {strides = array<i32>} : memref<64x128xf32, #tpu.memory_space<vmem>>, vector<1x16xf32>,
      %get3A_301 = vector.shape_cast %get3A_300 : vector<1x16xf32> to vector<16xf32>
      %get3A_302 = arith.constant 58 : i32
      %get3A_303 = arith.index_cast %get3A_302 : i32 to index
      %get3A_304 = arith.index_cast %mul3A_3 : i32 to index
      %get3A_305 = tpu.vector_load %arg4[%get3A_303, %get3A_304] {strides = array<i32>} : memref<64x128xf32, #tpu.memory_space<vmem>>, vector<1x16xf32>,
      %get3A_306 = vector.shape_cast %get3A_305 : vector<1x16xf32> to vector<16xf32>
      %get3A_307 = arith.constant 59 : i32
      %get3A_308 = arith.index_cast %get3A_307 : i32 to index
      %get3A_309 = arith.index_cast %mul3A_3 : i32 to index
      %get3A_310 = tpu.vector_load %arg4[%get3A_308, %get3A_309] {strides = array<i32>} : memref<64x128xf32, #tpu.memory_space<vmem>>, vector<1x16xf32>,
      %get3A_311 = vector.shape_cast %get3A_310 : vector<1x16xf32> to vector<16xf32>
      %get3A_312 = arith.constant 60 : i32
      %get3A_313 = arith.index_cast %get3A_312 : i32 to index
      %get3A_314 = arith.index_cast %mul3A_3 : i32 to index
      %get3A_315 = tpu.vector_load %arg4[%get3A_313, %get3A_314] {strides = array<i32>} : memref<64x128xf32, #tpu.memory_space<vmem>>, vector<1x16xf32>,
      %get3A_316 = vector.shape_cast %get3A_315 : vector<1x16xf32> to vector<16xf32>
      %get3A_317 = arith.constant 61 : i32
      %get3A_318 = arith.index_cast %get3A_317 : i32 to index
      %get3A_319 = arith.index_cast %mul3A_3 : i32 to index
      %get3A_320 = tpu.vector_load %arg4[%get3A_318, %get3A_319] {strides = array<i32>} : memref<64x128xf32, #tpu.memory_space<vmem>>, vector<1x16xf32>,
      %get3A_321 = vector.shape_cast %get3A_320 : vector<1x16xf32> to vector<16xf32>
      %get3A_322 = arith.constant 62 : i32
      %get3A_323 = arith.index_cast %get3A_322 : i32 to index
      %get3A_324 = arith.index_cast %mul3A_3 : i32 to index
      %get3A_325 = tpu.vector_load %arg4[%get3A_323, %get3A_324] {strides = array<i32>} : memref<64x128xf32, #tpu.memory_space<vmem>>, vector<1x16xf32>,
      %get3A_326 = vector.shape_cast %get3A_325 : vector<1x16xf32> to vector<16xf32>
      %get3A_327 = arith.constant 63 : i32
      %get3A_328 = arith.index_cast %get3A_327 : i32 to index
      %get3A_329 = arith.index_cast %mul3A_3 : i32 to index
      %get3A_330 = tpu.vector_load %arg4[%get3A_328, %get3A_329] {strides = array<i32>} : memref<64x128xf32, #tpu.memory_space<vmem>>, vector<1x16xf32>,
      %get3A_331 = vector.shape_cast %get3A_330 : vector<1x16xf32> to vector<16xf32>
      %max3A = arith.maximumf %get3A_16, %get3A_21 : vector<16xf32>
      %max3A_332 = arith.maximumf %max3A, %get3A_26 : vector<16xf32>
      %max3A_333 = arith.maximumf %max3A_332, %get3A_31 : vector<16xf32>
      %max3A_334 = arith.maximumf %max3A_333, %get3A_36 : vector<16xf32>
      %max3A_335 = arith.maximumf %max3A_334, %get3A_41 : vector<16xf32>
      %max3A_336 = arith.maximumf %max3A_335, %get3A_46 : vector<16xf32>
      %max3A_337 = arith.maximumf %max3A_336, %get3A_51 : vector<16xf32>
      %max3A_338 = arith.maximumf %max3A_337, %get3A_56 : vector<16xf32>
      %max3A_339 = arith.maximumf %max3A_338, %get3A_61 : vector<16xf32>
      %max3A_340 = arith.maximumf %max3A_339, %get3A_66 : vector<16xf32>
      %max3A_341 = arith.maximumf %max3A_340, %get3A_71 : vector<16xf32>
      %max3A_342 = arith.maximumf %max3A_341, %get3A_76 : vector<16xf32>
      %max3A_343 = arith.maximumf %max3A_342, %get3A_81 : vector<16xf32>
      %max3A_344 = arith.maximumf %max3A_343, %get3A_86 : vector<16xf32>
      %max3A_345 = arith.maximumf %max3A_344, %get3A_91 : vector<16xf32>
      %max3A_346 = arith.maximumf %max3A_345, %get3A_96 : vector<16xf32>
      %max3A_347 = arith.maximumf %max3A_346, %get3A_101 : vector<16xf32>
      %max3A_348 = arith.maximumf %max3A_347, %get3A_106 : vector<16xf32>
      %max3A_349 = arith.maximumf %max3A_348, %get3A_111 : vector<16xf32>
      %max3A_350 = arith.maximumf %max3A_349, %get3A_116 : vector<16xf32>
      %max3A_351 = arith.maximumf %max3A_350, %get3A_121 : vector<16xf32>
      %max3A_352 = arith.maximumf %max3A_351, %get3A_126 : vector<16xf32>
      %max3A_353 = arith.maximumf %max3A_352, %get3A_131 : vector<16xf32>
      %max3A_354 = arith.maximumf %max3A_353, %get3A_136 : vector<16xf32>
      %max3A_355 = arith.maximumf %max3A_354, %get3A_141 : vector<16xf32>
      %max3A_356 = arith.maximumf %max3A_355, %get3A_146 : vector<16xf32>
      %max3A_357 = arith.maximumf %max3A_356, %get3A_151 : vector<16xf32>
      %max3A_358 = arith.maximumf %max3A_357, %get3A_156 : vector<16xf32>
      %max3A_359 = arith.maximumf %max3A_358, %get3A_161 : vector<16xf32>
      %max3A_360 = arith.maximumf %max3A_359, %get3A_166 : vector<16xf32>
      %max3A_361 = arith.maximumf %max3A_360, %get3A_171 : vector<16xf32>
      %max3A_362 = arith.maximumf %max3A_361, %get3A_176 : vector<16xf32>
      %max3A_363 = arith.maximumf %max3A_362, %get3A_181 : vector<16xf32>
      %max3A_364 = arith.maximumf %max3A_363, %get3A_186 : vector<16xf32>
      %max3A_365 = arith.maximumf %max3A_364, %get3A_191 : vector<16xf32>
      %max3A_366 = arith.maximumf %max3A_365, %get3A_196 : vector<16xf32>
      %max3A_367 = arith.maximumf %max3A_366, %get3A_201 : vector<16xf32>
      %max3A_368 = arith.maximumf %max3A_367, %get3A_206 : vector<16xf32>
      %max3A_369 = arith.maximumf %max3A_368, %get3A_211 : vector<16xf32>
      %max3A_370 = arith.maximumf %max3A_369, %get3A_216 : vector<16xf32>
      %max3A_371 = arith.maximumf %max3A_370, %get3A_221 : vector<16xf32>
      %max3A_372 = arith.maximumf %max3A_371, %get3A_226 : vector<16xf32>
      %max3A_373 = arith.maximumf %max3A_372, %get3A_231 : vector<16xf32>
      %max3A_374 = arith.maximumf %max3A_373, %get3A_236 : vector<16xf32>
      %max3A_375 = arith.maximumf %max3A_374, %get3A_241 : vector<16xf32>
      %max3A_376 = arith.maximumf %max3A_375, %get3A_246 : vector<16xf32>
      %max3A_377 = arith.maximumf %max3A_376, %get3A_251 : vector<16xf32>
      %max3A_378 = arith.maximumf %max3A_377, %get3A_256 : vector<16xf32>
      %max3A_379 = arith.maximumf %max3A_378, %get3A_261 : vector<16xf32>
      %max3A_380 = arith.maximumf %max3A_379, %get3A_266 : vector<16xf32>
      %max3A_381 = arith.maximumf %max3A_380, %get3A_271 : vector<16xf32>
      %max3A_382 = arith.maximumf %max3A_381, %get3A_276 : vector<16xf32>
      %max3A_383 = arith.maximumf %max3A_382, %get3A_281 : vector<16xf32>
      %max3A_384 = arith.maximumf %max3A_383, %get3A_286 : vector<16xf32>
      %max3A_385 = arith.maximumf %max3A_384, %get3A_291 : vector<16xf32>
      %max3A_386 = arith.maximumf %max3A_385, %get3A_296 : vector<16xf32>
      %max3A_387 = arith.maximumf %max3A_386, %get3A_301 : vector<16xf32>
      %max3A_388 = arith.maximumf %max3A_387, %get3A_306 : vector<16xf32>
      %max3A_389 = arith.maximumf %max3A_388, %get3A_311 : vector<16xf32>
      %max3A_390 = arith.maximumf %max3A_389, %get3A_316 : vector<16xf32>
      %max3A_391 = arith.maximumf %max3A_390, %get3A_321 : vector<16xf32>
      %max3A_392 = arith.maximumf %max3A_391, %get3A_326 : vector<16xf32>
      %max3A_393 = arith.maximumf %max3A_392, %get3A_331 : vector<16xf32>
      %broadcast_in_dim3A = arith.constant 64 : i32
      %broadcast_in_dim3A_394 = vector.broadcast %broadcast_in_dim3A : i32 to vector<16xi32>
      %eq3A_395 = arith.cmpf oeq, %get3A_16, %max3A_393 : vector<16xf32>
      %jit3A = arith.constant 0 : i32
      %jit3A_396 = arith.constant 64 : i32
      %broadcast_in_dim3A_397 = vector.broadcast %jit3A : i32 to vector<16xi32>
      %broadcast_in_dim3A_398 = vector.broadcast %jit3A_396 : i32 to vector<16xi32>
      %select_n3A = arith.select %eq3A_395, %broadcast_in_dim3A_397, %broadcast_in_dim3A_398 : vector<16xi1>, vector<16xi32>
      %min3A_399 = arith.minsi %broadcast_in_dim3A_394, %select_n3A : vector<16xi32>
      %eq3A_400 = arith.cmpf oeq, %get3A_21, %max3A_393 : vector<16xf32>
      %jit3A_401 = arith.constant 1 : i32
      %jit3A_402 = arith.constant 64 : i32
      %broadcast_in_dim3A_403 = vector.broadcast %jit3A_401 : i32 to vector<16xi32>
      %broadcast_in_dim3A_404 = vector.broadcast %jit3A_402 : i32 to vector<16xi32>
      %select_n3A_405 = arith.select %eq3A_400, %broadcast_in_dim3A_403, %broadcast_in_dim3A_404 : vector<16xi1>, vector<16xi32>
      %min3A_406 = arith.minsi %min3A_399, %select_n3A_405 : vector<16xi32>
      %eq3A_407 = arith.cmpf oeq, %get3A_26, %max3A_393 : vector<16xf32>
      %jit3A_408 = arith.constant 2 : i32
      %jit3A_409 = arith.constant 64 : i32
      %broadcast_in_dim3A_410 = vector.broadcast %jit3A_408 : i32 to vector<16xi32>
      %broadcast_in_dim3A_411 = vector.broadcast %jit3A_409 : i32 to vector<16xi32>
      %select_n3A_412 = arith.select %eq3A_407, %broadcast_in_dim3A_410, %broadcast_in_dim3A_411 : vector<16xi1>, vector<16xi32>
      %min3A_413 = arith.minsi %min3A_406, %select_n3A_412 : vector<16xi32>
      %eq3A_414 = arith.cmpf oeq, %get3A_31, %max3A_393 : vector<16xf32>
      %jit3A_415 = arith.constant 3 : i32
      %jit3A_416 = arith.constant 64 : i32
      %broadcast_in_dim3A_417 = vector.broadcast %jit3A_415 : i32 to vector<16xi32>
      %broadcast_in_dim3A_418 = vector.broadcast %jit3A_416 : i32 to vector<16xi32>
      %select_n3A_419 = arith.select %eq3A_414, %broadcast_in_dim3A_417, %broadcast_in_dim3A_418 : vector<16xi1>, vector<16xi32>
      %min3A_420 = arith.minsi %min3A_413, %select_n3A_419 : vector<16xi32>
      %eq3A_421 = arith.cmpf oeq, %get3A_36, %max3A_393 : vector<16xf32>
      %jit3A_422 = arith.constant 4 : i32
      %jit3A_423 = arith.constant 64 : i32
      %broadcast_in_dim3A_424 = vector.broadcast %jit3A_422 : i32 to vector<16xi32>
      %broadcast_in_dim3A_425 = vector.broadcast %jit3A_423 : i32 to vector<16xi32>
      %select_n3A_426 = arith.select %eq3A_421, %broadcast_in_dim3A_424, %broadcast_in_dim3A_425 : vector<16xi1>, vector<16xi32>
      %min3A_427 = arith.minsi %min3A_420, %select_n3A_426 : vector<16xi32>
      %eq3A_428 = arith.cmpf oeq, %get3A_41, %max3A_393 : vector<16xf32>
      %jit3A_429 = arith.constant 5 : i32
      %jit3A_430 = arith.constant 64 : i32
      %broadcast_in_dim3A_431 = vector.broadcast %jit3A_429 : i32 to vector<16xi32>
      %broadcast_in_dim3A_432 = vector.broadcast %jit3A_430 : i32 to vector<16xi32>
      %select_n3A_433 = arith.select %eq3A_428, %broadcast_in_dim3A_431, %broadcast_in_dim3A_432 : vector<16xi1>, vector<16xi32>
      %min3A_434 = arith.minsi %min3A_427, %select_n3A_433 : vector<16xi32>
      %eq3A_435 = arith.cmpf oeq, %get3A_46, %max3A_393 : vector<16xf32>
      %jit3A_436 = arith.constant 6 : i32
      %jit3A_437 = arith.constant 64 : i32
      %broadcast_in_dim3A_438 = vector.broadcast %jit3A_436 : i32 to vector<16xi32>
      %broadcast_in_dim3A_439 = vector.broadcast %jit3A_437 : i32 to vector<16xi32>
      %select_n3A_440 = arith.select %eq3A_435, %broadcast_in_dim3A_438, %broadcast_in_dim3A_439 : vector<16xi1>, vector<16xi32>
      %min3A_441 = arith.minsi %min3A_434, %select_n3A_440 : vector<16xi32>
      %eq3A_442 = arith.cmpf oeq, %get3A_51, %max3A_393 : vector<16xf32>
      %jit3A_443 = arith.constant 7 : i32
      %jit3A_444 = arith.constant 64 : i32
      %broadcast_in_dim3A_445 = vector.broadcast %jit3A_443 : i32 to vector<16xi32>
      %broadcast_in_dim3A_446 = vector.broadcast %jit3A_444 : i32 to vector<16xi32>
      %select_n3A_447 = arith.select %eq3A_442, %broadcast_in_dim3A_445, %broadcast_in_dim3A_446 : vector<16xi1>, vector<16xi32>
      %min3A_448 = arith.minsi %min3A_441, %select_n3A_447 : vector<16xi32>
      %eq3A_449 = arith.cmpf oeq, %get3A_56, %max3A_393 : vector<16xf32>
      %jit3A_450 = arith.constant 8 : i32
      %jit3A_451 = arith.constant 64 : i32
      %broadcast_in_dim3A_452 = vector.broadcast %jit3A_450 : i32 to vector<16xi32>
      %broadcast_in_dim3A_453 = vector.broadcast %jit3A_451 : i32 to vector<16xi32>
      %select_n3A_454 = arith.select %eq3A_449, %broadcast_in_dim3A_452, %broadcast_in_dim3A_453 : vector<16xi1>, vector<16xi32>
      %min3A_455 = arith.minsi %min3A_448, %select_n3A_454 : vector<16xi32>
      %eq3A_456 = arith.cmpf oeq, %get3A_61, %max3A_393 : vector<16xf32>
      %jit3A_457 = arith.constant 9 : i32
      %jit3A_458 = arith.constant 64 : i32
      %broadcast_in_dim3A_459 = vector.broadcast %jit3A_457 : i32 to vector<16xi32>
      %broadcast_in_dim3A_460 = vector.broadcast %jit3A_458 : i32 to vector<16xi32>
      %select_n3A_461 = arith.select %eq3A_456, %broadcast_in_dim3A_459, %broadcast_in_dim3A_460 : vector<16xi1>, vector<16xi32>
      %min3A_462 = arith.minsi %min3A_455, %select_n3A_461 : vector<16xi32>
      %eq3A_463 = arith.cmpf oeq, %get3A_66, %max3A_393 : vector<16xf32>
      %jit3A_464 = arith.constant 10 : i32
      %jit3A_465 = arith.constant 64 : i32
      %broadcast_in_dim3A_466 = vector.broadcast %jit3A_464 : i32 to vector<16xi32>
      %broadcast_in_dim3A_467 = vector.broadcast %jit3A_465 : i32 to vector<16xi32>
      %select_n3A_468 = arith.select %eq3A_463, %broadcast_in_dim3A_466, %broadcast_in_dim3A_467 : vector<16xi1>, vector<16xi32>
      %min3A_469 = arith.minsi %min3A_462, %select_n3A_468 : vector<16xi32>
      %eq3A_470 = arith.cmpf oeq, %get3A_71, %max3A_393 : vector<16xf32>
      %jit3A_471 = arith.constant 11 : i32
      %jit3A_472 = arith.constant 64 : i32
      %broadcast_in_dim3A_473 = vector.broadcast %jit3A_471 : i32 to vector<16xi32>
      %broadcast_in_dim3A_474 = vector.broadcast %jit3A_472 : i32 to vector<16xi32>
      %select_n3A_475 = arith.select %eq3A_470, %broadcast_in_dim3A_473, %broadcast_in_dim3A_474 : vector<16xi1>, vector<16xi32>
      %min3A_476 = arith.minsi %min3A_469, %select_n3A_475 : vector<16xi32>
      %eq3A_477 = arith.cmpf oeq, %get3A_76, %max3A_393 : vector<16xf32>
      %jit3A_478 = arith.constant 12 : i32
      %jit3A_479 = arith.constant 64 : i32
      %broadcast_in_dim3A_480 = vector.broadcast %jit3A_478 : i32 to vector<16xi32>
      %broadcast_in_dim3A_481 = vector.broadcast %jit3A_479 : i32 to vector<16xi32>
      %select_n3A_482 = arith.select %eq3A_477, %broadcast_in_dim3A_480, %broadcast_in_dim3A_481 : vector<16xi1>, vector<16xi32>
      %min3A_483 = arith.minsi %min3A_476, %select_n3A_482 : vector<16xi32>
      %eq3A_484 = arith.cmpf oeq, %get3A_81, %max3A_393 : vector<16xf32>
      %jit3A_485 = arith.constant 13 : i32
      %jit3A_486 = arith.constant 64 : i32
      %broadcast_in_dim3A_487 = vector.broadcast %jit3A_485 : i32 to vector<16xi32>
      %broadcast_in_dim3A_488 = vector.broadcast %jit3A_486 : i32 to vector<16xi32>
      %select_n3A_489 = arith.select %eq3A_484, %broadcast_in_dim3A_487, %broadcast_in_dim3A_488 : vector<16xi1>, vector<16xi32>
      %min3A_490 = arith.minsi %min3A_483, %select_n3A_489 : vector<16xi32>
      %eq3A_491 = arith.cmpf oeq, %get3A_86, %max3A_393 : vector<16xf32>
      %jit3A_492 = arith.constant 14 : i32
      %jit3A_493 = arith.constant 64 : i32
      %broadcast_in_dim3A_494 = vector.broadcast %jit3A_492 : i32 to vector<16xi32>
      %broadcast_in_dim3A_495 = vector.broadcast %jit3A_493 : i32 to vector<16xi32>
      %select_n3A_496 = arith.select %eq3A_491, %broadcast_in_dim3A_494, %broadcast_in_dim3A_495 : vector<16xi1>, vector<16xi32>
      %min3A_497 = arith.minsi %min3A_490, %select_n3A_496 : vector<16xi32>
      %eq3A_498 = arith.cmpf oeq, %get3A_91, %max3A_393 : vector<16xf32>
      %jit3A_499 = arith.constant 15 : i32
      %jit3A_500 = arith.constant 64 : i32
      %broadcast_in_dim3A_501 = vector.broadcast %jit3A_499 : i32 to vector<16xi32>
      %broadcast_in_dim3A_502 = vector.broadcast %jit3A_500 : i32 to vector<16xi32>
      %select_n3A_503 = arith.select %eq3A_498, %broadcast_in_dim3A_501, %broadcast_in_dim3A_502 : vector<16xi1>, vector<16xi32>
      %min3A_504 = arith.minsi %min3A_497, %select_n3A_503 : vector<16xi32>
      %eq3A_505 = arith.cmpf oeq, %get3A_96, %max3A_393 : vector<16xf32>
      %jit3A_506 = arith.constant 16 : i32
      %jit3A_507 = arith.constant 64 : i32
      %broadcast_in_dim3A_508 = vector.broadcast %jit3A_506 : i32 to vector<16xi32>
      %broadcast_in_dim3A_509 = vector.broadcast %jit3A_507 : i32 to vector<16xi32>
      %select_n3A_510 = arith.select %eq3A_505, %broadcast_in_dim3A_508, %broadcast_in_dim3A_509 : vector<16xi1>, vector<16xi32>
      %min3A_511 = arith.minsi %min3A_504, %select_n3A_510 : vector<16xi32>
      %eq3A_512 = arith.cmpf oeq, %get3A_101, %max3A_393 : vector<16xf32>
      %jit3A_513 = arith.constant 17 : i32
      %jit3A_514 = arith.constant 64 : i32
      %broadcast_in_dim3A_515 = vector.broadcast %jit3A_513 : i32 to vector<16xi32>
      %broadcast_in_dim3A_516 = vector.broadcast %jit3A_514 : i32 to vector<16xi32>
      %select_n3A_517 = arith.select %eq3A_512, %broadcast_in_dim3A_515, %broadcast_in_dim3A_516 : vector<16xi1>, vector<16xi32>
      %min3A_518 = arith.minsi %min3A_511, %select_n3A_517 : vector<16xi32>
      %eq3A_519 = arith.cmpf oeq, %get3A_106, %max3A_393 : vector<16xf32>
      %jit3A_520 = arith.constant 18 : i32
      %jit3A_521 = arith.constant 64 : i32
      %broadcast_in_dim3A_522 = vector.broadcast %jit3A_520 : i32 to vector<16xi32>
      %broadcast_in_dim3A_523 = vector.broadcast %jit3A_521 : i32 to vector<16xi32>
      %select_n3A_524 = arith.select %eq3A_519, %broadcast_in_dim3A_522, %broadcast_in_dim3A_523 : vector<16xi1>, vector<16xi32>
      %min3A_525 = arith.minsi %min3A_518, %select_n3A_524 : vector<16xi32>
      %eq3A_526 = arith.cmpf oeq, %get3A_111, %max3A_393 : vector<16xf32>
      %jit3A_527 = arith.constant 19 : i32
      %jit3A_528 = arith.constant 64 : i32
      %broadcast_in_dim3A_529 = vector.broadcast %jit3A_527 : i32 to vector<16xi32>
      %broadcast_in_dim3A_530 = vector.broadcast %jit3A_528 : i32 to vector<16xi32>
      %select_n3A_531 = arith.select %eq3A_526, %broadcast_in_dim3A_529, %broadcast_in_dim3A_530 : vector<16xi1>, vector<16xi32>
      %min3A_532 = arith.minsi %min3A_525, %select_n3A_531 : vector<16xi32>
      %eq3A_533 = arith.cmpf oeq, %get3A_116, %max3A_393 : vector<16xf32>
      %jit3A_534 = arith.constant 20 : i32
      %jit3A_535 = arith.constant 64 : i32
      %broadcast_in_dim3A_536 = vector.broadcast %jit3A_534 : i32 to vector<16xi32>
      %broadcast_in_dim3A_537 = vector.broadcast %jit3A_535 : i32 to vector<16xi32>
      %select_n3A_538 = arith.select %eq3A_533, %broadcast_in_dim3A_536, %broadcast_in_dim3A_537 : vector<16xi1>, vector<16xi32>
      %min3A_539 = arith.minsi %min3A_532, %select_n3A_538 : vector<16xi32>
      %eq3A_540 = arith.cmpf oeq, %get3A_121, %max3A_393 : vector<16xf32>
      %jit3A_541 = arith.constant 21 : i32
      %jit3A_542 = arith.constant 64 : i32
      %broadcast_in_dim3A_543 = vector.broadcast %jit3A_541 : i32 to vector<16xi32>
      %broadcast_in_dim3A_544 = vector.broadcast %jit3A_542 : i32 to vector<16xi32>
      %select_n3A_545 = arith.select %eq3A_540, %broadcast_in_dim3A_543, %broadcast_in_dim3A_544 : vector<16xi1>, vector<16xi32>
      %min3A_546 = arith.minsi %min3A_539, %select_n3A_545 : vector<16xi32>
      %eq3A_547 = arith.cmpf oeq, %get3A_126, %max3A_393 : vector<16xf32>
      %jit3A_548 = arith.constant 22 : i32
      %jit3A_549 = arith.constant 64 : i32
      %broadcast_in_dim3A_550 = vector.broadcast %jit3A_548 : i32 to vector<16xi32>
      %broadcast_in_dim3A_551 = vector.broadcast %jit3A_549 : i32 to vector<16xi32>
      %select_n3A_552 = arith.select %eq3A_547, %broadcast_in_dim3A_550, %broadcast_in_dim3A_551 : vector<16xi1>, vector<16xi32>
      %min3A_553 = arith.minsi %min3A_546, %select_n3A_552 : vector<16xi32>
      %eq3A_554 = arith.cmpf oeq, %get3A_131, %max3A_393 : vector<16xf32>
      %jit3A_555 = arith.constant 23 : i32
      %jit3A_556 = arith.constant 64 : i32
      %broadcast_in_dim3A_557 = vector.broadcast %jit3A_555 : i32 to vector<16xi32>
      %broadcast_in_dim3A_558 = vector.broadcast %jit3A_556 : i32 to vector<16xi32>
      %select_n3A_559 = arith.select %eq3A_554, %broadcast_in_dim3A_557, %broadcast_in_dim3A_558 : vector<16xi1>, vector<16xi32>
      %min3A_560 = arith.minsi %min3A_553, %select_n3A_559 : vector<16xi32>
      %eq3A_561 = arith.cmpf oeq, %get3A_136, %max3A_393 : vector<16xf32>
      %jit3A_562 = arith.constant 24 : i32
      %jit3A_563 = arith.constant 64 : i32
      %broadcast_in_dim3A_564 = vector.broadcast %jit3A_562 : i32 to vector<16xi32>
      %broadcast_in_dim3A_565 = vector.broadcast %jit3A_563 : i32 to vector<16xi32>
      %select_n3A_566 = arith.select %eq3A_561, %broadcast_in_dim3A_564, %broadcast_in_dim3A_565 : vector<16xi1>, vector<16xi32>
      %min3A_567 = arith.minsi %min3A_560, %select_n3A_566 : vector<16xi32>
      %eq3A_568 = arith.cmpf oeq, %get3A_141, %max3A_393 : vector<16xf32>
      %jit3A_569 = arith.constant 25 : i32
      %jit3A_570 = arith.constant 64 : i32
      %broadcast_in_dim3A_571 = vector.broadcast %jit3A_569 : i32 to vector<16xi32>
      %broadcast_in_dim3A_572 = vector.broadcast %jit3A_570 : i32 to vector<16xi32>
      %select_n3A_573 = arith.select %eq3A_568, %broadcast_in_dim3A_571, %broadcast_in_dim3A_572 : vector<16xi1>, vector<16xi32>
      %min3A_574 = arith.minsi %min3A_567, %select_n3A_573 : vector<16xi32>
      %eq3A_575 = arith.cmpf oeq, %get3A_146, %max3A_393 : vector<16xf32>
      %jit3A_576 = arith.constant 26 : i32
      %jit3A_577 = arith.constant 64 : i32
      %broadcast_in_dim3A_578 = vector.broadcast %jit3A_576 : i32 to vector<16xi32>
      %broadcast_in_dim3A_579 = vector.broadcast %jit3A_577 : i32 to vector<16xi32>
      %select_n3A_580 = arith.select %eq3A_575, %broadcast_in_dim3A_578, %broadcast_in_dim3A_579 : vector<16xi1>, vector<16xi32>
      %min3A_581 = arith.minsi %min3A_574, %select_n3A_580 : vector<16xi32>
      %eq3A_582 = arith.cmpf oeq, %get3A_151, %max3A_393 : vector<16xf32>
      %jit3A_583 = arith.constant 27 : i32
      %jit3A_584 = arith.constant 64 : i32
      %broadcast_in_dim3A_585 = vector.broadcast %jit3A_583 : i32 to vector<16xi32>
      %broadcast_in_dim3A_586 = vector.broadcast %jit3A_584 : i32 to vector<16xi32>
      %select_n3A_587 = arith.select %eq3A_582, %broadcast_in_dim3A_585, %broadcast_in_dim3A_586 : vector<16xi1>, vector<16xi32>
      %min3A_588 = arith.minsi %min3A_581, %select_n3A_587 : vector<16xi32>
      %eq3A_589 = arith.cmpf oeq, %get3A_156, %max3A_393 : vector<16xf32>
      %jit3A_590 = arith.constant 28 : i32
      %jit3A_591 = arith.constant 64 : i32
      %broadcast_in_dim3A_592 = vector.broadcast %jit3A_590 : i32 to vector<16xi32>
      %broadcast_in_dim3A_593 = vector.broadcast %jit3A_591 : i32 to vector<16xi32>
      %select_n3A_594 = arith.select %eq3A_589, %broadcast_in_dim3A_592, %broadcast_in_dim3A_593 : vector<16xi1>, vector<16xi32>
      %min3A_595 = arith.minsi %min3A_588, %select_n3A_594 : vector<16xi32>
      %eq3A_596 = arith.cmpf oeq, %get3A_161, %max3A_393 : vector<16xf32>
      %jit3A_597 = arith.constant 29 : i32
      %jit3A_598 = arith.constant 64 : i32
      %broadcast_in_dim3A_599 = vector.broadcast %jit3A_597 : i32 to vector<16xi32>
      %broadcast_in_dim3A_600 = vector.broadcast %jit3A_598 : i32 to vector<16xi32>
      %select_n3A_601 = arith.select %eq3A_596, %broadcast_in_dim3A_599, %broadcast_in_dim3A_600 : vector<16xi1>, vector<16xi32>
      %min3A_602 = arith.minsi %min3A_595, %select_n3A_601 : vector<16xi32>
      %eq3A_603 = arith.cmpf oeq, %get3A_166, %max3A_393 : vector<16xf32>
      %jit3A_604 = arith.constant 30 : i32
      %jit3A_605 = arith.constant 64 : i32
      %broadcast_in_dim3A_606 = vector.broadcast %jit3A_604 : i32 to vector<16xi32>
      %broadcast_in_dim3A_607 = vector.broadcast %jit3A_605 : i32 to vector<16xi32>
      %select_n3A_608 = arith.select %eq3A_603, %broadcast_in_dim3A_606, %broadcast_in_dim3A_607 : vector<16xi1>, vector<16xi32>
      %min3A_609 = arith.minsi %min3A_602, %select_n3A_608 : vector<16xi32>
      %eq3A_610 = arith.cmpf oeq, %get3A_171, %max3A_393 : vector<16xf32>
      %jit3A_611 = arith.constant 31 : i32
      %jit3A_612 = arith.constant 64 : i32
      %broadcast_in_dim3A_613 = vector.broadcast %jit3A_611 : i32 to vector<16xi32>
      %broadcast_in_dim3A_614 = vector.broadcast %jit3A_612 : i32 to vector<16xi32>
      %select_n3A_615 = arith.select %eq3A_610, %broadcast_in_dim3A_613, %broadcast_in_dim3A_614 : vector<16xi1>, vector<16xi32>
      %min3A_616 = arith.minsi %min3A_609, %select_n3A_615 : vector<16xi32>
      %eq3A_617 = arith.cmpf oeq, %get3A_176, %max3A_393 : vector<16xf32>
      %jit3A_618 = arith.constant 32 : i32
      %jit3A_619 = arith.constant 64 : i32
      %broadcast_in_dim3A_620 = vector.broadcast %jit3A_618 : i32 to vector<16xi32>
      %broadcast_in_dim3A_621 = vector.broadcast %jit3A_619 : i32 to vector<16xi32>
      %select_n3A_622 = arith.select %eq3A_617, %broadcast_in_dim3A_620, %broadcast_in_dim3A_621 : vector<16xi1>, vector<16xi32>
      %min3A_623 = arith.minsi %min3A_616, %select_n3A_622 : vector<16xi32>
      %eq3A_624 = arith.cmpf oeq, %get3A_181, %max3A_393 : vector<16xf32>
      %jit3A_625 = arith.constant 33 : i32
      %jit3A_626 = arith.constant 64 : i32
      %broadcast_in_dim3A_627 = vector.broadcast %jit3A_625 : i32 to vector<16xi32>
      %broadcast_in_dim3A_628 = vector.broadcast %jit3A_626 : i32 to vector<16xi32>
      %select_n3A_629 = arith.select %eq3A_624, %broadcast_in_dim3A_627, %broadcast_in_dim3A_628 : vector<16xi1>, vector<16xi32>
      %min3A_630 = arith.minsi %min3A_623, %select_n3A_629 : vector<16xi32>
      %eq3A_631 = arith.cmpf oeq, %get3A_186, %max3A_393 : vector<16xf32>
      %jit3A_632 = arith.constant 34 : i32
      %jit3A_633 = arith.constant 64 : i32
      %broadcast_in_dim3A_634 = vector.broadcast %jit3A_632 : i32 to vector<16xi32>
      %broadcast_in_dim3A_635 = vector.broadcast %jit3A_633 : i32 to vector<16xi32>
      %select_n3A_636 = arith.select %eq3A_631, %broadcast_in_dim3A_634, %broadcast_in_dim3A_635 : vector<16xi1>, vector<16xi32>
      %min3A_637 = arith.minsi %min3A_630, %select_n3A_636 : vector<16xi32>
      %eq3A_638 = arith.cmpf oeq, %get3A_191, %max3A_393 : vector<16xf32>
      %jit3A_639 = arith.constant 35 : i32
      %jit3A_640 = arith.constant 64 : i32
      %broadcast_in_dim3A_641 = vector.broadcast %jit3A_639 : i32 to vector<16xi32>
      %broadcast_in_dim3A_642 = vector.broadcast %jit3A_640 : i32 to vector<16xi32>
      %select_n3A_643 = arith.select %eq3A_638, %broadcast_in_dim3A_641, %broadcast_in_dim3A_642 : vector<16xi1>, vector<16xi32>
      %min3A_644 = arith.minsi %min3A_637, %select_n3A_643 : vector<16xi32>
      %eq3A_645 = arith.cmpf oeq, %get3A_196, %max3A_393 : vector<16xf32>
      %jit3A_646 = arith.constant 36 : i32
      %jit3A_647 = arith.constant 64 : i32
      %broadcast_in_dim3A_648 = vector.broadcast %jit3A_646 : i32 to vector<16xi32>
      %broadcast_in_dim3A_649 = vector.broadcast %jit3A_647 : i32 to vector<16xi32>
      %select_n3A_650 = arith.select %eq3A_645, %broadcast_in_dim3A_648, %broadcast_in_dim3A_649 : vector<16xi1>, vector<16xi32>
      %min3A_651 = arith.minsi %min3A_644, %select_n3A_650 : vector<16xi32>
      %eq3A_652 = arith.cmpf oeq, %get3A_201, %max3A_393 : vector<16xf32>
      %jit3A_653 = arith.constant 37 : i32
      %jit3A_654 = arith.constant 64 : i32
      %broadcast_in_dim3A_655 = vector.broadcast %jit3A_653 : i32 to vector<16xi32>
      %broadcast_in_dim3A_656 = vector.broadcast %jit3A_654 : i32 to vector<16xi32>
      %select_n3A_657 = arith.select %eq3A_652, %broadcast_in_dim3A_655, %broadcast_in_dim3A_656 : vector<16xi1>, vector<16xi32>
      %min3A_658 = arith.minsi %min3A_651, %select_n3A_657 : vector<16xi32>
      %eq3A_659 = arith.cmpf oeq, %get3A_206, %max3A_393 : vector<16xf32>
      %jit3A_660 = arith.constant 38 : i32
      %jit3A_661 = arith.constant 64 : i32
      %broadcast_in_dim3A_662 = vector.broadcast %jit3A_660 : i32 to vector<16xi32>
      %broadcast_in_dim3A_663 = vector.broadcast %jit3A_661 : i32 to vector<16xi32>
      %select_n3A_664 = arith.select %eq3A_659, %broadcast_in_dim3A_662, %broadcast_in_dim3A_663 : vector<16xi1>, vector<16xi32>
      %min3A_665 = arith.minsi %min3A_658, %select_n3A_664 : vector<16xi32>
      %eq3A_666 = arith.cmpf oeq, %get3A_211, %max3A_393 : vector<16xf32>
      %jit3A_667 = arith.constant 39 : i32
      %jit3A_668 = arith.constant 64 : i32
      %broadcast_in_dim3A_669 = vector.broadcast %jit3A_667 : i32 to vector<16xi32>
      %broadcast_in_dim3A_670 = vector.broadcast %jit3A_668 : i32 to vector<16xi32>
      %select_n3A_671 = arith.select %eq3A_666, %broadcast_in_dim3A_669, %broadcast_in_dim3A_670 : vector<16xi1>, vector<16xi32>
      %min3A_672 = arith.minsi %min3A_665, %select_n3A_671 : vector<16xi32>
      %eq3A_673 = arith.cmpf oeq, %get3A_216, %max3A_393 : vector<16xf32>
      %jit3A_674 = arith.constant 40 : i32
      %jit3A_675 = arith.constant 64 : i32
      %broadcast_in_dim3A_676 = vector.broadcast %jit3A_674 : i32 to vector<16xi32>
      %broadcast_in_dim3A_677 = vector.broadcast %jit3A_675 : i32 to vector<16xi32>
      %select_n3A_678 = arith.select %eq3A_673, %broadcast_in_dim3A_676, %broadcast_in_dim3A_677 : vector<16xi1>, vector<16xi32>
      %min3A_679 = arith.minsi %min3A_672, %select_n3A_678 : vector<16xi32>
      %eq3A_680 = arith.cmpf oeq, %get3A_221, %max3A_393 : vector<16xf32>
      %jit3A_681 = arith.constant 41 : i32
      %jit3A_682 = arith.constant 64 : i32
      %broadcast_in_dim3A_683 = vector.broadcast %jit3A_681 : i32 to vector<16xi32>
      %broadcast_in_dim3A_684 = vector.broadcast %jit3A_682 : i32 to vector<16xi32>
      %select_n3A_685 = arith.select %eq3A_680, %broadcast_in_dim3A_683, %broadcast_in_dim3A_684 : vector<16xi1>, vector<16xi32>
      %min3A_686 = arith.minsi %min3A_679, %select_n3A_685 : vector<16xi32>
      %eq3A_687 = arith.cmpf oeq, %get3A_226, %max3A_393 : vector<16xf32>
      %jit3A_688 = arith.constant 42 : i32
      %jit3A_689 = arith.constant 64 : i32
      %broadcast_in_dim3A_690 = vector.broadcast %jit3A_688 : i32 to vector<16xi32>
      %broadcast_in_dim3A_691 = vector.broadcast %jit3A_689 : i32 to vector<16xi32>
      %select_n3A_692 = arith.select %eq3A_687, %broadcast_in_dim3A_690, %broadcast_in_dim3A_691 : vector<16xi1>, vector<16xi32>
      %min3A_693 = arith.minsi %min3A_686, %select_n3A_692 : vector<16xi32>
      %eq3A_694 = arith.cmpf oeq, %get3A_231, %max3A_393 : vector<16xf32>
      %jit3A_695 = arith.constant 43 : i32
      %jit3A_696 = arith.constant 64 : i32
      %broadcast_in_dim3A_697 = vector.broadcast %jit3A_695 : i32 to vector<16xi32>
      %broadcast_in_dim3A_698 = vector.broadcast %jit3A_696 : i32 to vector<16xi32>
      %select_n3A_699 = arith.select %eq3A_694, %broadcast_in_dim3A_697, %broadcast_in_dim3A_698 : vector<16xi1>, vector<16xi32>
      %min3A_700 = arith.minsi %min3A_693, %select_n3A_699 : vector<16xi32>
      %eq3A_701 = arith.cmpf oeq, %get3A_236, %max3A_393 : vector<16xf32>
      %jit3A_702 = arith.constant 44 : i32
      %jit3A_703 = arith.constant 64 : i32
      %broadcast_in_dim3A_704 = vector.broadcast %jit3A_702 : i32 to vector<16xi32>
      %broadcast_in_dim3A_705 = vector.broadcast %jit3A_703 : i32 to vector<16xi32>
      %select_n3A_706 = arith.select %eq3A_701, %broadcast_in_dim3A_704, %broadcast_in_dim3A_705 : vector<16xi1>, vector<16xi32>
      %min3A_707 = arith.minsi %min3A_700, %select_n3A_706 : vector<16xi32>
      %eq3A_708 = arith.cmpf oeq, %get3A_241, %max3A_393 : vector<16xf32>
      %jit3A_709 = arith.constant 45 : i32
      %jit3A_710 = arith.constant 64 : i32
      %broadcast_in_dim3A_711 = vector.broadcast %jit3A_709 : i32 to vector<16xi32>
      %broadcast_in_dim3A_712 = vector.broadcast %jit3A_710 : i32 to vector<16xi32>
      %select_n3A_713 = arith.select %eq3A_708, %broadcast_in_dim3A_711, %broadcast_in_dim3A_712 : vector<16xi1>, vector<16xi32>
      %min3A_714 = arith.minsi %min3A_707, %select_n3A_713 : vector<16xi32>
      %eq3A_715 = arith.cmpf oeq, %get3A_246, %max3A_393 : vector<16xf32>
      %jit3A_716 = arith.constant 46 : i32
      %jit3A_717 = arith.constant 64 : i32
      %broadcast_in_dim3A_718 = vector.broadcast %jit3A_716 : i32 to vector<16xi32>
      %broadcast_in_dim3A_719 = vector.broadcast %jit3A_717 : i32 to vector<16xi32>
      %select_n3A_720 = arith.select %eq3A_715, %broadcast_in_dim3A_718, %broadcast_in_dim3A_719 : vector<16xi1>, vector<16xi32>
      %min3A_721 = arith.minsi %min3A_714, %select_n3A_720 : vector<16xi32>
      %eq3A_722 = arith.cmpf oeq, %get3A_251, %max3A_393 : vector<16xf32>
      %jit3A_723 = arith.constant 47 : i32
      %jit3A_724 = arith.constant 64 : i32
      %broadcast_in_dim3A_725 = vector.broadcast %jit3A_723 : i32 to vector<16xi32>
      %broadcast_in_dim3A_726 = vector.broadcast %jit3A_724 : i32 to vector<16xi32>
      %select_n3A_727 = arith.select %eq3A_722, %broadcast_in_dim3A_725, %broadcast_in_dim3A_726 : vector<16xi1>, vector<16xi32>
      %min3A_728 = arith.minsi %min3A_721, %select_n3A_727 : vector<16xi32>
      %eq3A_729 = arith.cmpf oeq, %get3A_256, %max3A_393 : vector<16xf32>
      %jit3A_730 = arith.constant 48 : i32
      %jit3A_731 = arith.constant 64 : i32
      %broadcast_in_dim3A_732 = vector.broadcast %jit3A_730 : i32 to vector<16xi32>
      %broadcast_in_dim3A_733 = vector.broadcast %jit3A_731 : i32 to vector<16xi32>
      %select_n3A_734 = arith.select %eq3A_729, %broadcast_in_dim3A_732, %broadcast_in_dim3A_733 : vector<16xi1>, vector<16xi32>
      %min3A_735 = arith.minsi %min3A_728, %select_n3A_734 : vector<16xi32>
      %eq3A_736 = arith.cmpf oeq, %get3A_261, %max3A_393 : vector<16xf32>
      %jit3A_737 = arith.constant 49 : i32
      %jit3A_738 = arith.constant 64 : i32
      %broadcast_in_dim3A_739 = vector.broadcast %jit3A_737 : i32 to vector<16xi32>
      %broadcast_in_dim3A_740 = vector.broadcast %jit3A_738 : i32 to vector<16xi32>
      %select_n3A_741 = arith.select %eq3A_736, %broadcast_in_dim3A_739, %broadcast_in_dim3A_740 : vector<16xi1>, vector<16xi32>
      %min3A_742 = arith.minsi %min3A_735, %select_n3A_741 : vector<16xi32>
      %eq3A_743 = arith.cmpf oeq, %get3A_266, %max3A_393 : vector<16xf32>
      %jit3A_744 = arith.constant 50 : i32
      %jit3A_745 = arith.constant 64 : i32
      %broadcast_in_dim3A_746 = vector.broadcast %jit3A_744 : i32 to vector<16xi32>
      %broadcast_in_dim3A_747 = vector.broadcast %jit3A_745 : i32 to vector<16xi32>
      %select_n3A_748 = arith.select %eq3A_743, %broadcast_in_dim3A_746, %broadcast_in_dim3A_747 : vector<16xi1>, vector<16xi32>
      %min3A_749 = arith.minsi %min3A_742, %select_n3A_748 : vector<16xi32>
      %eq3A_750 = arith.cmpf oeq, %get3A_271, %max3A_393 : vector<16xf32>
      %jit3A_751 = arith.constant 51 : i32
      %jit3A_752 = arith.constant 64 : i32
      %broadcast_in_dim3A_753 = vector.broadcast %jit3A_751 : i32 to vector<16xi32>
      %broadcast_in_dim3A_754 = vector.broadcast %jit3A_752 : i32 to vector<16xi32>
      %select_n3A_755 = arith.select %eq3A_750, %broadcast_in_dim3A_753, %broadcast_in_dim3A_754 : vector<16xi1>, vector<16xi32>
      %min3A_756 = arith.minsi %min3A_749, %select_n3A_755 : vector<16xi32>
      %eq3A_757 = arith.cmpf oeq, %get3A_276, %max3A_393 : vector<16xf32>
      %jit3A_758 = arith.constant 52 : i32
      %jit3A_759 = arith.constant 64 : i32
      %broadcast_in_dim3A_760 = vector.broadcast %jit3A_758 : i32 to vector<16xi32>
      %broadcast_in_dim3A_761 = vector.broadcast %jit3A_759 : i32 to vector<16xi32>
      %select_n3A_762 = arith.select %eq3A_757, %broadcast_in_dim3A_760, %broadcast_in_dim3A_761 : vector<16xi1>, vector<16xi32>
      %min3A_763 = arith.minsi %min3A_756, %select_n3A_762 : vector<16xi32>
      %eq3A_764 = arith.cmpf oeq, %get3A_281, %max3A_393 : vector<16xf32>
      %jit3A_765 = arith.constant 53 : i32
      %jit3A_766 = arith.constant 64 : i32
      %broadcast_in_dim3A_767 = vector.broadcast %jit3A_765 : i32 to vector<16xi32>
      %broadcast_in_dim3A_768 = vector.broadcast %jit3A_766 : i32 to vector<16xi32>
      %select_n3A_769 = arith.select %eq3A_764, %broadcast_in_dim3A_767, %broadcast_in_dim3A_768 : vector<16xi1>, vector<16xi32>
      %min3A_770 = arith.minsi %min3A_763, %select_n3A_769 : vector<16xi32>
      %eq3A_771 = arith.cmpf oeq, %get3A_286, %max3A_393 : vector<16xf32>
      %jit3A_772 = arith.constant 54 : i32
      %jit3A_773 = arith.constant 64 : i32
      %broadcast_in_dim3A_774 = vector.broadcast %jit3A_772 : i32 to vector<16xi32>
      %broadcast_in_dim3A_775 = vector.broadcast %jit3A_773 : i32 to vector<16xi32>
      %select_n3A_776 = arith.select %eq3A_771, %broadcast_in_dim3A_774, %broadcast_in_dim3A_775 : vector<16xi1>, vector<16xi32>
      %min3A_777 = arith.minsi %min3A_770, %select_n3A_776 : vector<16xi32>
      %eq3A_778 = arith.cmpf oeq, %get3A_291, %max3A_393 : vector<16xf32>
      %jit3A_779 = arith.constant 55 : i32
      %jit3A_780 = arith.constant 64 : i32
      %broadcast_in_dim3A_781 = vector.broadcast %jit3A_779 : i32 to vector<16xi32>
      %broadcast_in_dim3A_782 = vector.broadcast %jit3A_780 : i32 to vector<16xi32>
      %select_n3A_783 = arith.select %eq3A_778, %broadcast_in_dim3A_781, %broadcast_in_dim3A_782 : vector<16xi1>, vector<16xi32>
      %min3A_784 = arith.minsi %min3A_777, %select_n3A_783 : vector<16xi32>
      %eq3A_785 = arith.cmpf oeq, %get3A_296, %max3A_393 : vector<16xf32>
      %jit3A_786 = arith.constant 56 : i32
      %jit3A_787 = arith.constant 64 : i32
      %broadcast_in_dim3A_788 = vector.broadcast %jit3A_786 : i32 to vector<16xi32>
      %broadcast_in_dim3A_789 = vector.broadcast %jit3A_787 : i32 to vector<16xi32>
      %select_n3A_790 = arith.select %eq3A_785, %broadcast_in_dim3A_788, %broadcast_in_dim3A_789 : vector<16xi1>, vector<16xi32>
      %min3A_791 = arith.minsi %min3A_784, %select_n3A_790 : vector<16xi32>
      %eq3A_792 = arith.cmpf oeq, %get3A_301, %max3A_393 : vector<16xf32>
      %jit3A_793 = arith.constant 57 : i32
      %jit3A_794 = arith.constant 64 : i32
      %broadcast_in_dim3A_795 = vector.broadcast %jit3A_793 : i32 to vector<16xi32>
      %broadcast_in_dim3A_796 = vector.broadcast %jit3A_794 : i32 to vector<16xi32>
      %select_n3A_797 = arith.select %eq3A_792, %broadcast_in_dim3A_795, %broadcast_in_dim3A_796 : vector<16xi1>, vector<16xi32>
      %min3A_798 = arith.minsi %min3A_791, %select_n3A_797 : vector<16xi32>
      %eq3A_799 = arith.cmpf oeq, %get3A_306, %max3A_393 : vector<16xf32>
      %jit3A_800 = arith.constant 58 : i32
      %jit3A_801 = arith.constant 64 : i32
      %broadcast_in_dim3A_802 = vector.broadcast %jit3A_800 : i32 to vector<16xi32>
      %broadcast_in_dim3A_803 = vector.broadcast %jit3A_801 : i32 to vector<16xi32>
      %select_n3A_804 = arith.select %eq3A_799, %broadcast_in_dim3A_802, %broadcast_in_dim3A_803 : vector<16xi1>, vector<16xi32>
      %min3A_805 = arith.minsi %min3A_798, %select_n3A_804 : vector<16xi32>
      %eq3A_806 = arith.cmpf oeq, %get3A_311, %max3A_393 : vector<16xf32>
      %jit3A_807 = arith.constant 59 : i32
      %jit3A_808 = arith.constant 64 : i32
      %broadcast_in_dim3A_809 = vector.broadcast %jit3A_807 : i32 to vector<16xi32>
      %broadcast_in_dim3A_810 = vector.broadcast %jit3A_808 : i32 to vector<16xi32>
      %select_n3A_811 = arith.select %eq3A_806, %broadcast_in_dim3A_809, %broadcast_in_dim3A_810 : vector<16xi1>, vector<16xi32>
      %min3A_812 = arith.minsi %min3A_805, %select_n3A_811 : vector<16xi32>
      %eq3A_813 = arith.cmpf oeq, %get3A_316, %max3A_393 : vector<16xf32>
      %jit3A_814 = arith.constant 60 : i32
      %jit3A_815 = arith.constant 64 : i32
      %broadcast_in_dim3A_816 = vector.broadcast %jit3A_814 : i32 to vector<16xi32>
      %broadcast_in_dim3A_817 = vector.broadcast %jit3A_815 : i32 to vector<16xi32>
      %select_n3A_818 = arith.select %eq3A_813, %broadcast_in_dim3A_816, %broadcast_in_dim3A_817 : vector<16xi1>, vector<16xi32>
      %min3A_819 = arith.minsi %min3A_812, %select_n3A_818 : vector<16xi32>
      %eq3A_820 = arith.cmpf oeq, %get3A_321, %max3A_393 : vector<16xf32>
      %jit3A_821 = arith.constant 61 : i32
      %jit3A_822 = arith.constant 64 : i32
      %broadcast_in_dim3A_823 = vector.broadcast %jit3A_821 : i32 to vector<16xi32>
      %broadcast_in_dim3A_824 = vector.broadcast %jit3A_822 : i32 to vector<16xi32>
      %select_n3A_825 = arith.select %eq3A_820, %broadcast_in_dim3A_823, %broadcast_in_dim3A_824 : vector<16xi1>, vector<16xi32>
      %min3A_826 = arith.minsi %min3A_819, %select_n3A_825 : vector<16xi32>
      %eq3A_827 = arith.cmpf oeq, %get3A_326, %max3A_393 : vector<16xf32>
      %jit3A_828 = arith.constant 62 : i32
      %jit3A_829 = arith.constant 64 : i32
      %broadcast_in_dim3A_830 = vector.broadcast %jit3A_828 : i32 to vector<16xi32>
      %broadcast_in_dim3A_831 = vector.broadcast %jit3A_829 : i32 to vector<16xi32>
      %select_n3A_832 = arith.select %eq3A_827, %broadcast_in_dim3A_830, %broadcast_in_dim3A_831 : vector<16xi1>, vector<16xi32>
      %min3A_833 = arith.minsi %min3A_826, %select_n3A_832 : vector<16xi32>
      %eq3A_834 = arith.cmpf oeq, %get3A_331, %max3A_393 : vector<16xf32>
      %jit3A_835 = arith.constant 63 : i32
      %jit3A_836 = arith.constant 64 : i32
      %broadcast_in_dim3A_837 = vector.broadcast %jit3A_835 : i32 to vector<16xi32>
      %broadcast_in_dim3A_838 = vector.broadcast %jit3A_836 : i32 to vector<16xi32>
      %select_n3A_839 = arith.select %eq3A_834, %broadcast_in_dim3A_837, %broadcast_in_dim3A_838 : vector<16xi1>, vector<16xi32>
      %min3A_840 = arith.minsi %min3A_833, %select_n3A_839 : vector<16xi32>
      %broadcast_in_dim3A_841 = arith.constant 0xFF800000 : f32
      %broadcast_in_dim3A_842 = vector.broadcast %broadcast_in_dim3A_841 : f32 to vector<16xf32>
      %eq3A_843 = arith.constant 0 : i32
      %eq3A_844 = vector.broadcast %eq3A_843 : i32 to vector<16xi32>
      %eq3A_845 = arith.cmpi eq, %min3A_840, %eq3A_844 : vector<16xi32>
      %select_n3A_846 = arith.select %eq3A_845, %broadcast_in_dim3A_842, %get3A_16 : vector<16xi1>, vector<16xf32>
      %eq3A_847 = arith.constant 1 : i32
      %eq3A_848 = vector.broadcast %eq3A_847 : i32 to vector<16xi32>
      %eq3A_849 = arith.cmpi eq, %min3A_840, %eq3A_848 : vector<16xi32>
      %select_n3A_850 = arith.select %eq3A_849, %broadcast_in_dim3A_842, %get3A_21 : vector<16xi1>, vector<16xf32>
      %eq3A_851 = arith.constant 2 : i32
      %eq3A_852 = vector.broadcast %eq3A_851 : i32 to vector<16xi32>
      %eq3A_853 = arith.cmpi eq, %min3A_840, %eq3A_852 : vector<16xi32>
      %select_n3A_854 = arith.select %eq3A_853, %broadcast_in_dim3A_842, %get3A_26 : vector<16xi1>, vector<16xf32>
      %eq3A_855 = arith.constant 3 : i32
      %eq3A_856 = vector.broadcast %eq3A_855 : i32 to vector<16xi32>
      %eq3A_857 = arith.cmpi eq, %min3A_840, %eq3A_856 : vector<16xi32>
      %select_n3A_858 = arith.select %eq3A_857, %broadcast_in_dim3A_842, %get3A_31 : vector<16xi1>, vector<16xf32>
      %eq3A_859 = arith.constant 4 : i32
      %eq3A_860 = vector.broadcast %eq3A_859 : i32 to vector<16xi32>
      %eq3A_861 = arith.cmpi eq, %min3A_840, %eq3A_860 : vector<16xi32>
      %select_n3A_862 = arith.select %eq3A_861, %broadcast_in_dim3A_842, %get3A_36 : vector<16xi1>, vector<16xf32>
      %eq3A_863 = arith.constant 5 : i32
      %eq3A_864 = vector.broadcast %eq3A_863 : i32 to vector<16xi32>
      %eq3A_865 = arith.cmpi eq, %min3A_840, %eq3A_864 : vector<16xi32>
      %select_n3A_866 = arith.select %eq3A_865, %broadcast_in_dim3A_842, %get3A_41 : vector<16xi1>, vector<16xf32>
      %eq3A_867 = arith.constant 6 : i32
      %eq3A_868 = vector.broadcast %eq3A_867 : i32 to vector<16xi32>
      %eq3A_869 = arith.cmpi eq, %min3A_840, %eq3A_868 : vector<16xi32>
      %select_n3A_870 = arith.select %eq3A_869, %broadcast_in_dim3A_842, %get3A_46 : vector<16xi1>, vector<16xf32>
      %eq3A_871 = arith.constant 7 : i32
      %eq3A_872 = vector.broadcast %eq3A_871 : i32 to vector<16xi32>
      %eq3A_873 = arith.cmpi eq, %min3A_840, %eq3A_872 : vector<16xi32>
      %select_n3A_874 = arith.select %eq3A_873, %broadcast_in_dim3A_842, %get3A_51 : vector<16xi1>, vector<16xf32>
      %eq3A_875 = arith.constant 8 : i32
      %eq3A_876 = vector.broadcast %eq3A_875 : i32 to vector<16xi32>
      %eq3A_877 = arith.cmpi eq, %min3A_840, %eq3A_876 : vector<16xi32>
      %select_n3A_878 = arith.select %eq3A_877, %broadcast_in_dim3A_842, %get3A_56 : vector<16xi1>, vector<16xf32>
      %eq3A_879 = arith.constant 9 : i32
      %eq3A_880 = vector.broadcast %eq3A_879 : i32 to vector<16xi32>
      %eq3A_881 = arith.cmpi eq, %min3A_840, %eq3A_880 : vector<16xi32>
      %select_n3A_882 = arith.select %eq3A_881, %broadcast_in_dim3A_842, %get3A_61 : vector<16xi1>, vector<16xf32>
      %eq3A_883 = arith.constant 10 : i32
      %eq3A_884 = vector.broadcast %eq3A_883 : i32 to vector<16xi32>
      %eq3A_885 = arith.cmpi eq, %min3A_840, %eq3A_884 : vector<16xi32>
      %select_n3A_886 = arith.select %eq3A_885, %broadcast_in_dim3A_842, %get3A_66 : vector<16xi1>, vector<16xf32>
      %eq3A_887 = arith.constant 11 : i32
      %eq3A_888 = vector.broadcast %eq3A_887 : i32 to vector<16xi32>
      %eq3A_889 = arith.cmpi eq, %min3A_840, %eq3A_888 : vector<16xi32>
      %select_n3A_890 = arith.select %eq3A_889, %broadcast_in_dim3A_842, %get3A_71 : vector<16xi1>, vector<16xf32>
      %eq3A_891 = arith.constant 12 : i32
      %eq3A_892 = vector.broadcast %eq3A_891 : i32 to vector<16xi32>
      %eq3A_893 = arith.cmpi eq, %min3A_840, %eq3A_892 : vector<16xi32>
      %select_n3A_894 = arith.select %eq3A_893, %broadcast_in_dim3A_842, %get3A_76 : vector<16xi1>, vector<16xf32>
      %eq3A_895 = arith.constant 13 : i32
      %eq3A_896 = vector.broadcast %eq3A_895 : i32 to vector<16xi32>
      %eq3A_897 = arith.cmpi eq, %min3A_840, %eq3A_896 : vector<16xi32>
      %select_n3A_898 = arith.select %eq3A_897, %broadcast_in_dim3A_842, %get3A_81 : vector<16xi1>, vector<16xf32>
      %eq3A_899 = arith.constant 14 : i32
      %eq3A_900 = vector.broadcast %eq3A_899 : i32 to vector<16xi32>
      %eq3A_901 = arith.cmpi eq, %min3A_840, %eq3A_900 : vector<16xi32>
      %select_n3A_902 = arith.select %eq3A_901, %broadcast_in_dim3A_842, %get3A_86 : vector<16xi1>, vector<16xf32>
      %eq3A_903 = arith.constant 15 : i32
      %eq3A_904 = vector.broadcast %eq3A_903 : i32 to vector<16xi32>
      %eq3A_905 = arith.cmpi eq, %min3A_840, %eq3A_904 : vector<16xi32>
      %select_n3A_906 = arith.select %eq3A_905, %broadcast_in_dim3A_842, %get3A_91 : vector<16xi1>, vector<16xf32>
      %eq3A_907 = arith.constant 16 : i32
      %eq3A_908 = vector.broadcast %eq3A_907 : i32 to vector<16xi32>
      %eq3A_909 = arith.cmpi eq, %min3A_840, %eq3A_908 : vector<16xi32>
      %select_n3A_910 = arith.select %eq3A_909, %broadcast_in_dim3A_842, %get3A_96 : vector<16xi1>, vector<16xf32>
      %eq3A_911 = arith.constant 17 : i32
      %eq3A_912 = vector.broadcast %eq3A_911 : i32 to vector<16xi32>
      %eq3A_913 = arith.cmpi eq, %min3A_840, %eq3A_912 : vector<16xi32>
      %select_n3A_914 = arith.select %eq3A_913, %broadcast_in_dim3A_842, %get3A_101 : vector<16xi1>, vector<16xf32>
      %eq3A_915 = arith.constant 18 : i32
      %eq3A_916 = vector.broadcast %eq3A_915 : i32 to vector<16xi32>
      %eq3A_917 = arith.cmpi eq, %min3A_840, %eq3A_916 : vector<16xi32>
      %select_n3A_918 = arith.select %eq3A_917, %broadcast_in_dim3A_842, %get3A_106 : vector<16xi1>, vector<16xf32>
      %eq3A_919 = arith.constant 19 : i32
      %eq3A_920 = vector.broadcast %eq3A_919 : i32 to vector<16xi32>
      %eq3A_921 = arith.cmpi eq, %min3A_840, %eq3A_920 : vector<16xi32>
      %select_n3A_922 = arith.select %eq3A_921, %broadcast_in_dim3A_842, %get3A_111 : vector<16xi1>, vector<16xf32>
      %eq3A_923 = arith.constant 20 : i32
      %eq3A_924 = vector.broadcast %eq3A_923 : i32 to vector<16xi32>
      %eq3A_925 = arith.cmpi eq, %min3A_840, %eq3A_924 : vector<16xi32>
      %select_n3A_926 = arith.select %eq3A_925, %broadcast_in_dim3A_842, %get3A_116 : vector<16xi1>, vector<16xf32>
      %eq3A_927 = arith.constant 21 : i32
      %eq3A_928 = vector.broadcast %eq3A_927 : i32 to vector<16xi32>
      %eq3A_929 = arith.cmpi eq, %min3A_840, %eq3A_928 : vector<16xi32>
      %select_n3A_930 = arith.select %eq3A_929, %broadcast_in_dim3A_842, %get3A_121 : vector<16xi1>, vector<16xf32>
      %eq3A_931 = arith.constant 22 : i32
      %eq3A_932 = vector.broadcast %eq3A_931 : i32 to vector<16xi32>
      %eq3A_933 = arith.cmpi eq, %min3A_840, %eq3A_932 : vector<16xi32>
      %select_n3A_934 = arith.select %eq3A_933, %broadcast_in_dim3A_842, %get3A_126 : vector<16xi1>, vector<16xf32>
      %eq3A_935 = arith.constant 23 : i32
      %eq3A_936 = vector.broadcast %eq3A_935 : i32 to vector<16xi32>
      %eq3A_937 = arith.cmpi eq, %min3A_840, %eq3A_936 : vector<16xi32>
      %select_n3A_938 = arith.select %eq3A_937, %broadcast_in_dim3A_842, %get3A_131 : vector<16xi1>, vector<16xf32>
      %eq3A_939 = arith.constant 24 : i32
      %eq3A_940 = vector.broadcast %eq3A_939 : i32 to vector<16xi32>
      %eq3A_941 = arith.cmpi eq, %min3A_840, %eq3A_940 : vector<16xi32>
      %select_n3A_942 = arith.select %eq3A_941, %broadcast_in_dim3A_842, %get3A_136 : vector<16xi1>, vector<16xf32>
      %eq3A_943 = arith.constant 25 : i32
      %eq3A_944 = vector.broadcast %eq3A_943 : i32 to vector<16xi32>
      %eq3A_945 = arith.cmpi eq, %min3A_840, %eq3A_944 : vector<16xi32>
      %select_n3A_946 = arith.select %eq3A_945, %broadcast_in_dim3A_842, %get3A_141 : vector<16xi1>, vector<16xf32>
      %eq3A_947 = arith.constant 26 : i32
      %eq3A_948 = vector.broadcast %eq3A_947 : i32 to vector<16xi32>
      %eq3A_949 = arith.cmpi eq, %min3A_840, %eq3A_948 : vector<16xi32>
      %select_n3A_950 = arith.select %eq3A_949, %broadcast_in_dim3A_842, %get3A_146 : vector<16xi1>, vector<16xf32>
      %eq3A_951 = arith.constant 27 : i32
      %eq3A_952 = vector.broadcast %eq3A_951 : i32 to vector<16xi32>
      %eq3A_953 = arith.cmpi eq, %min3A_840, %eq3A_952 : vector<16xi32>
      %select_n3A_954 = arith.select %eq3A_953, %broadcast_in_dim3A_842, %get3A_151 : vector<16xi1>, vector<16xf32>
      %eq3A_955 = arith.constant 28 : i32
      %eq3A_956 = vector.broadcast %eq3A_955 : i32 to vector<16xi32>
      %eq3A_957 = arith.cmpi eq, %min3A_840, %eq3A_956 : vector<16xi32>
      %select_n3A_958 = arith.select %eq3A_957, %broadcast_in_dim3A_842, %get3A_156 : vector<16xi1>, vector<16xf32>
      %eq3A_959 = arith.constant 29 : i32
      %eq3A_960 = vector.broadcast %eq3A_959 : i32 to vector<16xi32>
      %eq3A_961 = arith.cmpi eq, %min3A_840, %eq3A_960 : vector<16xi32>
      %select_n3A_962 = arith.select %eq3A_961, %broadcast_in_dim3A_842, %get3A_161 : vector<16xi1>, vector<16xf32>
      %eq3A_963 = arith.constant 30 : i32
      %eq3A_964 = vector.broadcast %eq3A_963 : i32 to vector<16xi32>
      %eq3A_965 = arith.cmpi eq, %min3A_840, %eq3A_964 : vector<16xi32>
      %select_n3A_966 = arith.select %eq3A_965, %broadcast_in_dim3A_842, %get3A_166 : vector<16xi1>, vector<16xf32>
      %eq3A_967 = arith.constant 31 : i32
      %eq3A_968 = vector.broadcast %eq3A_967 : i32 to vector<16xi32>
      %eq3A_969 = arith.cmpi eq, %min3A_840, %eq3A_968 : vector<16xi32>
      %select_n3A_970 = arith.select %eq3A_969, %broadcast_in_dim3A_842, %get3A_171 : vector<16xi1>, vector<16xf32>
      %eq3A_971 = arith.constant 32 : i32
      %eq3A_972 = vector.broadcast %eq3A_971 : i32 to vector<16xi32>
      %eq3A_973 = arith.cmpi eq, %min3A_840, %eq3A_972 : vector<16xi32>
      %select_n3A_974 = arith.select %eq3A_973, %broadcast_in_dim3A_842, %get3A_176 : vector<16xi1>, vector<16xf32>
      %eq3A_975 = arith.constant 33 : i32
      %eq3A_976 = vector.broadcast %eq3A_975 : i32 to vector<16xi32>
      %eq3A_977 = arith.cmpi eq, %min3A_840, %eq3A_976 : vector<16xi32>
      %select_n3A_978 = arith.select %eq3A_977, %broadcast_in_dim3A_842, %get3A_181 : vector<16xi1>, vector<16xf32>
      %eq3A_979 = arith.constant 34 : i32
      %eq3A_980 = vector.broadcast %eq3A_979 : i32 to vector<16xi32>
      %eq3A_981 = arith.cmpi eq, %min3A_840, %eq3A_980 : vector<16xi32>
      %select_n3A_982 = arith.select %eq3A_981, %broadcast_in_dim3A_842, %get3A_186 : vector<16xi1>, vector<16xf32>
      %eq3A_983 = arith.constant 35 : i32
      %eq3A_984 = vector.broadcast %eq3A_983 : i32 to vector<16xi32>
      %eq3A_985 = arith.cmpi eq, %min3A_840, %eq3A_984 : vector<16xi32>
      %select_n3A_986 = arith.select %eq3A_985, %broadcast_in_dim3A_842, %get3A_191 : vector<16xi1>, vector<16xf32>
      %eq3A_987 = arith.constant 36 : i32
      %eq3A_988 = vector.broadcast %eq3A_987 : i32 to vector<16xi32>
      %eq3A_989 = arith.cmpi eq, %min3A_840, %eq3A_988 : vector<16xi32>
      %select_n3A_990 = arith.select %eq3A_989, %broadcast_in_dim3A_842, %get3A_196 : vector<16xi1>, vector<16xf32>
      %eq3A_991 = arith.constant 37 : i32
      %eq3A_992 = vector.broadcast %eq3A_991 : i32 to vector<16xi32>
      %eq3A_993 = arith.cmpi eq, %min3A_840, %eq3A_992 : vector<16xi32>
      %select_n3A_994 = arith.select %eq3A_993, %broadcast_in_dim3A_842, %get3A_201 : vector<16xi1>, vector<16xf32>
      %eq3A_995 = arith.constant 38 : i32
      %eq3A_996 = vector.broadcast %eq3A_995 : i32 to vector<16xi32>
      %eq3A_997 = arith.cmpi eq, %min3A_840, %eq3A_996 : vector<16xi32>
      %select_n3A_998 = arith.select %eq3A_997, %broadcast_in_dim3A_842, %get3A_206 : vector<16xi1>, vector<16xf32>
      %eq3A_999 = arith.constant 39 : i32
      %eq3A_1000 = vector.broadcast %eq3A_999 : i32 to vector<16xi32>
      %eq3A_1001 = arith.cmpi eq, %min3A_840, %eq3A_1000 : vector<16xi32>
      %select_n3A_1002 = arith.select %eq3A_1001, %broadcast_in_dim3A_842, %get3A_211 : vector<16xi1>, vector<16xf32>
      %eq3A_1003 = arith.constant 40 : i32
      %eq3A_1004 = vector.broadcast %eq3A_1003 : i32 to vector<16xi32>
      %eq3A_1005 = arith.cmpi eq, %min3A_840, %eq3A_1004 : vector<16xi32>
      %select_n3A_1006 = arith.select %eq3A_1005, %broadcast_in_dim3A_842, %get3A_216 : vector<16xi1>, vector<16xf32>
      %eq3A_1007 = arith.constant 41 : i32
      %eq3A_1008 = vector.broadcast %eq3A_1007 : i32 to vector<16xi32>
      %eq3A_1009 = arith.cmpi eq, %min3A_840, %eq3A_1008 : vector<16xi32>
      %select_n3A_1010 = arith.select %eq3A_1009, %broadcast_in_dim3A_842, %get3A_221 : vector<16xi1>, vector<16xf32>
      %eq3A_1011 = arith.constant 42 : i32
      %eq3A_1012 = vector.broadcast %eq3A_1011 : i32 to vector<16xi32>
      %eq3A_1013 = arith.cmpi eq, %min3A_840, %eq3A_1012 : vector<16xi32>
      %select_n3A_1014 = arith.select %eq3A_1013, %broadcast_in_dim3A_842, %get3A_226 : vector<16xi1>, vector<16xf32>
      %eq3A_1015 = arith.constant 43 : i32
      %eq3A_1016 = vector.broadcast %eq3A_1015 : i32 to vector<16xi32>
      %eq3A_1017 = arith.cmpi eq, %min3A_840, %eq3A_1016 : vector<16xi32>
      %select_n3A_1018 = arith.select %eq3A_1017, %broadcast_in_dim3A_842, %get3A_231 : vector<16xi1>, vector<16xf32>
      %eq3A_1019 = arith.constant 44 : i32
      %eq3A_1020 = vector.broadcast %eq3A_1019 : i32 to vector<16xi32>
      %eq3A_1021 = arith.cmpi eq, %min3A_840, %eq3A_1020 : vector<16xi32>
      %select_n3A_1022 = arith.select %eq3A_1021, %broadcast_in_dim3A_842, %get3A_236 : vector<16xi1>, vector<16xf32>
      %eq3A_1023 = arith.constant 45 : i32
      %eq3A_1024 = vector.broadcast %eq3A_1023 : i32 to vector<16xi32>
      %eq3A_1025 = arith.cmpi eq, %min3A_840, %eq3A_1024 : vector<16xi32>
      %select_n3A_1026 = arith.select %eq3A_1025, %broadcast_in_dim3A_842, %get3A_241 : vector<16xi1>, vector<16xf32>
      %eq3A_1027 = arith.constant 46 : i32
      %eq3A_1028 = vector.broadcast %eq3A_1027 : i32 to vector<16xi32>
      %eq3A_1029 = arith.cmpi eq, %min3A_840, %eq3A_1028 : vector<16xi32>
      %select_n3A_1030 = arith.select %eq3A_1029, %broadcast_in_dim3A_842, %get3A_246 : vector<16xi1>, vector<16xf32>
      %eq3A_1031 = arith.constant 47 : i32
      %eq3A_1032 = vector.broadcast %eq3A_1031 : i32 to vector<16xi32>
      %eq3A_1033 = arith.cmpi eq, %min3A_840, %eq3A_1032 : vector<16xi32>
      %select_n3A_1034 = arith.select %eq3A_1033, %broadcast_in_dim3A_842, %get3A_251 : vector<16xi1>, vector<16xf32>
      %eq3A_1035 = arith.constant 48 : i32
      %eq3A_1036 = vector.broadcast %eq3A_1035 : i32 to vector<16xi32>
      %eq3A_1037 = arith.cmpi eq, %min3A_840, %eq3A_1036 : vector<16xi32>
      %select_n3A_1038 = arith.select %eq3A_1037, %broadcast_in_dim3A_842, %get3A_256 : vector<16xi1>, vector<16xf32>
      %eq3A_1039 = arith.constant 49 : i32
      %eq3A_1040 = vector.broadcast %eq3A_1039 : i32 to vector<16xi32>
      %eq3A_1041 = arith.cmpi eq, %min3A_840, %eq3A_1040 : vector<16xi32>
      %select_n3A_1042 = arith.select %eq3A_1041, %broadcast_in_dim3A_842, %get3A_261 : vector<16xi1>, vector<16xf32>
      %eq3A_1043 = arith.constant 50 : i32
      %eq3A_1044 = vector.broadcast %eq3A_1043 : i32 to vector<16xi32>
      %eq3A_1045 = arith.cmpi eq, %min3A_840, %eq3A_1044 : vector<16xi32>
      %select_n3A_1046 = arith.select %eq3A_1045, %broadcast_in_dim3A_842, %get3A_266 : vector<16xi1>, vector<16xf32>
      %eq3A_1047 = arith.constant 51 : i32
      %eq3A_1048 = vector.broadcast %eq3A_1047 : i32 to vector<16xi32>
      %eq3A_1049 = arith.cmpi eq, %min3A_840, %eq3A_1048 : vector<16xi32>
      %select_n3A_1050 = arith.select %eq3A_1049, %broadcast_in_dim3A_842, %get3A_271 : vector<16xi1>, vector<16xf32>
      %eq3A_1051 = arith.constant 52 : i32
      %eq3A_1052 = vector.broadcast %eq3A_1051 : i32 to vector<16xi32>
      %eq3A_1053 = arith.cmpi eq, %min3A_840, %eq3A_1052 : vector<16xi32>
      %select_n3A_1054 = arith.select %eq3A_1053, %broadcast_in_dim3A_842, %get3A_276 : vector<16xi1>, vector<16xf32>
      %eq3A_1055 = arith.constant 53 : i32
      %eq3A_1056 = vector.broadcast %eq3A_1055 : i32 to vector<16xi32>
      %eq3A_1057 = arith.cmpi eq, %min3A_840, %eq3A_1056 : vector<16xi32>
      %select_n3A_1058 = arith.select %eq3A_1057, %broadcast_in_dim3A_842, %get3A_281 : vector<16xi1>, vector<16xf32>
      %eq3A_1059 = arith.constant 54 : i32
      %eq3A_1060 = vector.broadcast %eq3A_1059 : i32 to vector<16xi32>
      %eq3A_1061 = arith.cmpi eq, %min3A_840, %eq3A_1060 : vector<16xi32>
      %select_n3A_1062 = arith.select %eq3A_1061, %broadcast_in_dim3A_842, %get3A_286 : vector<16xi1>, vector<16xf32>
      %eq3A_1063 = arith.constant 55 : i32
      %eq3A_1064 = vector.broadcast %eq3A_1063 : i32 to vector<16xi32>
      %eq3A_1065 = arith.cmpi eq, %min3A_840, %eq3A_1064 : vector<16xi32>
      %select_n3A_1066 = arith.select %eq3A_1065, %broadcast_in_dim3A_842, %get3A_291 : vector<16xi1>, vector<16xf32>
      %eq3A_1067 = arith.constant 56 : i32
      %eq3A_1068 = vector.broadcast %eq3A_1067 : i32 to vector<16xi32>
      %eq3A_1069 = arith.cmpi eq, %min3A_840, %eq3A_1068 : vector<16xi32>
      %select_n3A_1070 = arith.select %eq3A_1069, %broadcast_in_dim3A_842, %get3A_296 : vector<16xi1>, vector<16xf32>
      %eq3A_1071 = arith.constant 57 : i32
      %eq3A_1072 = vector.broadcast %eq3A_1071 : i32 to vector<16xi32>
      %eq3A_1073 = arith.cmpi eq, %min3A_840, %eq3A_1072 : vector<16xi32>
      %select_n3A_1074 = arith.select %eq3A_1073, %broadcast_in_dim3A_842, %get3A_301 : vector<16xi1>, vector<16xf32>
      %eq3A_1075 = arith.constant 58 : i32
      %eq3A_1076 = vector.broadcast %eq3A_1075 : i32 to vector<16xi32>
      %eq3A_1077 = arith.cmpi eq, %min3A_840, %eq3A_1076 : vector<16xi32>
      %select_n3A_1078 = arith.select %eq3A_1077, %broadcast_in_dim3A_842, %get3A_306 : vector<16xi1>, vector<16xf32>
      %eq3A_1079 = arith.constant 59 : i32
      %eq3A_1080 = vector.broadcast %eq3A_1079 : i32 to vector<16xi32>
      %eq3A_1081 = arith.cmpi eq, %min3A_840, %eq3A_1080 : vector<16xi32>
      %select_n3A_1082 = arith.select %eq3A_1081, %broadcast_in_dim3A_842, %get3A_311 : vector<16xi1>, vector<16xf32>
      %eq3A_1083 = arith.constant 60 : i32
      %eq3A_1084 = vector.broadcast %eq3A_1083 : i32 to vector<16xi32>
      %eq3A_1085 = arith.cmpi eq, %min3A_840, %eq3A_1084 : vector<16xi32>
      %select_n3A_1086 = arith.select %eq3A_1085, %broadcast_in_dim3A_842, %get3A_316 : vector<16xi1>, vector<16xf32>
      %eq3A_1087 = arith.constant 61 : i32
      %eq3A_1088 = vector.broadcast %eq3A_1087 : i32 to vector<16xi32>
      %eq3A_1089 = arith.cmpi eq, %min3A_840, %eq3A_1088 : vector<16xi32>
      %select_n3A_1090 = arith.select %eq3A_1089, %broadcast_in_dim3A_842, %get3A_321 : vector<16xi1>, vector<16xf32>
      %eq3A_1091 = arith.constant 62 : i32
      %eq3A_1092 = vector.broadcast %eq3A_1091 : i32 to vector<16xi32>
      %eq3A_1093 = arith.cmpi eq, %min3A_840, %eq3A_1092 : vector<16xi32>
      %select_n3A_1094 = arith.select %eq3A_1093, %broadcast_in_dim3A_842, %get3A_326 : vector<16xi1>, vector<16xf32>
      %eq3A_1095 = arith.constant 63 : i32
      %eq3A_1096 = vector.broadcast %eq3A_1095 : i32 to vector<16xi32>
      %eq3A_1097 = arith.cmpi eq, %min3A_840, %eq3A_1096 : vector<16xi32>
      %select_n3A_1098 = arith.select %eq3A_1097, %broadcast_in_dim3A_842, %get3A_331 : vector<16xi1>, vector<16xf32>
      %max3A_1099 = arith.maximumf %select_n3A_846, %select_n3A_850 : vector<16xf32>
      %max3A_1100 = arith.maximumf %max3A_1099, %select_n3A_854 : vector<16xf32>
      %max3A_1101 = arith.maximumf %max3A_1100, %select_n3A_858 : vector<16xf32>
      %max3A_1102 = arith.maximumf %max3A_1101, %select_n3A_862 : vector<16xf32>
      %max3A_1103 = arith.maximumf %max3A_1102, %select_n3A_866 : vector<16xf32>
      %max3A_1104 = arith.maximumf %max3A_1103, %select_n3A_870 : vector<16xf32>
      %max3A_1105 = arith.maximumf %max3A_1104, %select_n3A_874 : vector<16xf32>
      %max3A_1106 = arith.maximumf %max3A_1105, %select_n3A_878 : vector<16xf32>
      %max3A_1107 = arith.maximumf %max3A_1106, %select_n3A_882 : vector<16xf32>
      %max3A_1108 = arith.maximumf %max3A_1107, %select_n3A_886 : vector<16xf32>
      %max3A_1109 = arith.maximumf %max3A_1108, %select_n3A_890 : vector<16xf32>
      %max3A_1110 = arith.maximumf %max3A_1109, %select_n3A_894 : vector<16xf32>
      %max3A_1111 = arith.maximumf %max3A_1110, %select_n3A_898 : vector<16xf32>
      %max3A_1112 = arith.maximumf %max3A_1111, %select_n3A_902 : vector<16xf32>
      %max3A_1113 = arith.maximumf %max3A_1112, %select_n3A_906 : vector<16xf32>
      %max3A_1114 = arith.maximumf %max3A_1113, %select_n3A_910 : vector<16xf32>
      %max3A_1115 = arith.maximumf %max3A_1114, %select_n3A_914 : vector<16xf32>
      %max3A_1116 = arith.maximumf %max3A_1115, %select_n3A_918 : vector<16xf32>
      %max3A_1117 = arith.maximumf %max3A_1116, %select_n3A_922 : vector<16xf32>
      %max3A_1118 = arith.maximumf %max3A_1117, %select_n3A_926 : vector<16xf32>
      %max3A_1119 = arith.maximumf %max3A_1118, %select_n3A_930 : vector<16xf32>
      %max3A_1120 = arith.maximumf %max3A_1119, %select_n3A_934 : vector<16xf32>
      %max3A_1121 = arith.maximumf %max3A_1120, %select_n3A_938 : vector<16xf32>
      %max3A_1122 = arith.maximumf %max3A_1121, %select_n3A_942 : vector<16xf32>
      %max3A_1123 = arith.maximumf %max3A_1122, %select_n3A_946 : vector<16xf32>
      %max3A_1124 = arith.maximumf %max3A_1123, %select_n3A_950 : vector<16xf32>
      %max3A_1125 = arith.maximumf %max3A_1124, %select_n3A_954 : vector<16xf32>
      %max3A_1126 = arith.maximumf %max3A_1125, %select_n3A_958 : vector<16xf32>
      %max3A_1127 = arith.maximumf %max3A_1126, %select_n3A_962 : vector<16xf32>
      %max3A_1128 = arith.maximumf %max3A_1127, %select_n3A_966 : vector<16xf32>
      %max3A_1129 = arith.maximumf %max3A_1128, %select_n3A_970 : vector<16xf32>
      %max3A_1130 = arith.maximumf %max3A_1129, %select_n3A_974 : vector<16xf32>
      %max3A_1131 = arith.maximumf %max3A_1130, %select_n3A_978 : vector<16xf32>
      %max3A_1132 = arith.maximumf %max3A_1131, %select_n3A_982 : vector<16xf32>
      %max3A_1133 = arith.maximumf %max3A_1132, %select_n3A_986 : vector<16xf32>
      %max3A_1134 = arith.maximumf %max3A_1133, %select_n3A_990 : vector<16xf32>
      %max3A_1135 = arith.maximumf %max3A_1134, %select_n3A_994 : vector<16xf32>
      %max3A_1136 = arith.maximumf %max3A_1135, %select_n3A_998 : vector<16xf32>
      %max3A_1137 = arith.maximumf %max3A_1136, %select_n3A_1002 : vector<16xf32>
      %max3A_1138 = arith.maximumf %max3A_1137, %select_n3A_1006 : vector<16xf32>
      %max3A_1139 = arith.maximumf %max3A_1138, %select_n3A_1010 : vector<16xf32>
      %max3A_1140 = arith.maximumf %max3A_1139, %select_n3A_1014 : vector<16xf32>
      %max3A_1141 = arith.maximumf %max3A_1140, %select_n3A_1018 : vector<16xf32>
      %max3A_1142 = arith.maximumf %max3A_1141, %select_n3A_1022 : vector<16xf32>
      %max3A_1143 = arith.maximumf %max3A_1142, %select_n3A_1026 : vector<16xf32>
      %max3A_1144 = arith.maximumf %max3A_1143, %select_n3A_1030 : vector<16xf32>
      %max3A_1145 = arith.maximumf %max3A_1144, %select_n3A_1034 : vector<16xf32>
      %max3A_1146 = arith.maximumf %max3A_1145, %select_n3A_1038 : vector<16xf32>
      %max3A_1147 = arith.maximumf %max3A_1146, %select_n3A_1042 : vector<16xf32>
      %max3A_1148 = arith.maximumf %max3A_1147, %select_n3A_1046 : vector<16xf32>
      %max3A_1149 = arith.maximumf %max3A_1148, %select_n3A_1050 : vector<16xf32>
      %max3A_1150 = arith.maximumf %max3A_1149, %select_n3A_1054 : vector<16xf32>
      %max3A_1151 = arith.maximumf %max3A_1150, %select_n3A_1058 : vector<16xf32>
      %max3A_1152 = arith.maximumf %max3A_1151, %select_n3A_1062 : vector<16xf32>
      %max3A_1153 = arith.maximumf %max3A_1152, %select_n3A_1066 : vector<16xf32>
      %max3A_1154 = arith.maximumf %max3A_1153, %select_n3A_1070 : vector<16xf32>
      %max3A_1155 = arith.maximumf %max3A_1154, %select_n3A_1074 : vector<16xf32>
      %max3A_1156 = arith.maximumf %max3A_1155, %select_n3A_1078 : vector<16xf32>
      %max3A_1157 = arith.maximumf %max3A_1156, %select_n3A_1082 : vector<16xf32>
      %max3A_1158 = arith.maximumf %max3A_1157, %select_n3A_1086 : vector<16xf32>
      %max3A_1159 = arith.maximumf %max3A_1158, %select_n3A_1090 : vector<16xf32>
      %max3A_1160 = arith.maximumf %max3A_1159, %select_n3A_1094 : vector<16xf32>
      %max3A_1161 = arith.maximumf %max3A_1160, %select_n3A_1098 : vector<16xf32>
      %eq3A_1162 = arith.cmpf oeq, %select_n3A_846, %max3A_1161 : vector<16xf32>
      %jit3A_1163 = arith.constant 0 : i32
      %jit3A_1164 = arith.constant 64 : i32
      %broadcast_in_dim3A_1165 = vector.broadcast %jit3A_1163 : i32 to vector<16xi32>
      %broadcast_in_dim3A_1166 = vector.broadcast %jit3A_1164 : i32 to vector<16xi32>
      %select_n3A_1167 = arith.select %eq3A_1162, %broadcast_in_dim3A_1165, %broadcast_in_dim3A_1166 : vector<16xi1>, vector<16xi32>
      %min3A_1168 = arith.minsi %broadcast_in_dim3A_394, %select_n3A_1167 : vector<16xi32>
      %eq3A_1169 = arith.cmpf oeq, %select_n3A_850, %max3A_1161 : vector<16xf32>
      %jit3A_1170 = arith.constant 1 : i32
      %jit3A_1171 = arith.constant 64 : i32
      %broadcast_in_dim3A_1172 = vector.broadcast %jit3A_1170 : i32 to vector<16xi32>
      %broadcast_in_dim3A_1173 = vector.broadcast %jit3A_1171 : i32 to vector<16xi32>
      %select_n3A_1174 = arith.select %eq3A_1169, %broadcast_in_dim3A_1172, %broadcast_in_dim3A_1173 : vector<16xi1>, vector<16xi32>
      %min3A_1175 = arith.minsi %min3A_1168, %select_n3A_1174 : vector<16xi32>
      %eq3A_1176 = arith.cmpf oeq, %select_n3A_854, %max3A_1161 : vector<16xf32>
      %jit3A_1177 = arith.constant 2 : i32
      %jit3A_1178 = arith.constant 64 : i32
      %broadcast_in_dim3A_1179 = vector.broadcast %jit3A_1177 : i32 to vector<16xi32>
      %broadcast_in_dim3A_1180 = vector.broadcast %jit3A_1178 : i32 to vector<16xi32>
      %select_n3A_1181 = arith.select %eq3A_1176, %broadcast_in_dim3A_1179, %broadcast_in_dim3A_1180 : vector<16xi1>, vector<16xi32>
      %min3A_1182 = arith.minsi %min3A_1175, %select_n3A_1181 : vector<16xi32>
      %eq3A_1183 = arith.cmpf oeq, %select_n3A_858, %max3A_1161 : vector<16xf32>
      %jit3A_1184 = arith.constant 3 : i32
      %jit3A_1185 = arith.constant 64 : i32
      %broadcast_in_dim3A_1186 = vector.broadcast %jit3A_1184 : i32 to vector<16xi32>
      %broadcast_in_dim3A_1187 = vector.broadcast %jit3A_1185 : i32 to vector<16xi32>
      %select_n3A_1188 = arith.select %eq3A_1183, %broadcast_in_dim3A_1186, %broadcast_in_dim3A_1187 : vector<16xi1>, vector<16xi32>
      %min3A_1189 = arith.minsi %min3A_1182, %select_n3A_1188 : vector<16xi32>
      %eq3A_1190 = arith.cmpf oeq, %select_n3A_862, %max3A_1161 : vector<16xf32>
      %jit3A_1191 = arith.constant 4 : i32
      %jit3A_1192 = arith.constant 64 : i32
      %broadcast_in_dim3A_1193 = vector.broadcast %jit3A_1191 : i32 to vector<16xi32>
      %broadcast_in_dim3A_1194 = vector.broadcast %jit3A_1192 : i32 to vector<16xi32>
      %select_n3A_1195 = arith.select %eq3A_1190, %broadcast_in_dim3A_1193, %broadcast_in_dim3A_1194 : vector<16xi1>, vector<16xi32>
      %min3A_1196 = arith.minsi %min3A_1189, %select_n3A_1195 : vector<16xi32>
      %eq3A_1197 = arith.cmpf oeq, %select_n3A_866, %max3A_1161 : vector<16xf32>
      %jit3A_1198 = arith.constant 5 : i32
      %jit3A_1199 = arith.constant 64 : i32
      %broadcast_in_dim3A_1200 = vector.broadcast %jit3A_1198 : i32 to vector<16xi32>
      %broadcast_in_dim3A_1201 = vector.broadcast %jit3A_1199 : i32 to vector<16xi32>
      %select_n3A_1202 = arith.select %eq3A_1197, %broadcast_in_dim3A_1200, %broadcast_in_dim3A_1201 : vector<16xi1>, vector<16xi32>
      %min3A_1203 = arith.minsi %min3A_1196, %select_n3A_1202 : vector<16xi32>
      %eq3A_1204 = arith.cmpf oeq, %select_n3A_870, %max3A_1161 : vector<16xf32>
      %jit3A_1205 = arith.constant 6 : i32
      %jit3A_1206 = arith.constant 64 : i32
      %broadcast_in_dim3A_1207 = vector.broadcast %jit3A_1205 : i32 to vector<16xi32>
      %broadcast_in_dim3A_1208 = vector.broadcast %jit3A_1206 : i32 to vector<16xi32>
      %select_n3A_1209 = arith.select %eq3A_1204, %broadcast_in_dim3A_1207, %broadcast_in_dim3A_1208 : vector<16xi1>, vector<16xi32>
      %min3A_1210 = arith.minsi %min3A_1203, %select_n3A_1209 : vector<16xi32>
      %eq3A_1211 = arith.cmpf oeq, %select_n3A_874, %max3A_1161 : vector<16xf32>
      %jit3A_1212 = arith.constant 7 : i32
      %jit3A_1213 = arith.constant 64 : i32
      %broadcast_in_dim3A_1214 = vector.broadcast %jit3A_1212 : i32 to vector<16xi32>
      %broadcast_in_dim3A_1215 = vector.broadcast %jit3A_1213 : i32 to vector<16xi32>
      %select_n3A_1216 = arith.select %eq3A_1211, %broadcast_in_dim3A_1214, %broadcast_in_dim3A_1215 : vector<16xi1>, vector<16xi32>
      %min3A_1217 = arith.minsi %min3A_1210, %select_n3A_1216 : vector<16xi32>
      %eq3A_1218 = arith.cmpf oeq, %select_n3A_878, %max3A_1161 : vector<16xf32>
      %jit3A_1219 = arith.constant 8 : i32
      %jit3A_1220 = arith.constant 64 : i32
      %broadcast_in_dim3A_1221 = vector.broadcast %jit3A_1219 : i32 to vector<16xi32>
      %broadcast_in_dim3A_1222 = vector.broadcast %jit3A_1220 : i32 to vector<16xi32>
      %select_n3A_1223 = arith.select %eq3A_1218, %broadcast_in_dim3A_1221, %broadcast_in_dim3A_1222 : vector<16xi1>, vector<16xi32>
      %min3A_1224 = arith.minsi %min3A_1217, %select_n3A_1223 : vector<16xi32>
      %eq3A_1225 = arith.cmpf oeq, %select_n3A_882, %max3A_1161 : vector<16xf32>
      %jit3A_1226 = arith.constant 9 : i32
      %jit3A_1227 = arith.constant 64 : i32
      %broadcast_in_dim3A_1228 = vector.broadcast %jit3A_1226 : i32 to vector<16xi32>
      %broadcast_in_dim3A_1229 = vector.broadcast %jit3A_1227 : i32 to vector<16xi32>
      %select_n3A_1230 = arith.select %eq3A_1225, %broadcast_in_dim3A_1228, %broadcast_in_dim3A_1229 : vector<16xi1>, vector<16xi32>
      %min3A_1231 = arith.minsi %min3A_1224, %select_n3A_1230 : vector<16xi32>
      %eq3A_1232 = arith.cmpf oeq, %select_n3A_886, %max3A_1161 : vector<16xf32>
      %jit3A_1233 = arith.constant 10 : i32
      %jit3A_1234 = arith.constant 64 : i32
      %broadcast_in_dim3A_1235 = vector.broadcast %jit3A_1233 : i32 to vector<16xi32>
      %broadcast_in_dim3A_1236 = vector.broadcast %jit3A_1234 : i32 to vector<16xi32>
      %select_n3A_1237 = arith.select %eq3A_1232, %broadcast_in_dim3A_1235, %broadcast_in_dim3A_1236 : vector<16xi1>, vector<16xi32>
      %min3A_1238 = arith.minsi %min3A_1231, %select_n3A_1237 : vector<16xi32>
      %eq3A_1239 = arith.cmpf oeq, %select_n3A_890, %max3A_1161 : vector<16xf32>
      %jit3A_1240 = arith.constant 11 : i32
      %jit3A_1241 = arith.constant 64 : i32
      %broadcast_in_dim3A_1242 = vector.broadcast %jit3A_1240 : i32 to vector<16xi32>
      %broadcast_in_dim3A_1243 = vector.broadcast %jit3A_1241 : i32 to vector<16xi32>
      %select_n3A_1244 = arith.select %eq3A_1239, %broadcast_in_dim3A_1242, %broadcast_in_dim3A_1243 : vector<16xi1>, vector<16xi32>
      %min3A_1245 = arith.minsi %min3A_1238, %select_n3A_1244 : vector<16xi32>
      %eq3A_1246 = arith.cmpf oeq, %select_n3A_894, %max3A_1161 : vector<16xf32>
      %jit3A_1247 = arith.constant 12 : i32
      %jit3A_1248 = arith.constant 64 : i32
      %broadcast_in_dim3A_1249 = vector.broadcast %jit3A_1247 : i32 to vector<16xi32>
      %broadcast_in_dim3A_1250 = vector.broadcast %jit3A_1248 : i32 to vector<16xi32>
      %select_n3A_1251 = arith.select %eq3A_1246, %broadcast_in_dim3A_1249, %broadcast_in_dim3A_1250 : vector<16xi1>, vector<16xi32>
      %min3A_1252 = arith.minsi %min3A_1245, %select_n3A_1251 : vector<16xi32>
      %eq3A_1253 = arith.cmpf oeq, %select_n3A_898, %max3A_1161 : vector<16xf32>
      %jit3A_1254 = arith.constant 13 : i32
      %jit3A_1255 = arith.constant 64 : i32
      %broadcast_in_dim3A_1256 = vector.broadcast %jit3A_1254 : i32 to vector<16xi32>
      %broadcast_in_dim3A_1257 = vector.broadcast %jit3A_1255 : i32 to vector<16xi32>
      %select_n3A_1258 = arith.select %eq3A_1253, %broadcast_in_dim3A_1256, %broadcast_in_dim3A_1257 : vector<16xi1>, vector<16xi32>
      %min3A_1259 = arith.minsi %min3A_1252, %select_n3A_1258 : vector<16xi32>
      %eq3A_1260 = arith.cmpf oeq, %select_n3A_902, %max3A_1161 : vector<16xf32>
      %jit3A_1261 = arith.constant 14 : i32
      %jit3A_1262 = arith.constant 64 : i32
      %broadcast_in_dim3A_1263 = vector.broadcast %jit3A_1261 : i32 to vector<16xi32>
      %broadcast_in_dim3A_1264 = vector.broadcast %jit3A_1262 : i32 to vector<16xi32>
      %select_n3A_1265 = arith.select %eq3A_1260, %broadcast_in_dim3A_1263, %broadcast_in_dim3A_1264 : vector<16xi1>, vector<16xi32>
      %min3A_1266 = arith.minsi %min3A_1259, %select_n3A_1265 : vector<16xi32>
      %eq3A_1267 = arith.cmpf oeq, %select_n3A_906, %max3A_1161 : vector<16xf32>
      %jit3A_1268 = arith.constant 15 : i32
      %jit3A_1269 = arith.constant 64 : i32
      %broadcast_in_dim3A_1270 = vector.broadcast %jit3A_1268 : i32 to vector<16xi32>
      %broadcast_in_dim3A_1271 = vector.broadcast %jit3A_1269 : i32 to vector<16xi32>
      %select_n3A_1272 = arith.select %eq3A_1267, %broadcast_in_dim3A_1270, %broadcast_in_dim3A_1271 : vector<16xi1>, vector<16xi32>
      %min3A_1273 = arith.minsi %min3A_1266, %select_n3A_1272 : vector<16xi32>
      %eq3A_1274 = arith.cmpf oeq, %select_n3A_910, %max3A_1161 : vector<16xf32>
      %jit3A_1275 = arith.constant 16 : i32
      %jit3A_1276 = arith.constant 64 : i32
      %broadcast_in_dim3A_1277 = vector.broadcast %jit3A_1275 : i32 to vector<16xi32>
      %broadcast_in_dim3A_1278 = vector.broadcast %jit3A_1276 : i32 to vector<16xi32>
      %select_n3A_1279 = arith.select %eq3A_1274, %broadcast_in_dim3A_1277, %broadcast_in_dim3A_1278 : vector<16xi1>, vector<16xi32>
      %min3A_1280 = arith.minsi %min3A_1273, %select_n3A_1279 : vector<16xi32>
      %eq3A_1281 = arith.cmpf oeq, %select_n3A_914, %max3A_1161 : vector<16xf32>
      %jit3A_1282 = arith.constant 17 : i32
      %jit3A_1283 = arith.constant 64 : i32
      %broadcast_in_dim3A_1284 = vector.broadcast %jit3A_1282 : i32 to vector<16xi32>
      %broadcast_in_dim3A_1285 = vector.broadcast %jit3A_1283 : i32 to vector<16xi32>
      %select_n3A_1286 = arith.select %eq3A_1281, %broadcast_in_dim3A_1284, %broadcast_in_dim3A_1285 : vector<16xi1>, vector<16xi32>
      %min3A_1287 = arith.minsi %min3A_1280, %select_n3A_1286 : vector<16xi32>
      %eq3A_1288 = arith.cmpf oeq, %select_n3A_918, %max3A_1161 : vector<16xf32>
      %jit3A_1289 = arith.constant 18 : i32
      %jit3A_1290 = arith.constant 64 : i32
      %broadcast_in_dim3A_1291 = vector.broadcast %jit3A_1289 : i32 to vector<16xi32>
      %broadcast_in_dim3A_1292 = vector.broadcast %jit3A_1290 : i32 to vector<16xi32>
      %select_n3A_1293 = arith.select %eq3A_1288, %broadcast_in_dim3A_1291, %broadcast_in_dim3A_1292 : vector<16xi1>, vector<16xi32>
      %min3A_1294 = arith.minsi %min3A_1287, %select_n3A_1293 : vector<16xi32>
      %eq3A_1295 = arith.cmpf oeq, %select_n3A_922, %max3A_1161 : vector<16xf32>
      %jit3A_1296 = arith.constant 19 : i32
      %jit3A_1297 = arith.constant 64 : i32
      %broadcast_in_dim3A_1298 = vector.broadcast %jit3A_1296 : i32 to vector<16xi32>
      %broadcast_in_dim3A_1299 = vector.broadcast %jit3A_1297 : i32 to vector<16xi32>
      %select_n3A_1300 = arith.select %eq3A_1295, %broadcast_in_dim3A_1298, %broadcast_in_dim3A_1299 : vector<16xi1>, vector<16xi32>
      %min3A_1301 = arith.minsi %min3A_1294, %select_n3A_1300 : vector<16xi32>
      %eq3A_1302 = arith.cmpf oeq, %select_n3A_926, %max3A_1161 : vector<16xf32>
      %jit3A_1303 = arith.constant 20 : i32
      %jit3A_1304 = arith.constant 64 : i32
      %broadcast_in_dim3A_1305 = vector.broadcast %jit3A_1303 : i32 to vector<16xi32>
      %broadcast_in_dim3A_1306 = vector.broadcast %jit3A_1304 : i32 to vector<16xi32>
      %select_n3A_1307 = arith.select %eq3A_1302, %broadcast_in_dim3A_1305, %broadcast_in_dim3A_1306 : vector<16xi1>, vector<16xi32>
      %min3A_1308 = arith.minsi %min3A_1301, %select_n3A_1307 : vector<16xi32>
      %eq3A_1309 = arith.cmpf oeq, %select_n3A_930, %max3A_1161 : vector<16xf32>
      %jit3A_1310 = arith.constant 21 : i32
      %jit3A_1311 = arith.constant 64 : i32
      %broadcast_in_dim3A_1312 = vector.broadcast %jit3A_1310 : i32 to vector<16xi32>
      %broadcast_in_dim3A_1313 = vector.broadcast %jit3A_1311 : i32 to vector<16xi32>
      %select_n3A_1314 = arith.select %eq3A_1309, %broadcast_in_dim3A_1312, %broadcast_in_dim3A_1313 : vector<16xi1>, vector<16xi32>
      %min3A_1315 = arith.minsi %min3A_1308, %select_n3A_1314 : vector<16xi32>
      %eq3A_1316 = arith.cmpf oeq, %select_n3A_934, %max3A_1161 : vector<16xf32>
      %jit3A_1317 = arith.constant 22 : i32
      %jit3A_1318 = arith.constant 64 : i32
      %broadcast_in_dim3A_1319 = vector.broadcast %jit3A_1317 : i32 to vector<16xi32>
      %broadcast_in_dim3A_1320 = vector.broadcast %jit3A_1318 : i32 to vector<16xi32>
      %select_n3A_1321 = arith.select %eq3A_1316, %broadcast_in_dim3A_1319, %broadcast_in_dim3A_1320 : vector<16xi1>, vector<16xi32>
      %min3A_1322 = arith.minsi %min3A_1315, %select_n3A_1321 : vector<16xi32>
      %eq3A_1323 = arith.cmpf oeq, %select_n3A_938, %max3A_1161 : vector<16xf32>
      %jit3A_1324 = arith.constant 23 : i32
      %jit3A_1325 = arith.constant 64 : i32
      %broadcast_in_dim3A_1326 = vector.broadcast %jit3A_1324 : i32 to vector<16xi32>
      %broadcast_in_dim3A_1327 = vector.broadcast %jit3A_1325 : i32 to vector<16xi32>
      %select_n3A_1328 = arith.select %eq3A_1323, %broadcast_in_dim3A_1326, %broadcast_in_dim3A_1327 : vector<16xi1>, vector<16xi32>
      %min3A_1329 = arith.minsi %min3A_1322, %select_n3A_1328 : vector<16xi32>
      %eq3A_1330 = arith.cmpf oeq, %select_n3A_942, %max3A_1161 : vector<16xf32>
      %jit3A_1331 = arith.constant 24 : i32
      %jit3A_1332 = arith.constant 64 : i32
      %broadcast_in_dim3A_1333 = vector.broadcast %jit3A_1331 : i32 to vector<16xi32>
      %broadcast_in_dim3A_1334 = vector.broadcast %jit3A_1332 : i32 to vector<16xi32>
      %select_n3A_1335 = arith.select %eq3A_1330, %broadcast_in_dim3A_1333, %broadcast_in_dim3A_1334 : vector<16xi1>, vector<16xi32>
      %min3A_1336 = arith.minsi %min3A_1329, %select_n3A_1335 : vector<16xi32>
      %eq3A_1337 = arith.cmpf oeq, %select_n3A_946, %max3A_1161 : vector<16xf32>
      %jit3A_1338 = arith.constant 25 : i32
      %jit3A_1339 = arith.constant 64 : i32
      %broadcast_in_dim3A_1340 = vector.broadcast %jit3A_1338 : i32 to vector<16xi32>
      %broadcast_in_dim3A_1341 = vector.broadcast %jit3A_1339 : i32 to vector<16xi32>
      %select_n3A_1342 = arith.select %eq3A_1337, %broadcast_in_dim3A_1340, %broadcast_in_dim3A_1341 : vector<16xi1>, vector<16xi32>
      %min3A_1343 = arith.minsi %min3A_1336, %select_n3A_1342 : vector<16xi32>
      %eq3A_1344 = arith.cmpf oeq, %select_n3A_950, %max3A_1161 : vector<16xf32>
      %jit3A_1345 = arith.constant 26 : i32
      %jit3A_1346 = arith.constant 64 : i32
      %broadcast_in_dim3A_1347 = vector.broadcast %jit3A_1345 : i32 to vector<16xi32>
      %broadcast_in_dim3A_1348 = vector.broadcast %jit3A_1346 : i32 to vector<16xi32>
      %select_n3A_1349 = arith.select %eq3A_1344, %broadcast_in_dim3A_1347, %broadcast_in_dim3A_1348 : vector<16xi1>, vector<16xi32>
      %min3A_1350 = arith.minsi %min3A_1343, %select_n3A_1349 : vector<16xi32>
      %eq3A_1351 = arith.cmpf oeq, %select_n3A_954, %max3A_1161 : vector<16xf32>
      %jit3A_1352 = arith.constant 27 : i32
      %jit3A_1353 = arith.constant 64 : i32
      %broadcast_in_dim3A_1354 = vector.broadcast %jit3A_1352 : i32 to vector<16xi32>
      %broadcast_in_dim3A_1355 = vector.broadcast %jit3A_1353 : i32 to vector<16xi32>
      %select_n3A_1356 = arith.select %eq3A_1351, %broadcast_in_dim3A_1354, %broadcast_in_dim3A_1355 : vector<16xi1>, vector<16xi32>
      %min3A_1357 = arith.minsi %min3A_1350, %select_n3A_1356 : vector<16xi32>
      %eq3A_1358 = arith.cmpf oeq, %select_n3A_958, %max3A_1161 : vector<16xf32>
      %jit3A_1359 = arith.constant 28 : i32
      %jit3A_1360 = arith.constant 64 : i32
      %broadcast_in_dim3A_1361 = vector.broadcast %jit3A_1359 : i32 to vector<16xi32>
      %broadcast_in_dim3A_1362 = vector.broadcast %jit3A_1360 : i32 to vector<16xi32>
      %select_n3A_1363 = arith.select %eq3A_1358, %broadcast_in_dim3A_1361, %broadcast_in_dim3A_1362 : vector<16xi1>, vector<16xi32>
      %min3A_1364 = arith.minsi %min3A_1357, %select_n3A_1363 : vector<16xi32>
      %eq3A_1365 = arith.cmpf oeq, %select_n3A_962, %max3A_1161 : vector<16xf32>
      %jit3A_1366 = arith.constant 29 : i32
      %jit3A_1367 = arith.constant 64 : i32
      %broadcast_in_dim3A_1368 = vector.broadcast %jit3A_1366 : i32 to vector<16xi32>
      %broadcast_in_dim3A_1369 = vector.broadcast %jit3A_1367 : i32 to vector<16xi32>
      %select_n3A_1370 = arith.select %eq3A_1365, %broadcast_in_dim3A_1368, %broadcast_in_dim3A_1369 : vector<16xi1>, vector<16xi32>
      %min3A_1371 = arith.minsi %min3A_1364, %select_n3A_1370 : vector<16xi32>
      %eq3A_1372 = arith.cmpf oeq, %select_n3A_966, %max3A_1161 : vector<16xf32>
      %jit3A_1373 = arith.constant 30 : i32
      %jit3A_1374 = arith.constant 64 : i32
      %broadcast_in_dim3A_1375 = vector.broadcast %jit3A_1373 : i32 to vector<16xi32>
      %broadcast_in_dim3A_1376 = vector.broadcast %jit3A_1374 : i32 to vector<16xi32>
      %select_n3A_1377 = arith.select %eq3A_1372, %broadcast_in_dim3A_1375, %broadcast_in_dim3A_1376 : vector<16xi1>, vector<16xi32>
      %min3A_1378 = arith.minsi %min3A_1371, %select_n3A_1377 : vector<16xi32>
      %eq3A_1379 = arith.cmpf oeq, %select_n3A_970, %max3A_1161 : vector<16xf32>
      %jit3A_1380 = arith.constant 31 : i32
      %jit3A_1381 = arith.constant 64 : i32
      %broadcast_in_dim3A_1382 = vector.broadcast %jit3A_1380 : i32 to vector<16xi32>
      %broadcast_in_dim3A_1383 = vector.broadcast %jit3A_1381 : i32 to vector<16xi32>
      %select_n3A_1384 = arith.select %eq3A_1379, %broadcast_in_dim3A_1382, %broadcast_in_dim3A_1383 : vector<16xi1>, vector<16xi32>
      %min3A_1385 = arith.minsi %min3A_1378, %select_n3A_1384 : vector<16xi32>
      %eq3A_1386 = arith.cmpf oeq, %select_n3A_974, %max3A_1161 : vector<16xf32>
      %jit3A_1387 = arith.constant 32 : i32
      %jit3A_1388 = arith.constant 64 : i32
      %broadcast_in_dim3A_1389 = vector.broadcast %jit3A_1387 : i32 to vector<16xi32>
      %broadcast_in_dim3A_1390 = vector.broadcast %jit3A_1388 : i32 to vector<16xi32>
      %select_n3A_1391 = arith.select %eq3A_1386, %broadcast_in_dim3A_1389, %broadcast_in_dim3A_1390 : vector<16xi1>, vector<16xi32>
      %min3A_1392 = arith.minsi %min3A_1385, %select_n3A_1391 : vector<16xi32>
      %eq3A_1393 = arith.cmpf oeq, %select_n3A_978, %max3A_1161 : vector<16xf32>
      %jit3A_1394 = arith.constant 33 : i32
      %jit3A_1395 = arith.constant 64 : i32
      %broadcast_in_dim3A_1396 = vector.broadcast %jit3A_1394 : i32 to vector<16xi32>
      %broadcast_in_dim3A_1397 = vector.broadcast %jit3A_1395 : i32 to vector<16xi32>
      %select_n3A_1398 = arith.select %eq3A_1393, %broadcast_in_dim3A_1396, %broadcast_in_dim3A_1397 : vector<16xi1>, vector<16xi32>
      %min3A_1399 = arith.minsi %min3A_1392, %select_n3A_1398 : vector<16xi32>
      %eq3A_1400 = arith.cmpf oeq, %select_n3A_982, %max3A_1161 : vector<16xf32>
      %jit3A_1401 = arith.constant 34 : i32
      %jit3A_1402 = arith.constant 64 : i32
      %broadcast_in_dim3A_1403 = vector.broadcast %jit3A_1401 : i32 to vector<16xi32>
      %broadcast_in_dim3A_1404 = vector.broadcast %jit3A_1402 : i32 to vector<16xi32>
      %select_n3A_1405 = arith.select %eq3A_1400, %broadcast_in_dim3A_1403, %broadcast_in_dim3A_1404 : vector<16xi1>, vector<16xi32>
      %min3A_1406 = arith.minsi %min3A_1399, %select_n3A_1405 : vector<16xi32>
      %eq3A_1407 = arith.cmpf oeq, %select_n3A_986, %max3A_1161 : vector<16xf32>
      %jit3A_1408 = arith.constant 35 : i32
      %jit3A_1409 = arith.constant 64 : i32
      %broadcast_in_dim3A_1410 = vector.broadcast %jit3A_1408 : i32 to vector<16xi32>
      %broadcast_in_dim3A_1411 = vector.broadcast %jit3A_1409 : i32 to vector<16xi32>
      %select_n3A_1412 = arith.select %eq3A_1407, %broadcast_in_dim3A_1410, %broadcast_in_dim3A_1411 : vector<16xi1>, vector<16xi32>
      %min3A_1413 = arith.minsi %min3A_1406, %select_n3A_1412 : vector<16xi32>
      %eq3A_1414 = arith.cmpf oeq, %select_n3A_990, %max3A_1161 : vector<16xf32>
      %jit3A_1415 = arith.constant 36 : i32
      %jit3A_1416 = arith.constant 64 : i32
      %broadcast_in_dim3A_1417 = vector.broadcast %jit3A_1415 : i32 to vector<16xi32>
      %broadcast_in_dim3A_1418 = vector.broadcast %jit3A_1416 : i32 to vector<16xi32>
      %select_n3A_1419 = arith.select %eq3A_1414, %broadcast_in_dim3A_1417, %broadcast_in_dim3A_1418 : vector<16xi1>, vector<16xi32>
      %min3A_1420 = arith.minsi %min3A_1413, %select_n3A_1419 : vector<16xi32>
      %eq3A_1421 = arith.cmpf oeq, %select_n3A_994, %max3A_1161 : vector<16xf32>
      %jit3A_1422 = arith.constant 37 : i32
      %jit3A_1423 = arith.constant 64 : i32
      %broadcast_in_dim3A_1424 = vector.broadcast %jit3A_1422 : i32 to vector<16xi32>
      %broadcast_in_dim3A_1425 = vector.broadcast %jit3A_1423 : i32 to vector<16xi32>
      %select_n3A_1426 = arith.select %eq3A_1421, %broadcast_in_dim3A_1424, %broadcast_in_dim3A_1425 : vector<16xi1>, vector<16xi32>
      %min3A_1427 = arith.minsi %min3A_1420, %select_n3A_1426 : vector<16xi32>
      %eq3A_1428 = arith.cmpf oeq, %select_n3A_998, %max3A_1161 : vector<16xf32>
      %jit3A_1429 = arith.constant 38 : i32
      %jit3A_1430 = arith.constant 64 : i32
      %broadcast_in_dim3A_1431 = vector.broadcast %jit3A_1429 : i32 to vector<16xi32>
      %broadcast_in_dim3A_1432 = vector.broadcast %jit3A_1430 : i32 to vector<16xi32>
      %select_n3A_1433 = arith.select %eq3A_1428, %broadcast_in_dim3A_1431, %broadcast_in_dim3A_1432 : vector<16xi1>, vector<16xi32>
      %min3A_1434 = arith.minsi %min3A_1427, %select_n3A_1433 : vector<16xi32>
      %eq3A_1435 = arith.cmpf oeq, %select_n3A_1002, %max3A_1161 : vector<16xf32>
      %jit3A_1436 = arith.constant 39 : i32
      %jit3A_1437 = arith.constant 64 : i32
      %broadcast_in_dim3A_1438 = vector.broadcast %jit3A_1436 : i32 to vector<16xi32>
      %broadcast_in_dim3A_1439 = vector.broadcast %jit3A_1437 : i32 to vector<16xi32>
      %select_n3A_1440 = arith.select %eq3A_1435, %broadcast_in_dim3A_1438, %broadcast_in_dim3A_1439 : vector<16xi1>, vector<16xi32>
      %min3A_1441 = arith.minsi %min3A_1434, %select_n3A_1440 : vector<16xi32>
      %eq3A_1442 = arith.cmpf oeq, %select_n3A_1006, %max3A_1161 : vector<16xf32>
      %jit3A_1443 = arith.constant 40 : i32
      %jit3A_1444 = arith.constant 64 : i32
      %broadcast_in_dim3A_1445 = vector.broadcast %jit3A_1443 : i32 to vector<16xi32>
      %broadcast_in_dim3A_1446 = vector.broadcast %jit3A_1444 : i32 to vector<16xi32>
      %select_n3A_1447 = arith.select %eq3A_1442, %broadcast_in_dim3A_1445, %broadcast_in_dim3A_1446 : vector<16xi1>, vector<16xi32>
      %min3A_1448 = arith.minsi %min3A_1441, %select_n3A_1447 : vector<16xi32>
      %eq3A_1449 = arith.cmpf oeq, %select_n3A_1010, %max3A_1161 : vector<16xf32>
      %jit3A_1450 = arith.constant 41 : i32
      %jit3A_1451 = arith.constant 64 : i32
      %broadcast_in_dim3A_1452 = vector.broadcast %jit3A_1450 : i32 to vector<16xi32>
      %broadcast_in_dim3A_1453 = vector.broadcast %jit3A_1451 : i32 to vector<16xi32>
      %select_n3A_1454 = arith.select %eq3A_1449, %broadcast_in_dim3A_1452, %broadcast_in_dim3A_1453 : vector<16xi1>, vector<16xi32>
      %min3A_1455 = arith.minsi %min3A_1448, %select_n3A_1454 : vector<16xi32>
      %eq3A_1456 = arith.cmpf oeq, %select_n3A_1014, %max3A_1161 : vector<16xf32>
      %jit3A_1457 = arith.constant 42 : i32
      %jit3A_1458 = arith.constant 64 : i32
      %broadcast_in_dim3A_1459 = vector.broadcast %jit3A_1457 : i32 to vector<16xi32>
      %broadcast_in_dim3A_1460 = vector.broadcast %jit3A_1458 : i32 to vector<16xi32>
      %select_n3A_1461 = arith.select %eq3A_1456, %broadcast_in_dim3A_1459, %broadcast_in_dim3A_1460 : vector<16xi1>, vector<16xi32>
      %min3A_1462 = arith.minsi %min3A_1455, %select_n3A_1461 : vector<16xi32>
      %eq3A_1463 = arith.cmpf oeq, %select_n3A_1018, %max3A_1161 : vector<16xf32>
      %jit3A_1464 = arith.constant 43 : i32
      %jit3A_1465 = arith.constant 64 : i32
      %broadcast_in_dim3A_1466 = vector.broadcast %jit3A_1464 : i32 to vector<16xi32>
      %broadcast_in_dim3A_1467 = vector.broadcast %jit3A_1465 : i32 to vector<16xi32>
      %select_n3A_1468 = arith.select %eq3A_1463, %broadcast_in_dim3A_1466, %broadcast_in_dim3A_1467 : vector<16xi1>, vector<16xi32>
      %min3A_1469 = arith.minsi %min3A_1462, %select_n3A_1468 : vector<16xi32>
      %eq3A_1470 = arith.cmpf oeq, %select_n3A_1022, %max3A_1161 : vector<16xf32>
      %jit3A_1471 = arith.constant 44 : i32
      %jit3A_1472 = arith.constant 64 : i32
      %broadcast_in_dim3A_1473 = vector.broadcast %jit3A_1471 : i32 to vector<16xi32>
      %broadcast_in_dim3A_1474 = vector.broadcast %jit3A_1472 : i32 to vector<16xi32>
      %select_n3A_1475 = arith.select %eq3A_1470, %broadcast_in_dim3A_1473, %broadcast_in_dim3A_1474 : vector<16xi1>, vector<16xi32>
      %min3A_1476 = arith.minsi %min3A_1469, %select_n3A_1475 : vector<16xi32>
      %eq3A_1477 = arith.cmpf oeq, %select_n3A_1026, %max3A_1161 : vector<16xf32>
      %jit3A_1478 = arith.constant 45 : i32
      %jit3A_1479 = arith.constant 64 : i32
      %broadcast_in_dim3A_1480 = vector.broadcast %jit3A_1478 : i32 to vector<16xi32>
      %broadcast_in_dim3A_1481 = vector.broadcast %jit3A_1479 : i32 to vector<16xi32>
      %select_n3A_1482 = arith.select %eq3A_1477, %broadcast_in_dim3A_1480, %broadcast_in_dim3A_1481 : vector<16xi1>, vector<16xi32>
      %min3A_1483 = arith.minsi %min3A_1476, %select_n3A_1482 : vector<16xi32>
      %eq3A_1484 = arith.cmpf oeq, %select_n3A_1030, %max3A_1161 : vector<16xf32>
      %jit3A_1485 = arith.constant 46 : i32
      %jit3A_1486 = arith.constant 64 : i32
      %broadcast_in_dim3A_1487 = vector.broadcast %jit3A_1485 : i32 to vector<16xi32>
      %broadcast_in_dim3A_1488 = vector.broadcast %jit3A_1486 : i32 to vector<16xi32>
      %select_n3A_1489 = arith.select %eq3A_1484, %broadcast_in_dim3A_1487, %broadcast_in_dim3A_1488 : vector<16xi1>, vector<16xi32>
      %min3A_1490 = arith.minsi %min3A_1483, %select_n3A_1489 : vector<16xi32>
      %eq3A_1491 = arith.cmpf oeq, %select_n3A_1034, %max3A_1161 : vector<16xf32>
      %jit3A_1492 = arith.constant 47 : i32
      %jit3A_1493 = arith.constant 64 : i32
      %broadcast_in_dim3A_1494 = vector.broadcast %jit3A_1492 : i32 to vector<16xi32>
      %broadcast_in_dim3A_1495 = vector.broadcast %jit3A_1493 : i32 to vector<16xi32>
      %select_n3A_1496 = arith.select %eq3A_1491, %broadcast_in_dim3A_1494, %broadcast_in_dim3A_1495 : vector<16xi1>, vector<16xi32>
      %min3A_1497 = arith.minsi %min3A_1490, %select_n3A_1496 : vector<16xi32>
      %eq3A_1498 = arith.cmpf oeq, %select_n3A_1038, %max3A_1161 : vector<16xf32>
      %jit3A_1499 = arith.constant 48 : i32
      %jit3A_1500 = arith.constant 64 : i32
      %broadcast_in_dim3A_1501 = vector.broadcast %jit3A_1499 : i32 to vector<16xi32>
      %broadcast_in_dim3A_1502 = vector.broadcast %jit3A_1500 : i32 to vector<16xi32>
      %select_n3A_1503 = arith.select %eq3A_1498, %broadcast_in_dim3A_1501, %broadcast_in_dim3A_1502 : vector<16xi1>, vector<16xi32>
      %min3A_1504 = arith.minsi %min3A_1497, %select_n3A_1503 : vector<16xi32>
      %eq3A_1505 = arith.cmpf oeq, %select_n3A_1042, %max3A_1161 : vector<16xf32>
      %jit3A_1506 = arith.constant 49 : i32
      %jit3A_1507 = arith.constant 64 : i32
      %broadcast_in_dim3A_1508 = vector.broadcast %jit3A_1506 : i32 to vector<16xi32>
      %broadcast_in_dim3A_1509 = vector.broadcast %jit3A_1507 : i32 to vector<16xi32>
      %select_n3A_1510 = arith.select %eq3A_1505, %broadcast_in_dim3A_1508, %broadcast_in_dim3A_1509 : vector<16xi1>, vector<16xi32>
      %min3A_1511 = arith.minsi %min3A_1504, %select_n3A_1510 : vector<16xi32>
      %eq3A_1512 = arith.cmpf oeq, %select_n3A_1046, %max3A_1161 : vector<16xf32>
      %jit3A_1513 = arith.constant 50 : i32
      %jit3A_1514 = arith.constant 64 : i32
      %broadcast_in_dim3A_1515 = vector.broadcast %jit3A_1513 : i32 to vector<16xi32>
      %broadcast_in_dim3A_1516 = vector.broadcast %jit3A_1514 : i32 to vector<16xi32>
      %select_n3A_1517 = arith.select %eq3A_1512, %broadcast_in_dim3A_1515, %broadcast_in_dim3A_1516 : vector<16xi1>, vector<16xi32>
      %min3A_1518 = arith.minsi %min3A_1511, %select_n3A_1517 : vector<16xi32>
      %eq3A_1519 = arith.cmpf oeq, %select_n3A_1050, %max3A_1161 : vector<16xf32>
      %jit3A_1520 = arith.constant 51 : i32
      %jit3A_1521 = arith.constant 64 : i32
      %broadcast_in_dim3A_1522 = vector.broadcast %jit3A_1520 : i32 to vector<16xi32>
      %broadcast_in_dim3A_1523 = vector.broadcast %jit3A_1521 : i32 to vector<16xi32>
      %select_n3A_1524 = arith.select %eq3A_1519, %broadcast_in_dim3A_1522, %broadcast_in_dim3A_1523 : vector<16xi1>, vector<16xi32>
      %min3A_1525 = arith.minsi %min3A_1518, %select_n3A_1524 : vector<16xi32>
      %eq3A_1526 = arith.cmpf oeq, %select_n3A_1054, %max3A_1161 : vector<16xf32>
      %jit3A_1527 = arith.constant 52 : i32
      %jit3A_1528 = arith.constant 64 : i32
      %broadcast_in_dim3A_1529 = vector.broadcast %jit3A_1527 : i32 to vector<16xi32>
      %broadcast_in_dim3A_1530 = vector.broadcast %jit3A_1528 : i32 to vector<16xi32>
      %select_n3A_1531 = arith.select %eq3A_1526, %broadcast_in_dim3A_1529, %broadcast_in_dim3A_1530 : vector<16xi1>, vector<16xi32>
      %min3A_1532 = arith.minsi %min3A_1525, %select_n3A_1531 : vector<16xi32>
      %eq3A_1533 = arith.cmpf oeq, %select_n3A_1058, %max3A_1161 : vector<16xf32>
      %jit3A_1534 = arith.constant 53 : i32
      %jit3A_1535 = arith.constant 64 : i32
      %broadcast_in_dim3A_1536 = vector.broadcast %jit3A_1534 : i32 to vector<16xi32>
      %broadcast_in_dim3A_1537 = vector.broadcast %jit3A_1535 : i32 to vector<16xi32>
      %select_n3A_1538 = arith.select %eq3A_1533, %broadcast_in_dim3A_1536, %broadcast_in_dim3A_1537 : vector<16xi1>, vector<16xi32>
      %min3A_1539 = arith.minsi %min3A_1532, %select_n3A_1538 : vector<16xi32>
      %eq3A_1540 = arith.cmpf oeq, %select_n3A_1062, %max3A_1161 : vector<16xf32>
      %jit3A_1541 = arith.constant 54 : i32
      %jit3A_1542 = arith.constant 64 : i32
      %broadcast_in_dim3A_1543 = vector.broadcast %jit3A_1541 : i32 to vector<16xi32>
      %broadcast_in_dim3A_1544 = vector.broadcast %jit3A_1542 : i32 to vector<16xi32>
      %select_n3A_1545 = arith.select %eq3A_1540, %broadcast_in_dim3A_1543, %broadcast_in_dim3A_1544 : vector<16xi1>, vector<16xi32>
      %min3A_1546 = arith.minsi %min3A_1539, %select_n3A_1545 : vector<16xi32>
      %eq3A_1547 = arith.cmpf oeq, %select_n3A_1066, %max3A_1161 : vector<16xf32>
      %jit3A_1548 = arith.constant 55 : i32
      %jit3A_1549 = arith.constant 64 : i32
      %broadcast_in_dim3A_1550 = vector.broadcast %jit3A_1548 : i32 to vector<16xi32>
      %broadcast_in_dim3A_1551 = vector.broadcast %jit3A_1549 : i32 to vector<16xi32>
      %select_n3A_1552 = arith.select %eq3A_1547, %broadcast_in_dim3A_1550, %broadcast_in_dim3A_1551 : vector<16xi1>, vector<16xi32>
      %min3A_1553 = arith.minsi %min3A_1546, %select_n3A_1552 : vector<16xi32>
      %eq3A_1554 = arith.cmpf oeq, %select_n3A_1070, %max3A_1161 : vector<16xf32>
      %jit3A_1555 = arith.constant 56 : i32
      %jit3A_1556 = arith.constant 64 : i32
      %broadcast_in_dim3A_1557 = vector.broadcast %jit3A_1555 : i32 to vector<16xi32>
      %broadcast_in_dim3A_1558 = vector.broadcast %jit3A_1556 : i32 to vector<16xi32>
      %select_n3A_1559 = arith.select %eq3A_1554, %broadcast_in_dim3A_1557, %broadcast_in_dim3A_1558 : vector<16xi1>, vector<16xi32>
      %min3A_1560 = arith.minsi %min3A_1553, %select_n3A_1559 : vector<16xi32>
      %eq3A_1561 = arith.cmpf oeq, %select_n3A_1074, %max3A_1161 : vector<16xf32>
      %jit3A_1562 = arith.constant 57 : i32
      %jit3A_1563 = arith.constant 64 : i32
      %broadcast_in_dim3A_1564 = vector.broadcast %jit3A_1562 : i32 to vector<16xi32>
      %broadcast_in_dim3A_1565 = vector.broadcast %jit3A_1563 : i32 to vector<16xi32>
      %select_n3A_1566 = arith.select %eq3A_1561, %broadcast_in_dim3A_1564, %broadcast_in_dim3A_1565 : vector<16xi1>, vector<16xi32>
      %min3A_1567 = arith.minsi %min3A_1560, %select_n3A_1566 : vector<16xi32>
      %eq3A_1568 = arith.cmpf oeq, %select_n3A_1078, %max3A_1161 : vector<16xf32>
      %jit3A_1569 = arith.constant 58 : i32
      %jit3A_1570 = arith.constant 64 : i32
      %broadcast_in_dim3A_1571 = vector.broadcast %jit3A_1569 : i32 to vector<16xi32>
      %broadcast_in_dim3A_1572 = vector.broadcast %jit3A_1570 : i32 to vector<16xi32>
      %select_n3A_1573 = arith.select %eq3A_1568, %broadcast_in_dim3A_1571, %broadcast_in_dim3A_1572 : vector<16xi1>, vector<16xi32>
      %min3A_1574 = arith.minsi %min3A_1567, %select_n3A_1573 : vector<16xi32>
      %eq3A_1575 = arith.cmpf oeq, %select_n3A_1082, %max3A_1161 : vector<16xf32>
      %jit3A_1576 = arith.constant 59 : i32
      %jit3A_1577 = arith.constant 64 : i32
      %broadcast_in_dim3A_1578 = vector.broadcast %jit3A_1576 : i32 to vector<16xi32>
      %broadcast_in_dim3A_1579 = vector.broadcast %jit3A_1577 : i32 to vector<16xi32>
      %select_n3A_1580 = arith.select %eq3A_1575, %broadcast_in_dim3A_1578, %broadcast_in_dim3A_1579 : vector<16xi1>, vector<16xi32>
      %min3A_1581 = arith.minsi %min3A_1574, %select_n3A_1580 : vector<16xi32>
      %eq3A_1582 = arith.cmpf oeq, %select_n3A_1086, %max3A_1161 : vector<16xf32>
      %jit3A_1583 = arith.constant 60 : i32
      %jit3A_1584 = arith.constant 64 : i32
      %broadcast_in_dim3A_1585 = vector.broadcast %jit3A_1583 : i32 to vector<16xi32>
      %broadcast_in_dim3A_1586 = vector.broadcast %jit3A_1584 : i32 to vector<16xi32>
      %select_n3A_1587 = arith.select %eq3A_1582, %broadcast_in_dim3A_1585, %broadcast_in_dim3A_1586 : vector<16xi1>, vector<16xi32>
      %min3A_1588 = arith.minsi %min3A_1581, %select_n3A_1587 : vector<16xi32>
      %eq3A_1589 = arith.cmpf oeq, %select_n3A_1090, %max3A_1161 : vector<16xf32>
      %jit3A_1590 = arith.constant 61 : i32
      %jit3A_1591 = arith.constant 64 : i32
      %broadcast_in_dim3A_1592 = vector.broadcast %jit3A_1590 : i32 to vector<16xi32>
      %broadcast_in_dim3A_1593 = vector.broadcast %jit3A_1591 : i32 to vector<16xi32>
      %select_n3A_1594 = arith.select %eq3A_1589, %broadcast_in_dim3A_1592, %broadcast_in_dim3A_1593 : vector<16xi1>, vector<16xi32>
      %min3A_1595 = arith.minsi %min3A_1588, %select_n3A_1594 : vector<16xi32>
      %eq3A_1596 = arith.cmpf oeq, %select_n3A_1094, %max3A_1161 : vector<16xf32>
      %jit3A_1597 = arith.constant 62 : i32
      %jit3A_1598 = arith.constant 64 : i32
      %broadcast_in_dim3A_1599 = vector.broadcast %jit3A_1597 : i32 to vector<16xi32>
      %broadcast_in_dim3A_1600 = vector.broadcast %jit3A_1598 : i32 to vector<16xi32>
      %select_n3A_1601 = arith.select %eq3A_1596, %broadcast_in_dim3A_1599, %broadcast_in_dim3A_1600 : vector<16xi1>, vector<16xi32>
      %min3A_1602 = arith.minsi %min3A_1595, %select_n3A_1601 : vector<16xi32>
      %eq3A_1603 = arith.cmpf oeq, %select_n3A_1098, %max3A_1161 : vector<16xf32>
      %jit3A_1604 = arith.constant 63 : i32
      %jit3A_1605 = arith.constant 64 : i32
      %broadcast_in_dim3A_1606 = vector.broadcast %jit3A_1604 : i32 to vector<16xi32>
      %broadcast_in_dim3A_1607 = vector.broadcast %jit3A_1605 : i32 to vector<16xi32>
      %select_n3A_1608 = arith.select %eq3A_1603, %broadcast_in_dim3A_1606, %broadcast_in_dim3A_1607 : vector<16xi1>, vector<16xi32>
      %min3A_1609 = arith.minsi %min3A_1602, %select_n3A_1608 : vector<16xi32>
      %sub3A = arith.subf %max3A_1161, %max3A_393 : vector<16xf32>
      %exp3A = math.exp %sub3A : vector<16xf32>
      %add3A = arith.constant 1.000000e+00 : f32
      %add3A_1610 = vector.broadcast %add3A : f32 to vector<16xf32>
      %add3A_1611 = arith.addf %add3A_1610, %exp3A : vector<16xf32>
      %div3A = arith.constant 1.000000e+00 : f32
      %div3A_1612 = vector.broadcast %div3A : f32 to vector<16xf32>
      %div3A_1613 = arith.divf %div3A_1612, %add3A_1611 : vector<16xf32>
      %sub3A_1614 = arith.constant 1.000000e+00 : f32
      %sub3A_1615 = vector.broadcast %sub3A_1614 : f32 to vector<16xf32>
      %sub3A_1616 = arith.subf %sub3A_1615, %div3A_1613 : vector<16xf32>
      %convert_element_type3A_1617 = arith.sitofp %min3A_840 : vector<16xi32> to vector<16xf32>
      %convert_element_type3A_1618 = arith.sitofp %min3A_1609 : vector<16xi32> to vector<16xf32>
      %iota3A = tpu.iota {dimensions = array<i32: 0>} : vector<16xi32>
      %eq3A_1619 = arith.constant 0 : i32
      %eq3A_1620 = vector.broadcast %eq3A_1619 : i32 to vector<16xi32>
      %eq3A_1621 = arith.cmpi eq, %iota3A, %eq3A_1620 : vector<16xi32>
      %slice3A = vector.extract_strided_slice %convert_element_type3A_1617 {offsets = [0], sizes = [1], strides = [1]} : vector<16xf32> to vector<1xf32>
      %squeeze3A = vector.extract %slice3A[0] : f32 from vector<1xf32>
      %eq3A_1622 = arith.constant 1 : i32
      %eq3A_1623 = vector.broadcast %eq3A_1622 : i32 to vector<16xi32>
      %eq3A_1624 = arith.cmpi eq, %iota3A, %eq3A_1623 : vector<16xi32>
      %slice3A_1625 = vector.extract_strided_slice %convert_element_type3A_1618 {offsets = [0], sizes = [1], strides = [1]} : vector<16xf32> to vector<1xf32>
      %squeeze3A_1626 = vector.extract %slice3A_1625[0] : f32 from vector<1xf32>
      %eq3A_1627 = arith.constant 2 : i32
      %eq3A_1628 = vector.broadcast %eq3A_1627 : i32 to vector<16xi32>
      %eq3A_1629 = arith.cmpi eq, %iota3A, %eq3A_1628 : vector<16xi32>
      %slice3A_1630 = vector.extract_strided_slice %div3A_1613 {offsets = [0], sizes = [1], strides = [1]} : vector<16xf32> to vector<1xf32>
      %squeeze3A_1631 = vector.extract %slice3A_1630[0] : f32 from vector<1xf32>
      %eq3A_1632 = arith.constant 3 : i32
      %eq3A_1633 = vector.broadcast %eq3A_1632 : i32 to vector<16xi32>
      %eq3A_1634 = arith.cmpi eq, %iota3A, %eq3A_1633 : vector<16xi32>
      %slice3A_1635 = vector.extract_strided_slice %sub3A_1616 {offsets = [0], sizes = [1], strides = [1]} : vector<16xf32> to vector<1xf32>
      %squeeze3A_1636 = vector.extract %slice3A_1635[0] : f32 from vector<1xf32>
      %jit3A_1637 = arith.constant 0.000000e+00 : f32
      %broadcast_in_dim3A_1638 = vector.broadcast %squeeze3A_1636 : f32 to vector<16xf32>
      %broadcast_in_dim3A_1639 = vector.broadcast %jit3A_1637 : f32 to vector<16xf32>
      %select_n3A_1640 = arith.select %eq3A_1634, %broadcast_in_dim3A_1638, %broadcast_in_dim3A_1639 : vector<16xi1>, vector<16xf32>
      %broadcast_in_dim3A_1641 = vector.broadcast %squeeze3A_1631 : f32 to vector<16xf32>
      %select_n3A_1642 = arith.select %eq3A_1629, %broadcast_in_dim3A_1641, %select_n3A_1640 : vector<16xi1>, vector<16xf32>
      %broadcast_in_dim3A_1643 = vector.broadcast %squeeze3A_1626 : f32 to vector<16xf32>
      %select_n3A_1644 = arith.select %eq3A_1624, %broadcast_in_dim3A_1643, %select_n3A_1642 : vector<16xi1>, vector<16xf32>
      %broadcast_in_dim3A_1645 = vector.broadcast %squeeze3A : f32 to vector<16xf32>
      %select_n3A_1646 = arith.select %eq3A_1621, %broadcast_in_dim3A_1645, %select_n3A_1644 : vector<16xi1>, vector<16xf32>
      %swap3A = arith.constant 0 : i32
      %swap3A_1647 = arith.index_cast %swap3A : i32 to index
      %swap3A_1648 = arith.constant 0 : index
      %swap3A_1649 = tpu.vector_load %arg5[%swap3A_1647, %swap3A_1648] {strides = array<i32>} : memref<16x16xf32, #tpu.memory_space<vmem>>, vector<1x16xf32>,
      %swap3A_1650 = vector.shape_cast %swap3A_1649 : vector<1x16xf32> to vector<16xf32>
      %swap3A_1651 = vector.shape_cast %select_n3A_1646 : vector<16xf32> to vector<1x16xf32>
      tpu.vector_store %arg5[%swap3A_1647, %swap3A_1648], %swap3A_1651 {strides = array<i32>} : memref<16x16xf32, #tpu.memory_space<vmem>>, vector<1x16xf32>,
      %eq3A_1652 = arith.constant 0 : i32
      %eq3A_1653 = vector.broadcast %eq3A_1652 : i32 to vector<16xi32>
      %eq3A_1654 = arith.cmpi eq, %iota3A, %eq3A_1653 : vector<16xi32>
      %slice3A_1655 = vector.extract_strided_slice %convert_element_type3A_1617 {offsets = [1], sizes = [1], strides = [1]} : vector<16xf32> to vector<1xf32>
      %squeeze3A_1656 = vector.extract %slice3A_1655[0] : f32 from vector<1xf32>
      %eq3A_1657 = arith.constant 1 : i32
      %eq3A_1658 = vector.broadcast %eq3A_1657 : i32 to vector<16xi32>
      %eq3A_1659 = arith.cmpi eq, %iota3A, %eq3A_1658 : vector<16xi32>
      %slice3A_1660 = vector.extract_strided_slice %convert_element_type3A_1618 {offsets = [1], sizes = [1], strides = [1]} : vector<16xf32> to vector<1xf32>
      %squeeze3A_1661 = vector.extract %slice3A_1660[0] : f32 from vector<1xf32>
      %eq3A_1662 = arith.constant 2 : i32
      %eq3A_1663 = vector.broadcast %eq3A_1662 : i32 to vector<16xi32>
      %eq3A_1664 = arith.cmpi eq, %iota3A, %eq3A_1663 : vector<16xi32>
      %slice3A_1665 = vector.extract_strided_slice %div3A_1613 {offsets = [1], sizes = [1], strides = [1]} : vector<16xf32> to vector<1xf32>
      %squeeze3A_1666 = vector.extract %slice3A_1665[0] : f32 from vector<1xf32>
      %eq3A_1667 = arith.constant 3 : i32
      %eq3A_1668 = vector.broadcast %eq3A_1667 : i32 to vector<16xi32>
      %eq3A_1669 = arith.cmpi eq, %iota3A, %eq3A_1668 : vector<16xi32>
      %slice3A_1670 = vector.extract_strided_slice %sub3A_1616 {offsets = [1], sizes = [1], strides = [1]} : vector<16xf32> to vector<1xf32>
      %squeeze3A_1671 = vector.extract %slice3A_1670[0] : f32 from vector<1xf32>
      %jit3A_1672 = arith.constant 0.000000e+00 : f32
      %broadcast_in_dim3A_1673 = vector.broadcast %squeeze3A_1671 : f32 to vector<16xf32>
      %broadcast_in_dim3A_1674 = vector.broadcast %jit3A_1672 : f32 to vector<16xf32>
      %select_n3A_1675 = arith.select %eq3A_1669, %broadcast_in_dim3A_1673, %broadcast_in_dim3A_1674 : vector<16xi1>, vector<16xf32>
      %broadcast_in_dim3A_1676 = vector.broadcast %squeeze3A_1666 : f32 to vector<16xf32>
      %select_n3A_1677 = arith.select %eq3A_1664, %broadcast_in_dim3A_1676, %select_n3A_1675 : vector<16xi1>, vector<16xf32>
      %broadcast_in_dim3A_1678 = vector.broadcast %squeeze3A_1661 : f32 to vector<16xf32>
      %select_n3A_1679 = arith.select %eq3A_1659, %broadcast_in_dim3A_1678, %select_n3A_1677 : vector<16xi1>, vector<16xf32>
      %broadcast_in_dim3A_1680 = vector.broadcast %squeeze3A_1656 : f32 to vector<16xf32>
      %select_n3A_1681 = arith.select %eq3A_1654, %broadcast_in_dim3A_1680, %select_n3A_1679 : vector<16xi1>, vector<16xf32>
      %swap3A_1682 = arith.constant 1 : i32
      %swap3A_1683 = arith.index_cast %swap3A_1682 : i32 to index
      %swap3A_1684 = arith.constant 0 : index
      %swap3A_1685 = tpu.vector_load %arg5[%swap3A_1683, %swap3A_1684] {strides = array<i32>} : memref<16x16xf32, #tpu.memory_space<vmem>>, vector<1x16xf32>,
      %swap3A_1686 = vector.shape_cast %swap3A_1685 : vector<1x16xf32> to vector<16xf32>
      %swap3A_1687 = vector.shape_cast %select_n3A_1681 : vector<16xf32> to vector<1x16xf32>
      tpu.vector_store %arg5[%swap3A_1683, %swap3A_1684], %swap3A_1687 {strides = array<i32>} : memref<16x16xf32, #tpu.memory_space<vmem>>, vector<1x16xf32>,
      %eq3A_1688 = arith.constant 0 : i32
      %eq3A_1689 = vector.broadcast %eq3A_1688 : i32 to vector<16xi32>
      %eq3A_1690 = arith.cmpi eq, %iota3A, %eq3A_1689 : vector<16xi32>
      %slice3A_1691 = vector.extract_strided_slice %convert_element_type3A_1617 {offsets = [2], sizes = [1], strides = [1]} : vector<16xf32> to vector<1xf32>
      %squeeze3A_1692 = vector.extract %slice3A_1691[0] : f32 from vector<1xf32>
      %eq3A_1693 = arith.constant 1 : i32
      %eq3A_1694 = vector.broadcast %eq3A_1693 : i32 to vector<16xi32>
      %eq3A_1695 = arith.cmpi eq, %iota3A, %eq3A_1694 : vector<16xi32>
      %slice3A_1696 = vector.extract_strided_slice %convert_element_type3A_1618 {offsets = [2], sizes = [1], strides = [1]} : vector<16xf32> to vector<1xf32>
      %squeeze3A_1697 = vector.extract %slice3A_1696[0] : f32 from vector<1xf32>
      %eq3A_1698 = arith.constant 2 : i32
      %eq3A_1699 = vector.broadcast %eq3A_1698 : i32 to vector<16xi32>
      %eq3A_1700 = arith.cmpi eq, %iota3A, %eq3A_1699 : vector<16xi32>
      %slice3A_1701 = vector.extract_strided_slice %div3A_1613 {offsets = [2], sizes = [1], strides = [1]} : vector<16xf32> to vector<1xf32>
      %squeeze3A_1702 = vector.extract %slice3A_1701[0] : f32 from vector<1xf32>
      %eq3A_1703 = arith.constant 3 : i32
      %eq3A_1704 = vector.broadcast %eq3A_1703 : i32 to vector<16xi32>
      %eq3A_1705 = arith.cmpi eq, %iota3A, %eq3A_1704 : vector<16xi32>
      %slice3A_1706 = vector.extract_strided_slice %sub3A_1616 {offsets = [2], sizes = [1], strides = [1]} : vector<16xf32> to vector<1xf32>
      %squeeze3A_1707 = vector.extract %slice3A_1706[0] : f32 from vector<1xf32>
      %jit3A_1708 = arith.constant 0.000000e+00 : f32
      %broadcast_in_dim3A_1709 = vector.broadcast %squeeze3A_1707 : f32 to vector<16xf32>
      %broadcast_in_dim3A_1710 = vector.broadcast %jit3A_1708 : f32 to vector<16xf32>
      %select_n3A_1711 = arith.select %eq3A_1705, %broadcast_in_dim3A_1709, %broadcast_in_dim3A_1710 : vector<16xi1>, vector<16xf32>
      %broadcast_in_dim3A_1712 = vector.broadcast %squeeze3A_1702 : f32 to vector<16xf32>
      %select_n3A_1713 = arith.select %eq3A_1700, %broadcast_in_dim3A_1712, %select_n3A_1711 : vector<16xi1>, vector<16xf32>
      %broadcast_in_dim3A_1714 = vector.broadcast %squeeze3A_1697 : f32 to vector<16xf32>
      %select_n3A_1715 = arith.select %eq3A_1695, %broadcast_in_dim3A_1714, %select_n3A_1713 : vector<16xi1>, vector<16xf32>
      %broadcast_in_dim3A_1716 = vector.broadcast %squeeze3A_1692 : f32 to vector<16xf32>
      %select_n3A_1717 = arith.select %eq3A_1690, %broadcast_in_dim3A_1716, %select_n3A_1715 : vector<16xi1>, vector<16xf32>
      %swap3A_1718 = arith.constant 2 : i32
      %swap3A_1719 = arith.index_cast %swap3A_1718 : i32 to index
      %swap3A_1720 = arith.constant 0 : index
      %swap3A_1721 = tpu.vector_load %arg5[%swap3A_1719, %swap3A_1720] {strides = array<i32>} : memref<16x16xf32, #tpu.memory_space<vmem>>, vector<1x16xf32>,
      %swap3A_1722 = vector.shape_cast %swap3A_1721 : vector<1x16xf32> to vector<16xf32>
      %swap3A_1723 = vector.shape_cast %select_n3A_1717 : vector<16xf32> to vector<1x16xf32>
      tpu.vector_store %arg5[%swap3A_1719, %swap3A_1720], %swap3A_1723 {strides = array<i32>} : memref<16x16xf32, #tpu.memory_space<vmem>>, vector<1x16xf32>,
      %eq3A_1724 = arith.constant 0 : i32
      %eq3A_1725 = vector.broadcast %eq3A_1724 : i32 to vector<16xi32>
      %eq3A_1726 = arith.cmpi eq, %iota3A, %eq3A_1725 : vector<16xi32>
      %slice3A_1727 = vector.extract_strided_slice %convert_element_type3A_1617 {offsets = [3], sizes = [1], strides = [1]} : vector<16xf32> to vector<1xf32>
      %squeeze3A_1728 = vector.extract %slice3A_1727[0] : f32 from vector<1xf32>
      %eq3A_1729 = arith.constant 1 : i32
      %eq3A_1730 = vector.broadcast %eq3A_1729 : i32 to vector<16xi32>
      %eq3A_1731 = arith.cmpi eq, %iota3A, %eq3A_1730 : vector<16xi32>
      %slice3A_1732 = vector.extract_strided_slice %convert_element_type3A_1618 {offsets = [3], sizes = [1], strides = [1]} : vector<16xf32> to vector<1xf32>
      %squeeze3A_1733 = vector.extract %slice3A_1732[0] : f32 from vector<1xf32>
      %eq3A_1734 = arith.constant 2 : i32
      %eq3A_1735 = vector.broadcast %eq3A_1734 : i32 to vector<16xi32>
      %eq3A_1736 = arith.cmpi eq, %iota3A, %eq3A_1735 : vector<16xi32>
      %slice3A_1737 = vector.extract_strided_slice %div3A_1613 {offsets = [3], sizes = [1], strides = [1]} : vector<16xf32> to vector<1xf32>
      %squeeze3A_1738 = vector.extract %slice3A_1737[0] : f32 from vector<1xf32>
      %eq3A_1739 = arith.constant 3 : i32
      %eq3A_1740 = vector.broadcast %eq3A_1739 : i32 to vector<16xi32>
      %eq3A_1741 = arith.cmpi eq, %iota3A, %eq3A_1740 : vector<16xi32>
      %slice3A_1742 = vector.extract_strided_slice %sub3A_1616 {offsets = [3], sizes = [1], strides = [1]} : vector<16xf32> to vector<1xf32>
      %squeeze3A_1743 = vector.extract %slice3A_1742[0] : f32 from vector<1xf32>
      %jit3A_1744 = arith.constant 0.000000e+00 : f32
      %broadcast_in_dim3A_1745 = vector.broadcast %squeeze3A_1743 : f32 to vector<16xf32>
      %broadcast_in_dim3A_1746 = vector.broadcast %jit3A_1744 : f32 to vector<16xf32>
      %select_n3A_1747 = arith.select %eq3A_1741, %broadcast_in_dim3A_1745, %broadcast_in_dim3A_1746 : vector<16xi1>, vector<16xf32>
      %broadcast_in_dim3A_1748 = vector.broadcast %squeeze3A_1738 : f32 to vector<16xf32>
      %select_n3A_1749 = arith.select %eq3A_1736, %broadcast_in_dim3A_1748, %select_n3A_1747 : vector<16xi1>, vector<16xf32>
      %broadcast_in_dim3A_1750 = vector.broadcast %squeeze3A_1733 : f32 to vector<16xf32>
      %select_n3A_1751 = arith.select %eq3A_1731, %broadcast_in_dim3A_1750, %select_n3A_1749 : vector<16xi1>, vector<16xf32>
      %broadcast_in_dim3A_1752 = vector.broadcast %squeeze3A_1728 : f32 to vector<16xf32>
      %select_n3A_1753 = arith.select %eq3A_1726, %broadcast_in_dim3A_1752, %select_n3A_1751 : vector<16xi1>, vector<16xf32>
      %swap3A_1754 = arith.constant 3 : i32
      %swap3A_1755 = arith.index_cast %swap3A_1754 : i32 to index
      %swap3A_1756 = arith.constant 0 : index
      %swap3A_1757 = tpu.vector_load %arg5[%swap3A_1755, %swap3A_1756] {strides = array<i32>} : memref<16x16xf32, #tpu.memory_space<vmem>>, vector<1x16xf32>,
      %swap3A_1758 = vector.shape_cast %swap3A_1757 : vector<1x16xf32> to vector<16xf32>
      %swap3A_1759 = vector.shape_cast %select_n3A_1753 : vector<16xf32> to vector<1x16xf32>
      tpu.vector_store %arg5[%swap3A_1755, %swap3A_1756], %swap3A_1759 {strides = array<i32>} : memref<16x16xf32, #tpu.memory_space<vmem>>, vector<1x16xf32>,
      %eq3A_1760 = arith.constant 0 : i32
      %eq3A_1761 = vector.broadcast %eq3A_1760 : i32 to vector<16xi32>
      %eq3A_1762 = arith.cmpi eq, %iota3A, %eq3A_1761 : vector<16xi32>
      %slice3A_1763 = vector.extract_strided_slice %convert_element_type3A_1617 {offsets = [4], sizes = [1], strides = [1]} : vector<16xf32> to vector<1xf32>
      %squeeze3A_1764 = vector.extract %slice3A_1763[0] : f32 from vector<1xf32>
      %eq3A_1765 = arith.constant 1 : i32
      %eq3A_1766 = vector.broadcast %eq3A_1765 : i32 to vector<16xi32>
      %eq3A_1767 = arith.cmpi eq, %iota3A, %eq3A_1766 : vector<16xi32>
      %slice3A_1768 = vector.extract_strided_slice %convert_element_type3A_1618 {offsets = [4], sizes = [1], strides = [1]} : vector<16xf32> to vector<1xf32>
      %squeeze3A_1769 = vector.extract %slice3A_1768[0] : f32 from vector<1xf32>
      %eq3A_1770 = arith.constant 2 : i32
      %eq3A_1771 = vector.broadcast %eq3A_1770 : i32 to vector<16xi32>
      %eq3A_1772 = arith.cmpi eq, %iota3A, %eq3A_1771 : vector<16xi32>
      %slice3A_1773 = vector.extract_strided_slice %div3A_1613 {offsets = [4], sizes = [1], strides = [1]} : vector<16xf32> to vector<1xf32>
      %squeeze3A_1774 = vector.extract %slice3A_1773[0] : f32 from vector<1xf32>
      %eq3A_1775 = arith.constant 3 : i32
      %eq3A_1776 = vector.broadcast %eq3A_1775 : i32 to vector<16xi32>
      %eq3A_1777 = arith.cmpi eq, %iota3A, %eq3A_1776 : vector<16xi32>
      %slice3A_1778 = vector.extract_strided_slice %sub3A_1616 {offsets = [4], sizes = [1], strides = [1]} : vector<16xf32> to vector<1xf32>
      %squeeze3A_1779 = vector.extract %slice3A_1778[0] : f32 from vector<1xf32>
      %jit3A_1780 = arith.constant 0.000000e+00 : f32
      %broadcast_in_dim3A_1781 = vector.broadcast %squeeze3A_1779 : f32 to vector<16xf32>
      %broadcast_in_dim3A_1782 = vector.broadcast %jit3A_1780 : f32 to vector<16xf32>
      %select_n3A_1783 = arith.select %eq3A_1777, %broadcast_in_dim3A_1781, %broadcast_in_dim3A_1782 : vector<16xi1>, vector<16xf32>
      %broadcast_in_dim3A_1784 = vector.broadcast %squeeze3A_1774 : f32 to vector<16xf32>
      %select_n3A_1785 = arith.select %eq3A_1772, %broadcast_in_dim3A_1784, %select_n3A_1783 : vector<16xi1>, vector<16xf32>
      %broadcast_in_dim3A_1786 = vector.broadcast %squeeze3A_1769 : f32 to vector<16xf32>
      %select_n3A_1787 = arith.select %eq3A_1767, %broadcast_in_dim3A_1786, %select_n3A_1785 : vector<16xi1>, vector<16xf32>
      %broadcast_in_dim3A_1788 = vector.broadcast %squeeze3A_1764 : f32 to vector<16xf32>
      %select_n3A_1789 = arith.select %eq3A_1762, %broadcast_in_dim3A_1788, %select_n3A_1787 : vector<16xi1>, vector<16xf32>
      %swap3A_1790 = arith.constant 4 : i32
      %swap3A_1791 = arith.index_cast %swap3A_1790 : i32 to index
      %swap3A_1792 = arith.constant 0 : index
      %swap3A_1793 = tpu.vector_load %arg5[%swap3A_1791, %swap3A_1792] {strides = array<i32>} : memref<16x16xf32, #tpu.memory_space<vmem>>, vector<1x16xf32>,
      %swap3A_1794 = vector.shape_cast %swap3A_1793 : vector<1x16xf32> to vector<16xf32>
      %swap3A_1795 = vector.shape_cast %select_n3A_1789 : vector<16xf32> to vector<1x16xf32>
      tpu.vector_store %arg5[%swap3A_1791, %swap3A_1792], %swap3A_1795 {strides = array<i32>} : memref<16x16xf32, #tpu.memory_space<vmem>>, vector<1x16xf32>,
      %eq3A_1796 = arith.constant 0 : i32
      %eq3A_1797 = vector.broadcast %eq3A_1796 : i32 to vector<16xi32>
      %eq3A_1798 = arith.cmpi eq, %iota3A, %eq3A_1797 : vector<16xi32>
      %slice3A_1799 = vector.extract_strided_slice %convert_element_type3A_1617 {offsets = [5], sizes = [1], strides = [1]} : vector<16xf32> to vector<1xf32>
      %squeeze3A_1800 = vector.extract %slice3A_1799[0] : f32 from vector<1xf32>
      %eq3A_1801 = arith.constant 1 : i32
      %eq3A_1802 = vector.broadcast %eq3A_1801 : i32 to vector<16xi32>
      %eq3A_1803 = arith.cmpi eq, %iota3A, %eq3A_1802 : vector<16xi32>
      %slice3A_1804 = vector.extract_strided_slice %convert_element_type3A_1618 {offsets = [5], sizes = [1], strides = [1]} : vector<16xf32> to vector<1xf32>
      %squeeze3A_1805 = vector.extract %slice3A_1804[0] : f32 from vector<1xf32>
      %eq3A_1806 = arith.constant 2 : i32
      %eq3A_1807 = vector.broadcast %eq3A_1806 : i32 to vector<16xi32>
      %eq3A_1808 = arith.cmpi eq, %iota3A, %eq3A_1807 : vector<16xi32>
      %slice3A_1809 = vector.extract_strided_slice %div3A_1613 {offsets = [5], sizes = [1], strides = [1]} : vector<16xf32> to vector<1xf32>
      %squeeze3A_1810 = vector.extract %slice3A_1809[0] : f32 from vector<1xf32>
      %eq3A_1811 = arith.constant 3 : i32
      %eq3A_1812 = vector.broadcast %eq3A_1811 : i32 to vector<16xi32>
      %eq3A_1813 = arith.cmpi eq, %iota3A, %eq3A_1812 : vector<16xi32>
      %slice3A_1814 = vector.extract_strided_slice %sub3A_1616 {offsets = [5], sizes = [1], strides = [1]} : vector<16xf32> to vector<1xf32>
      %squeeze3A_1815 = vector.extract %slice3A_1814[0] : f32 from vector<1xf32>
      %jit3A_1816 = arith.constant 0.000000e+00 : f32
      %broadcast_in_dim3A_1817 = vector.broadcast %squeeze3A_1815 : f32 to vector<16xf32>
      %broadcast_in_dim3A_1818 = vector.broadcast %jit3A_1816 : f32 to vector<16xf32>
      %select_n3A_1819 = arith.select %eq3A_1813, %broadcast_in_dim3A_1817, %broadcast_in_dim3A_1818 : vector<16xi1>, vector<16xf32>
      %broadcast_in_dim3A_1820 = vector.broadcast %squeeze3A_1810 : f32 to vector<16xf32>
      %select_n3A_1821 = arith.select %eq3A_1808, %broadcast_in_dim3A_1820, %select_n3A_1819 : vector<16xi1>, vector<16xf32>
      %broadcast_in_dim3A_1822 = vector.broadcast %squeeze3A_1805 : f32 to vector<16xf32>
      %select_n3A_1823 = arith.select %eq3A_1803, %broadcast_in_dim3A_1822, %select_n3A_1821 : vector<16xi1>, vector<16xf32>
      %broadcast_in_dim3A_1824 = vector.broadcast %squeeze3A_1800 : f32 to vector<16xf32>
      %select_n3A_1825 = arith.select %eq3A_1798, %broadcast_in_dim3A_1824, %select_n3A_1823 : vector<16xi1>, vector<16xf32>
      %swap3A_1826 = arith.constant 5 : i32
      %swap3A_1827 = arith.index_cast %swap3A_1826 : i32 to index
      %swap3A_1828 = arith.constant 0 : index
      %swap3A_1829 = tpu.vector_load %arg5[%swap3A_1827, %swap3A_1828] {strides = array<i32>} : memref<16x16xf32, #tpu.memory_space<vmem>>, vector<1x16xf32>,
      %swap3A_1830 = vector.shape_cast %swap3A_1829 : vector<1x16xf32> to vector<16xf32>
      %swap3A_1831 = vector.shape_cast %select_n3A_1825 : vector<16xf32> to vector<1x16xf32>
      tpu.vector_store %arg5[%swap3A_1827, %swap3A_1828], %swap3A_1831 {strides = array<i32>} : memref<16x16xf32, #tpu.memory_space<vmem>>, vector<1x16xf32>,
      %eq3A_1832 = arith.constant 0 : i32
      %eq3A_1833 = vector.broadcast %eq3A_1832 : i32 to vector<16xi32>
      %eq3A_1834 = arith.cmpi eq, %iota3A, %eq3A_1833 : vector<16xi32>
      %slice3A_1835 = vector.extract_strided_slice %convert_element_type3A_1617 {offsets = [6], sizes = [1], strides = [1]} : vector<16xf32> to vector<1xf32>
      %squeeze3A_1836 = vector.extract %slice3A_1835[0] : f32 from vector<1xf32>
      %eq3A_1837 = arith.constant 1 : i32
      %eq3A_1838 = vector.broadcast %eq3A_1837 : i32 to vector<16xi32>
      %eq3A_1839 = arith.cmpi eq, %iota3A, %eq3A_1838 : vector<16xi32>
      %slice3A_1840 = vector.extract_strided_slice %convert_element_type3A_1618 {offsets = [6], sizes = [1], strides = [1]} : vector<16xf32> to vector<1xf32>
      %squeeze3A_1841 = vector.extract %slice3A_1840[0] : f32 from vector<1xf32>
      %eq3A_1842 = arith.constant 2 : i32
      %eq3A_1843 = vector.broadcast %eq3A_1842 : i32 to vector<16xi32>
      %eq3A_1844 = arith.cmpi eq, %iota3A, %eq3A_1843 : vector<16xi32>
      %slice3A_1845 = vector.extract_strided_slice %div3A_1613 {offsets = [6], sizes = [1], strides = [1]} : vector<16xf32> to vector<1xf32>
      %squeeze3A_1846 = vector.extract %slice3A_1845[0] : f32 from vector<1xf32>
      %eq3A_1847 = arith.constant 3 : i32
      %eq3A_1848 = vector.broadcast %eq3A_1847 : i32 to vector<16xi32>
      %eq3A_1849 = arith.cmpi eq, %iota3A, %eq3A_1848 : vector<16xi32>
      %slice3A_1850 = vector.extract_strided_slice %sub3A_1616 {offsets = [6], sizes = [1], strides = [1]} : vector<16xf32> to vector<1xf32>
      %squeeze3A_1851 = vector.extract %slice3A_1850[0] : f32 from vector<1xf32>
      %jit3A_1852 = arith.constant 0.000000e+00 : f32
      %broadcast_in_dim3A_1853 = vector.broadcast %squeeze3A_1851 : f32 to vector<16xf32>
      %broadcast_in_dim3A_1854 = vector.broadcast %jit3A_1852 : f32 to vector<16xf32>
      %select_n3A_1855 = arith.select %eq3A_1849, %broadcast_in_dim3A_1853, %broadcast_in_dim3A_1854 : vector<16xi1>, vector<16xf32>
      %broadcast_in_dim3A_1856 = vector.broadcast %squeeze3A_1846 : f32 to vector<16xf32>
      %select_n3A_1857 = arith.select %eq3A_1844, %broadcast_in_dim3A_1856, %select_n3A_1855 : vector<16xi1>, vector<16xf32>
      %broadcast_in_dim3A_1858 = vector.broadcast %squeeze3A_1841 : f32 to vector<16xf32>
      %select_n3A_1859 = arith.select %eq3A_1839, %broadcast_in_dim3A_1858, %select_n3A_1857 : vector<16xi1>, vector<16xf32>
      %broadcast_in_dim3A_1860 = vector.broadcast %squeeze3A_1836 : f32 to vector<16xf32>
      %select_n3A_1861 = arith.select %eq3A_1834, %broadcast_in_dim3A_1860, %select_n3A_1859 : vector<16xi1>, vector<16xf32>
      %swap3A_1862 = arith.constant 6 : i32
      %swap3A_1863 = arith.index_cast %swap3A_1862 : i32 to index
      %swap3A_1864 = arith.constant 0 : index
      %swap3A_1865 = tpu.vector_load %arg5[%swap3A_1863, %swap3A_1864] {strides = array<i32>} : memref<16x16xf32, #tpu.memory_space<vmem>>, vector<1x16xf32>,
      %swap3A_1866 = vector.shape_cast %swap3A_1865 : vector<1x16xf32> to vector<16xf32>
      %swap3A_1867 = vector.shape_cast %select_n3A_1861 : vector<16xf32> to vector<1x16xf32>
      tpu.vector_store %arg5[%swap3A_1863, %swap3A_1864], %swap3A_1867 {strides = array<i32>} : memref<16x16xf32, #tpu.memory_space<vmem>>, vector<1x16xf32>,
      %eq3A_1868 = arith.constant 0 : i32
      %eq3A_1869 = vector.broadcast %eq3A_1868 : i32 to vector<16xi32>
      %eq3A_1870 = arith.cmpi eq, %iota3A, %eq3A_1869 : vector<16xi32>
      %slice3A_1871 = vector.extract_strided_slice %convert_element_type3A_1617 {offsets = [7], sizes = [1], strides = [1]} : vector<16xf32> to vector<1xf32>
      %squeeze3A_1872 = vector.extract %slice3A_1871[0] : f32 from vector<1xf32>
      %eq3A_1873 = arith.constant 1 : i32
      %eq3A_1874 = vector.broadcast %eq3A_1873 : i32 to vector<16xi32>
      %eq3A_1875 = arith.cmpi eq, %iota3A, %eq3A_1874 : vector<16xi32>
      %slice3A_1876 = vector.extract_strided_slice %convert_element_type3A_1618 {offsets = [7], sizes = [1], strides = [1]} : vector<16xf32> to vector<1xf32>
      %squeeze3A_1877 = vector.extract %slice3A_1876[0] : f32 from vector<1xf32>
      %eq3A_1878 = arith.constant 2 : i32
      %eq3A_1879 = vector.broadcast %eq3A_1878 : i32 to vector<16xi32>
      %eq3A_1880 = arith.cmpi eq, %iota3A, %eq3A_1879 : vector<16xi32>
      %slice3A_1881 = vector.extract_strided_slice %div3A_1613 {offsets = [7], sizes = [1], strides = [1]} : vector<16xf32> to vector<1xf32>
      %squeeze3A_1882 = vector.extract %slice3A_1881[0] : f32 from vector<1xf32>
      %eq3A_1883 = arith.constant 3 : i32
      %eq3A_1884 = vector.broadcast %eq3A_1883 : i32 to vector<16xi32>
      %eq3A_1885 = arith.cmpi eq, %iota3A, %eq3A_1884 : vector<16xi32>
      %slice3A_1886 = vector.extract_strided_slice %sub3A_1616 {offsets = [7], sizes = [1], strides = [1]} : vector<16xf32> to vector<1xf32>
      %squeeze3A_1887 = vector.extract %slice3A_1886[0] : f32 from vector<1xf32>
      %jit3A_1888 = arith.constant 0.000000e+00 : f32
      %broadcast_in_dim3A_1889 = vector.broadcast %squeeze3A_1887 : f32 to vector<16xf32>
      %broadcast_in_dim3A_1890 = vector.broadcast %jit3A_1888 : f32 to vector<16xf32>
      %select_n3A_1891 = arith.select %eq3A_1885, %broadcast_in_dim3A_1889, %broadcast_in_dim3A_1890 : vector<16xi1>, vector<16xf32>
      %broadcast_in_dim3A_1892 = vector.broadcast %squeeze3A_1882 : f32 to vector<16xf32>
      %select_n3A_1893 = arith.select %eq3A_1880, %broadcast_in_dim3A_1892, %select_n3A_1891 : vector<16xi1>, vector<16xf32>
      %broadcast_in_dim3A_1894 = vector.broadcast %squeeze3A_1877 : f32 to vector<16xf32>
      %select_n3A_1895 = arith.select %eq3A_1875, %broadcast_in_dim3A_1894, %select_n3A_1893 : vector<16xi1>, vector<16xf32>
      %broadcast_in_dim3A_1896 = vector.broadcast %squeeze3A_1872 : f32 to vector<16xf32>
      %select_n3A_1897 = arith.select %eq3A_1870, %broadcast_in_dim3A_1896, %select_n3A_1895 : vector<16xi1>, vector<16xf32>
      %swap3A_1898 = arith.constant 7 : i32
      %swap3A_1899 = arith.index_cast %swap3A_1898 : i32 to index
      %swap3A_1900 = arith.constant 0 : index
      %swap3A_1901 = tpu.vector_load %arg5[%swap3A_1899, %swap3A_1900] {strides = array<i32>} : memref<16x16xf32, #tpu.memory_space<vmem>>, vector<1x16xf32>,
      %swap3A_1902 = vector.shape_cast %swap3A_1901 : vector<1x16xf32> to vector<16xf32>
      %swap3A_1903 = vector.shape_cast %select_n3A_1897 : vector<16xf32> to vector<1x16xf32>
      tpu.vector_store %arg5[%swap3A_1899, %swap3A_1900], %swap3A_1903 {strides = array<i32>} : memref<16x16xf32, #tpu.memory_space<vmem>>, vector<1x16xf32>,
      %eq3A_1904 = arith.constant 0 : i32
      %eq3A_1905 = vector.broadcast %eq3A_1904 : i32 to vector<16xi32>
      %eq3A_1906 = arith.cmpi eq, %iota3A, %eq3A_1905 : vector<16xi32>
      %slice3A_1907 = vector.extract_strided_slice %convert_element_type3A_1617 {offsets = [8], sizes = [1], strides = [1]} : vector<16xf32> to vector<1xf32>
      %squeeze3A_1908 = vector.extract %slice3A_1907[0] : f32 from vector<1xf32>
      %eq3A_1909 = arith.constant 1 : i32
      %eq3A_1910 = vector.broadcast %eq3A_1909 : i32 to vector<16xi32>
      %eq3A_1911 = arith.cmpi eq, %iota3A, %eq3A_1910 : vector<16xi32>
      %slice3A_1912 = vector.extract_strided_slice %convert_element_type3A_1618 {offsets = [8], sizes = [1], strides = [1]} : vector<16xf32> to vector<1xf32>
      %squeeze3A_1913 = vector.extract %slice3A_1912[0] : f32 from vector<1xf32>
      %eq3A_1914 = arith.constant 2 : i32
      %eq3A_1915 = vector.broadcast %eq3A_1914 : i32 to vector<16xi32>
      %eq3A_1916 = arith.cmpi eq, %iota3A, %eq3A_1915 : vector<16xi32>
      %slice3A_1917 = vector.extract_strided_slice %div3A_1613 {offsets = [8], sizes = [1], strides = [1]} : vector<16xf32> to vector<1xf32>
      %squeeze3A_1918 = vector.extract %slice3A_1917[0] : f32 from vector<1xf32>
      %eq3A_1919 = arith.constant 3 : i32
      %eq3A_1920 = vector.broadcast %eq3A_1919 : i32 to vector<16xi32>
      %eq3A_1921 = arith.cmpi eq, %iota3A, %eq3A_1920 : vector<16xi32>
      %slice3A_1922 = vector.extract_strided_slice %sub3A_1616 {offsets = [8], sizes = [1], strides = [1]} : vector<16xf32> to vector<1xf32>
      %squeeze3A_1923 = vector.extract %slice3A_1922[0] : f32 from vector<1xf32>
      %jit3A_1924 = arith.constant 0.000000e+00 : f32
      %broadcast_in_dim3A_1925 = vector.broadcast %squeeze3A_1923 : f32 to vector<16xf32>
      %broadcast_in_dim3A_1926 = vector.broadcast %jit3A_1924 : f32 to vector<16xf32>
      %select_n3A_1927 = arith.select %eq3A_1921, %broadcast_in_dim3A_1925, %broadcast_in_dim3A_1926 : vector<16xi1>, vector<16xf32>
      %broadcast_in_dim3A_1928 = vector.broadcast %squeeze3A_1918 : f32 to vector<16xf32>
      %select_n3A_1929 = arith.select %eq3A_1916, %broadcast_in_dim3A_1928, %select_n3A_1927 : vector<16xi1>, vector<16xf32>
      %broadcast_in_dim3A_1930 = vector.broadcast %squeeze3A_1913 : f32 to vector<16xf32>
      %select_n3A_1931 = arith.select %eq3A_1911, %broadcast_in_dim3A_1930, %select_n3A_1929 : vector<16xi1>, vector<16xf32>
      %broadcast_in_dim3A_1932 = vector.broadcast %squeeze3A_1908 : f32 to vector<16xf32>
      %select_n3A_1933 = arith.select %eq3A_1906, %broadcast_in_dim3A_1932, %select_n3A_1931 : vector<16xi1>, vector<16xf32>
      %swap3A_1934 = arith.constant 8 : i32
      %swap3A_1935 = arith.index_cast %swap3A_1934 : i32 to index
      %swap3A_1936 = arith.constant 0 : index
      %swap3A_1937 = tpu.vector_load %arg5[%swap3A_1935, %swap3A_1936] {strides = array<i32>} : memref<16x16xf32, #tpu.memory_space<vmem>>, vector<1x16xf32>,
      %swap3A_1938 = vector.shape_cast %swap3A_1937 : vector<1x16xf32> to vector<16xf32>
      %swap3A_1939 = vector.shape_cast %select_n3A_1933 : vector<16xf32> to vector<1x16xf32>
      tpu.vector_store %arg5[%swap3A_1935, %swap3A_1936], %swap3A_1939 {strides = array<i32>} : memref<16x16xf32, #tpu.memory_space<vmem>>, vector<1x16xf32>,
      %eq3A_1940 = arith.constant 0 : i32
      %eq3A_1941 = vector.broadcast %eq3A_1940 : i32 to vector<16xi32>
      %eq3A_1942 = arith.cmpi eq, %iota3A, %eq3A_1941 : vector<16xi32>
      %slice3A_1943 = vector.extract_strided_slice %convert_element_type3A_1617 {offsets = [9], sizes = [1], strides = [1]} : vector<16xf32> to vector<1xf32>
      %squeeze3A_1944 = vector.extract %slice3A_1943[0] : f32 from vector<1xf32>
      %eq3A_1945 = arith.constant 1 : i32
      %eq3A_1946 = vector.broadcast %eq3A_1945 : i32 to vector<16xi32>
      %eq3A_1947 = arith.cmpi eq, %iota3A, %eq3A_1946 : vector<16xi32>
      %slice3A_1948 = vector.extract_strided_slice %convert_element_type3A_1618 {offsets = [9], sizes = [1], strides = [1]} : vector<16xf32> to vector<1xf32>
      %squeeze3A_1949 = vector.extract %slice3A_1948[0] : f32 from vector<1xf32>
      %eq3A_1950 = arith.constant 2 : i32
      %eq3A_1951 = vector.broadcast %eq3A_1950 : i32 to vector<16xi32>
      %eq3A_1952 = arith.cmpi eq, %iota3A, %eq3A_1951 : vector<16xi32>
      %slice3A_1953 = vector.extract_strided_slice %div3A_1613 {offsets = [9], sizes = [1], strides = [1]} : vector<16xf32> to vector<1xf32>
      %squeeze3A_1954 = vector.extract %slice3A_1953[0] : f32 from vector<1xf32>
      %eq3A_1955 = arith.constant 3 : i32
      %eq3A_1956 = vector.broadcast %eq3A_1955 : i32 to vector<16xi32>
      %eq3A_1957 = arith.cmpi eq, %iota3A, %eq3A_1956 : vector<16xi32>
      %slice3A_1958 = vector.extract_strided_slice %sub3A_1616 {offsets = [9], sizes = [1], strides = [1]} : vector<16xf32> to vector<1xf32>
      %squeeze3A_1959 = vector.extract %slice3A_1958[0] : f32 from vector<1xf32>
      %jit3A_1960 = arith.constant 0.000000e+00 : f32
      %broadcast_in_dim3A_1961 = vector.broadcast %squeeze3A_1959 : f32 to vector<16xf32>
      %broadcast_in_dim3A_1962 = vector.broadcast %jit3A_1960 : f32 to vector<16xf32>
      %select_n3A_1963 = arith.select %eq3A_1957, %broadcast_in_dim3A_1961, %broadcast_in_dim3A_1962 : vector<16xi1>, vector<16xf32>
      %broadcast_in_dim3A_1964 = vector.broadcast %squeeze3A_1954 : f32 to vector<16xf32>
      %select_n3A_1965 = arith.select %eq3A_1952, %broadcast_in_dim3A_1964, %select_n3A_1963 : vector<16xi1>, vector<16xf32>
      %broadcast_in_dim3A_1966 = vector.broadcast %squeeze3A_1949 : f32 to vector<16xf32>
      %select_n3A_1967 = arith.select %eq3A_1947, %broadcast_in_dim3A_1966, %select_n3A_1965 : vector<16xi1>, vector<16xf32>
      %broadcast_in_dim3A_1968 = vector.broadcast %squeeze3A_1944 : f32 to vector<16xf32>
      %select_n3A_1969 = arith.select %eq3A_1942, %broadcast_in_dim3A_1968, %select_n3A_1967 : vector<16xi1>, vector<16xf32>
      %swap3A_1970 = arith.constant 9 : i32
      %swap3A_1971 = arith.index_cast %swap3A_1970 : i32 to index
      %swap3A_1972 = arith.constant 0 : index
      %swap3A_1973 = tpu.vector_load %arg5[%swap3A_1971, %swap3A_1972] {strides = array<i32>} : memref<16x16xf32, #tpu.memory_space<vmem>>, vector<1x16xf32>,
      %swap3A_1974 = vector.shape_cast %swap3A_1973 : vector<1x16xf32> to vector<16xf32>
      %swap3A_1975 = vector.shape_cast %select_n3A_1969 : vector<16xf32> to vector<1x16xf32>
      tpu.vector_store %arg5[%swap3A_1971, %swap3A_1972], %swap3A_1975 {strides = array<i32>} : memref<16x16xf32, #tpu.memory_space<vmem>>, vector<1x16xf32>,
      %eq3A_1976 = arith.constant 0 : i32
      %eq3A_1977 = vector.broadcast %eq3A_1976 : i32 to vector<16xi32>
      %eq3A_1978 = arith.cmpi eq, %iota3A, %eq3A_1977 : vector<16xi32>
      %slice3A_1979 = vector.extract_strided_slice %convert_element_type3A_1617 {offsets = [10], sizes = [1], strides = [1]} : vector<16xf32> to vector<1xf32>
      %squeeze3A_1980 = vector.extract %slice3A_1979[0] : f32 from vector<1xf32>
      %eq3A_1981 = arith.constant 1 : i32
      %eq3A_1982 = vector.broadcast %eq3A_1981 : i32 to vector<16xi32>
      %eq3A_1983 = arith.cmpi eq, %iota3A, %eq3A_1982 : vector<16xi32>
      %slice3A_1984 = vector.extract_strided_slice %convert_element_type3A_1618 {offsets = [10], sizes = [1], strides = [1]} : vector<16xf32> to vector<1xf32>
      %squeeze3A_1985 = vector.extract %slice3A_1984[0] : f32 from vector<1xf32>
      %eq3A_1986 = arith.constant 2 : i32
      %eq3A_1987 = vector.broadcast %eq3A_1986 : i32 to vector<16xi32>
      %eq3A_1988 = arith.cmpi eq, %iota3A, %eq3A_1987 : vector<16xi32>
      %slice3A_1989 = vector.extract_strided_slice %div3A_1613 {offsets = [10], sizes = [1], strides = [1]} : vector<16xf32> to vector<1xf32>
      %squeeze3A_1990 = vector.extract %slice3A_1989[0] : f32 from vector<1xf32>
      %eq3A_1991 = arith.constant 3 : i32
      %eq3A_1992 = vector.broadcast %eq3A_1991 : i32 to vector<16xi32>
      %eq3A_1993 = arith.cmpi eq, %iota3A, %eq3A_1992 : vector<16xi32>
      %slice3A_1994 = vector.extract_strided_slice %sub3A_1616 {offsets = [10], sizes = [1], strides = [1]} : vector<16xf32> to vector<1xf32>
      %squeeze3A_1995 = vector.extract %slice3A_1994[0] : f32 from vector<1xf32>
      %jit3A_1996 = arith.constant 0.000000e+00 : f32
      %broadcast_in_dim3A_1997 = vector.broadcast %squeeze3A_1995 : f32 to vector<16xf32>
      %broadcast_in_dim3A_1998 = vector.broadcast %jit3A_1996 : f32 to vector<16xf32>
      %select_n3A_1999 = arith.select %eq3A_1993, %broadcast_in_dim3A_1997, %broadcast_in_dim3A_1998 : vector<16xi1>, vector<16xf32>
      %broadcast_in_dim3A_2000 = vector.broadcast %squeeze3A_1990 : f32 to vector<16xf32>
      %select_n3A_2001 = arith.select %eq3A_1988, %broadcast_in_dim3A_2000, %select_n3A_1999 : vector<16xi1>, vector<16xf32>
      %broadcast_in_dim3A_2002 = vector.broadcast %squeeze3A_1985 : f32 to vector<16xf32>
      %select_n3A_2003 = arith.select %eq3A_1983, %broadcast_in_dim3A_2002, %select_n3A_2001 : vector<16xi1>, vector<16xf32>
      %broadcast_in_dim3A_2004 = vector.broadcast %squeeze3A_1980 : f32 to vector<16xf32>
      %select_n3A_2005 = arith.select %eq3A_1978, %broadcast_in_dim3A_2004, %select_n3A_2003 : vector<16xi1>, vector<16xf32>
      %swap3A_2006 = arith.constant 10 : i32
      %swap3A_2007 = arith.index_cast %swap3A_2006 : i32 to index
      %swap3A_2008 = arith.constant 0 : index
      %swap3A_2009 = tpu.vector_load %arg5[%swap3A_2007, %swap3A_2008] {strides = array<i32>} : memref<16x16xf32, #tpu.memory_space<vmem>>, vector<1x16xf32>,
      %swap3A_2010 = vector.shape_cast %swap3A_2009 : vector<1x16xf32> to vector<16xf32>
      %swap3A_2011 = vector.shape_cast %select_n3A_2005 : vector<16xf32> to vector<1x16xf32>
      tpu.vector_store %arg5[%swap3A_2007, %swap3A_2008], %swap3A_2011 {strides = array<i32>} : memref<16x16xf32, #tpu.memory_space<vmem>>, vector<1x16xf32>,
      %eq3A_2012 = arith.constant 0 : i32
      %eq3A_2013 = vector.broadcast %eq3A_2012 : i32 to vector<16xi32>
      %eq3A_2014 = arith.cmpi eq, %iota3A, %eq3A_2013 : vector<16xi32>
      %slice3A_2015 = vector.extract_strided_slice %convert_element_type3A_1617 {offsets = [11], sizes = [1], strides = [1]} : vector<16xf32> to vector<1xf32>
      %squeeze3A_2016 = vector.extract %slice3A_2015[0] : f32 from vector<1xf32>
      %eq3A_2017 = arith.constant 1 : i32
      %eq3A_2018 = vector.broadcast %eq3A_2017 : i32 to vector<16xi32>
      %eq3A_2019 = arith.cmpi eq, %iota3A, %eq3A_2018 : vector<16xi32>
      %slice3A_2020 = vector.extract_strided_slice %convert_element_type3A_1618 {offsets = [11], sizes = [1], strides = [1]} : vector<16xf32> to vector<1xf32>
      %squeeze3A_2021 = vector.extract %slice3A_2020[0] : f32 from vector<1xf32>
      %eq3A_2022 = arith.constant 2 : i32
      %eq3A_2023 = vector.broadcast %eq3A_2022 : i32 to vector<16xi32>
      %eq3A_2024 = arith.cmpi eq, %iota3A, %eq3A_2023 : vector<16xi32>
      %slice3A_2025 = vector.extract_strided_slice %div3A_1613 {offsets = [11], sizes = [1], strides = [1]} : vector<16xf32> to vector<1xf32>
      %squeeze3A_2026 = vector.extract %slice3A_2025[0] : f32 from vector<1xf32>
      %eq3A_2027 = arith.constant 3 : i32
      %eq3A_2028 = vector.broadcast %eq3A_2027 : i32 to vector<16xi32>
      %eq3A_2029 = arith.cmpi eq, %iota3A, %eq3A_2028 : vector<16xi32>
      %slice3A_2030 = vector.extract_strided_slice %sub3A_1616 {offsets = [11], sizes = [1], strides = [1]} : vector<16xf32> to vector<1xf32>
      %squeeze3A_2031 = vector.extract %slice3A_2030[0] : f32 from vector<1xf32>
      %jit3A_2032 = arith.constant 0.000000e+00 : f32
      %broadcast_in_dim3A_2033 = vector.broadcast %squeeze3A_2031 : f32 to vector<16xf32>
      %broadcast_in_dim3A_2034 = vector.broadcast %jit3A_2032 : f32 to vector<16xf32>
      %select_n3A_2035 = arith.select %eq3A_2029, %broadcast_in_dim3A_2033, %broadcast_in_dim3A_2034 : vector<16xi1>, vector<16xf32>
      %broadcast_in_dim3A_2036 = vector.broadcast %squeeze3A_2026 : f32 to vector<16xf32>
      %select_n3A_2037 = arith.select %eq3A_2024, %broadcast_in_dim3A_2036, %select_n3A_2035 : vector<16xi1>, vector<16xf32>
      %broadcast_in_dim3A_2038 = vector.broadcast %squeeze3A_2021 : f32 to vector<16xf32>
      %select_n3A_2039 = arith.select %eq3A_2019, %broadcast_in_dim3A_2038, %select_n3A_2037 : vector<16xi1>, vector<16xf32>
      %broadcast_in_dim3A_2040 = vector.broadcast %squeeze3A_2016 : f32 to vector<16xf32>
      %select_n3A_2041 = arith.select %eq3A_2014, %broadcast_in_dim3A_2040, %select_n3A_2039 : vector<16xi1>, vector<16xf32>
      %swap3A_2042 = arith.constant 11 : i32
      %swap3A_2043 = arith.index_cast %swap3A_2042 : i32 to index
      %swap3A_2044 = arith.constant 0 : index
      %swap3A_2045 = tpu.vector_load %arg5[%swap3A_2043, %swap3A_2044] {strides = array<i32>} : memref<16x16xf32, #tpu.memory_space<vmem>>, vector<1x16xf32>,
      %swap3A_2046 = vector.shape_cast %swap3A_2045 : vector<1x16xf32> to vector<16xf32>
      %swap3A_2047 = vector.shape_cast %select_n3A_2041 : vector<16xf32> to vector<1x16xf32>
      tpu.vector_store %arg5[%swap3A_2043, %swap3A_2044], %swap3A_2047 {strides = array<i32>} : memref<16x16xf32, #tpu.memory_space<vmem>>, vector<1x16xf32>,
      %eq3A_2048 = arith.constant 0 : i32
      %eq3A_2049 = vector.broadcast %eq3A_2048 : i32 to vector<16xi32>
      %eq3A_2050 = arith.cmpi eq, %iota3A, %eq3A_2049 : vector<16xi32>
      %slice3A_2051 = vector.extract_strided_slice %convert_element_type3A_1617 {offsets = [12], sizes = [1], strides = [1]} : vector<16xf32> to vector<1xf32>
      %squeeze3A_2052 = vector.extract %slice3A_2051[0] : f32 from vector<1xf32>
      %eq3A_2053 = arith.constant 1 : i32
      %eq3A_2054 = vector.broadcast %eq3A_2053 : i32 to vector<16xi32>
      %eq3A_2055 = arith.cmpi eq, %iota3A, %eq3A_2054 : vector<16xi32>
      %slice3A_2056 = vector.extract_strided_slice %convert_element_type3A_1618 {offsets = [12], sizes = [1], strides = [1]} : vector<16xf32> to vector<1xf32>
      %squeeze3A_2057 = vector.extract %slice3A_2056[0] : f32 from vector<1xf32>
      %eq3A_2058 = arith.constant 2 : i32
      %eq3A_2059 = vector.broadcast %eq3A_2058 : i32 to vector<16xi32>
      %eq3A_2060 = arith.cmpi eq, %iota3A, %eq3A_2059 : vector<16xi32>
      %slice3A_2061 = vector.extract_strided_slice %div3A_1613 {offsets = [12], sizes = [1], strides = [1]} : vector<16xf32> to vector<1xf32>
      %squeeze3A_2062 = vector.extract %slice3A_2061[0] : f32 from vector<1xf32>
      %eq3A_2063 = arith.constant 3 : i32
      %eq3A_2064 = vector.broadcast %eq3A_2063 : i32 to vector<16xi32>
      %eq3A_2065 = arith.cmpi eq, %iota3A, %eq3A_2064 : vector<16xi32>
      %slice3A_2066 = vector.extract_strided_slice %sub3A_1616 {offsets = [12], sizes = [1], strides = [1]} : vector<16xf32> to vector<1xf32>
      %squeeze3A_2067 = vector.extract %slice3A_2066[0] : f32 from vector<1xf32>
      %jit3A_2068 = arith.constant 0.000000e+00 : f32
      %broadcast_in_dim3A_2069 = vector.broadcast %squeeze3A_2067 : f32 to vector<16xf32>
      %broadcast_in_dim3A_2070 = vector.broadcast %jit3A_2068 : f32 to vector<16xf32>
      %select_n3A_2071 = arith.select %eq3A_2065, %broadcast_in_dim3A_2069, %broadcast_in_dim3A_2070 : vector<16xi1>, vector<16xf32>
      %broadcast_in_dim3A_2072 = vector.broadcast %squeeze3A_2062 : f32 to vector<16xf32>
      %select_n3A_2073 = arith.select %eq3A_2060, %broadcast_in_dim3A_2072, %select_n3A_2071 : vector<16xi1>, vector<16xf32>
      %broadcast_in_dim3A_2074 = vector.broadcast %squeeze3A_2057 : f32 to vector<16xf32>
      %select_n3A_2075 = arith.select %eq3A_2055, %broadcast_in_dim3A_2074, %select_n3A_2073 : vector<16xi1>, vector<16xf32>
      %broadcast_in_dim3A_2076 = vector.broadcast %squeeze3A_2052 : f32 to vector<16xf32>
      %select_n3A_2077 = arith.select %eq3A_2050, %broadcast_in_dim3A_2076, %select_n3A_2075 : vector<16xi1>, vector<16xf32>
      %swap3A_2078 = arith.constant 12 : i32
      %swap3A_2079 = arith.index_cast %swap3A_2078 : i32 to index
      %swap3A_2080 = arith.constant 0 : index
      %swap3A_2081 = tpu.vector_load %arg5[%swap3A_2079, %swap3A_2080] {strides = array<i32>} : memref<16x16xf32, #tpu.memory_space<vmem>>, vector<1x16xf32>,
      %swap3A_2082 = vector.shape_cast %swap3A_2081 : vector<1x16xf32> to vector<16xf32>
      %swap3A_2083 = vector.shape_cast %select_n3A_2077 : vector<16xf32> to vector<1x16xf32>
      tpu.vector_store %arg5[%swap3A_2079, %swap3A_2080], %swap3A_2083 {strides = array<i32>} : memref<16x16xf32, #tpu.memory_space<vmem>>, vector<1x16xf32>,
      %eq3A_2084 = arith.constant 0 : i32
      %eq3A_2085 = vector.broadcast %eq3A_2084 : i32 to vector<16xi32>
      %eq3A_2086 = arith.cmpi eq, %iota3A, %eq3A_2085 : vector<16xi32>
      %slice3A_2087 = vector.extract_strided_slice %convert_element_type3A_1617 {offsets = [13], sizes = [1], strides = [1]} : vector<16xf32> to vector<1xf32>
      %squeeze3A_2088 = vector.extract %slice3A_2087[0] : f32 from vector<1xf32>
      %eq3A_2089 = arith.constant 1 : i32
      %eq3A_2090 = vector.broadcast %eq3A_2089 : i32 to vector<16xi32>
      %eq3A_2091 = arith.cmpi eq, %iota3A, %eq3A_2090 : vector<16xi32>
      %slice3A_2092 = vector.extract_strided_slice %convert_element_type3A_1618 {offsets = [13], sizes = [1], strides = [1]} : vector<16xf32> to vector<1xf32>
      %squeeze3A_2093 = vector.extract %slice3A_2092[0] : f32 from vector<1xf32>
      %eq3A_2094 = arith.constant 2 : i32
      %eq3A_2095 = vector.broadcast %eq3A_2094 : i32 to vector<16xi32>
      %eq3A_2096 = arith.cmpi eq, %iota3A, %eq3A_2095 : vector<16xi32>
      %slice3A_2097 = vector.extract_strided_slice %div3A_1613 {offsets = [13], sizes = [1], strides = [1]} : vector<16xf32> to vector<1xf32>
      %squeeze3A_2098 = vector.extract %slice3A_2097[0] : f32 from vector<1xf32>
      %eq3A_2099 = arith.constant 3 : i32
      %eq3A_2100 = vector.broadcast %eq3A_2099 : i32 to vector<16xi32>
      %eq3A_2101 = arith.cmpi eq, %iota3A, %eq3A_2100 : vector<16xi32>
      %slice3A_2102 = vector.extract_strided_slice %sub3A_1616 {offsets = [13], sizes = [1], strides = [1]} : vector<16xf32> to vector<1xf32>
      %squeeze3A_2103 = vector.extract %slice3A_2102[0] : f32 from vector<1xf32>
      %jit3A_2104 = arith.constant 0.000000e+00 : f32
      %broadcast_in_dim3A_2105 = vector.broadcast %squeeze3A_2103 : f32 to vector<16xf32>
      %broadcast_in_dim3A_2106 = vector.broadcast %jit3A_2104 : f32 to vector<16xf32>
      %select_n3A_2107 = arith.select %eq3A_2101, %broadcast_in_dim3A_2105, %broadcast_in_dim3A_2106 : vector<16xi1>, vector<16xf32>
      %broadcast_in_dim3A_2108 = vector.broadcast %squeeze3A_2098 : f32 to vector<16xf32>
      %select_n3A_2109 = arith.select %eq3A_2096, %broadcast_in_dim3A_2108, %select_n3A_2107 : vector<16xi1>, vector<16xf32>
      %broadcast_in_dim3A_2110 = vector.broadcast %squeeze3A_2093 : f32 to vector<16xf32>
      %select_n3A_2111 = arith.select %eq3A_2091, %broadcast_in_dim3A_2110, %select_n3A_2109 : vector<16xi1>, vector<16xf32>
      %broadcast_in_dim3A_2112 = vector.broadcast %squeeze3A_2088 : f32 to vector<16xf32>
      %select_n3A_2113 = arith.select %eq3A_2086, %broadcast_in_dim3A_2112, %select_n3A_2111 : vector<16xi1>, vector<16xf32>
      %swap3A_2114 = arith.constant 13 : i32
      %swap3A_2115 = arith.index_cast %swap3A_2114 : i32 to index
      %swap3A_2116 = arith.constant 0 : index
      %swap3A_2117 = tpu.vector_load %arg5[%swap3A_2115, %swap3A_2116] {strides = array<i32>} : memref<16x16xf32, #tpu.memory_space<vmem>>, vector<1x16xf32>,
      %swap3A_2118 = vector.shape_cast %swap3A_2117 : vector<1x16xf32> to vector<16xf32>
      %swap3A_2119 = vector.shape_cast %select_n3A_2113 : vector<16xf32> to vector<1x16xf32>
      tpu.vector_store %arg5[%swap3A_2115, %swap3A_2116], %swap3A_2119 {strides = array<i32>} : memref<16x16xf32, #tpu.memory_space<vmem>>, vector<1x16xf32>,
      %eq3A_2120 = arith.constant 0 : i32
      %eq3A_2121 = vector.broadcast %eq3A_2120 : i32 to vector<16xi32>
      %eq3A_2122 = arith.cmpi eq, %iota3A, %eq3A_2121 : vector<16xi32>
      %slice3A_2123 = vector.extract_strided_slice %convert_element_type3A_1617 {offsets = [14], sizes = [1], strides = [1]} : vector<16xf32> to vector<1xf32>
      %squeeze3A_2124 = vector.extract %slice3A_2123[0] : f32 from vector<1xf32>
      %eq3A_2125 = arith.constant 1 : i32
      %eq3A_2126 = vector.broadcast %eq3A_2125 : i32 to vector<16xi32>
      %eq3A_2127 = arith.cmpi eq, %iota3A, %eq3A_2126 : vector<16xi32>
      %slice3A_2128 = vector.extract_strided_slice %convert_element_type3A_1618 {offsets = [14], sizes = [1], strides = [1]} : vector<16xf32> to vector<1xf32>
      %squeeze3A_2129 = vector.extract %slice3A_2128[0] : f32 from vector<1xf32>
      %eq3A_2130 = arith.constant 2 : i32
      %eq3A_2131 = vector.broadcast %eq3A_2130 : i32 to vector<16xi32>
      %eq3A_2132 = arith.cmpi eq, %iota3A, %eq3A_2131 : vector<16xi32>
      %slice3A_2133 = vector.extract_strided_slice %div3A_1613 {offsets = [14], sizes = [1], strides = [1]} : vector<16xf32> to vector<1xf32>
      %squeeze3A_2134 = vector.extract %slice3A_2133[0] : f32 from vector<1xf32>
      %eq3A_2135 = arith.constant 3 : i32
      %eq3A_2136 = vector.broadcast %eq3A_2135 : i32 to vector<16xi32>
      %eq3A_2137 = arith.cmpi eq, %iota3A, %eq3A_2136 : vector<16xi32>
      %slice3A_2138 = vector.extract_strided_slice %sub3A_1616 {offsets = [14], sizes = [1], strides = [1]} : vector<16xf32> to vector<1xf32>
      %squeeze3A_2139 = vector.extract %slice3A_2138[0] : f32 from vector<1xf32>
      %jit3A_2140 = arith.constant 0.000000e+00 : f32
      %broadcast_in_dim3A_2141 = vector.broadcast %squeeze3A_2139 : f32 to vector<16xf32>
      %broadcast_in_dim3A_2142 = vector.broadcast %jit3A_2140 : f32 to vector<16xf32>
      %select_n3A_2143 = arith.select %eq3A_2137, %broadcast_in_dim3A_2141, %broadcast_in_dim3A_2142 : vector<16xi1>, vector<16xf32>
      %broadcast_in_dim3A_2144 = vector.broadcast %squeeze3A_2134 : f32 to vector<16xf32>
      %select_n3A_2145 = arith.select %eq3A_2132, %broadcast_in_dim3A_2144, %select_n3A_2143 : vector<16xi1>, vector<16xf32>
      %broadcast_in_dim3A_2146 = vector.broadcast %squeeze3A_2129 : f32 to vector<16xf32>
      %select_n3A_2147 = arith.select %eq3A_2127, %broadcast_in_dim3A_2146, %select_n3A_2145 : vector<16xi1>, vector<16xf32>
      %broadcast_in_dim3A_2148 = vector.broadcast %squeeze3A_2124 : f32 to vector<16xf32>
      %select_n3A_2149 = arith.select %eq3A_2122, %broadcast_in_dim3A_2148, %select_n3A_2147 : vector<16xi1>, vector<16xf32>
      %swap3A_2150 = arith.constant 14 : i32
      %swap3A_2151 = arith.index_cast %swap3A_2150 : i32 to index
      %swap3A_2152 = arith.constant 0 : index
      %swap3A_2153 = tpu.vector_load %arg5[%swap3A_2151, %swap3A_2152] {strides = array<i32>} : memref<16x16xf32, #tpu.memory_space<vmem>>, vector<1x16xf32>,
      %swap3A_2154 = vector.shape_cast %swap3A_2153 : vector<1x16xf32> to vector<16xf32>
      %swap3A_2155 = vector.shape_cast %select_n3A_2149 : vector<16xf32> to vector<1x16xf32>
      tpu.vector_store %arg5[%swap3A_2151, %swap3A_2152], %swap3A_2155 {strides = array<i32>} : memref<16x16xf32, #tpu.memory_space<vmem>>, vector<1x16xf32>,
      %eq3A_2156 = arith.constant 0 : i32
      %eq3A_2157 = vector.broadcast %eq3A_2156 : i32 to vector<16xi32>
      %eq3A_2158 = arith.cmpi eq, %iota3A, %eq3A_2157 : vector<16xi32>
      %slice3A_2159 = vector.extract_strided_slice %convert_element_type3A_1617 {offsets = [15], sizes = [1], strides = [1]} : vector<16xf32> to vector<1xf32>
      %squeeze3A_2160 = vector.extract %slice3A_2159[0] : f32 from vector<1xf32>
      %eq3A_2161 = arith.constant 1 : i32
      %eq3A_2162 = vector.broadcast %eq3A_2161 : i32 to vector<16xi32>
      %eq3A_2163 = arith.cmpi eq, %iota3A, %eq3A_2162 : vector<16xi32>
      %slice3A_2164 = vector.extract_strided_slice %convert_element_type3A_1618 {offsets = [15], sizes = [1], strides = [1]} : vector<16xf32> to vector<1xf32>
      %squeeze3A_2165 = vector.extract %slice3A_2164[0] : f32 from vector<1xf32>
      %eq3A_2166 = arith.constant 2 : i32
      %eq3A_2167 = vector.broadcast %eq3A_2166 : i32 to vector<16xi32>
      %eq3A_2168 = arith.cmpi eq, %iota3A, %eq3A_2167 : vector<16xi32>
      %slice3A_2169 = vector.extract_strided_slice %div3A_1613 {offsets = [15], sizes = [1], strides = [1]} : vector<16xf32> to vector<1xf32>
      %squeeze3A_2170 = vector.extract %slice3A_2169[0] : f32 from vector<1xf32>
      %eq3A_2171 = arith.constant 3 : i32
      %eq3A_2172 = vector.broadcast %eq3A_2171 : i32 to vector<16xi32>
      %eq3A_2173 = arith.cmpi eq, %iota3A, %eq3A_2172 : vector<16xi32>
      %slice3A_2174 = vector.extract_strided_slice %sub3A_1616 {offsets = [15], sizes = [1], strides = [1]} : vector<16xf32> to vector<1xf32>
      %squeeze3A_2175 = vector.extract %slice3A_2174[0] : f32 from vector<1xf32>
      %jit3A_2176 = arith.constant 0.000000e+00 : f32
      %broadcast_in_dim3A_2177 = vector.broadcast %squeeze3A_2175 : f32 to vector<16xf32>
      %broadcast_in_dim3A_2178 = vector.broadcast %jit3A_2176 : f32 to vector<16xf32>
      %select_n3A_2179 = arith.select %eq3A_2173, %broadcast_in_dim3A_2177, %broadcast_in_dim3A_2178 : vector<16xi1>, vector<16xf32>
      %broadcast_in_dim3A_2180 = vector.broadcast %squeeze3A_2170 : f32 to vector<16xf32>
      %select_n3A_2181 = arith.select %eq3A_2168, %broadcast_in_dim3A_2180, %select_n3A_2179 : vector<16xi1>, vector<16xf32>
      %broadcast_in_dim3A_2182 = vector.broadcast %squeeze3A_2165 : f32 to vector<16xf32>
      %select_n3A_2183 = arith.select %eq3A_2163, %broadcast_in_dim3A_2182, %select_n3A_2181 : vector<16xi1>, vector<16xf32>
      %broadcast_in_dim3A_2184 = vector.broadcast %squeeze3A_2160 : f32 to vector<16xf32>
      %select_n3A_2185 = arith.select %eq3A_2158, %broadcast_in_dim3A_2184, %select_n3A_2183 : vector<16xi1>, vector<16xf32>
      %swap3A_2186 = arith.constant 15 : i32
      %swap3A_2187 = arith.index_cast %swap3A_2186 : i32 to index
      %swap3A_2188 = arith.constant 0 : index
      %swap3A_2189 = tpu.vector_load %arg5[%swap3A_2187, %swap3A_2188] {strides = array<i32>} : memref<16x16xf32, #tpu.memory_space<vmem>>, vector<1x16xf32>,
      %swap3A_2190 = vector.shape_cast %swap3A_2189 : vector<1x16xf32> to vector<16xf32>
      %swap3A_2191 = vector.shape_cast %select_n3A_2185 : vector<16xf32> to vector<1x16xf32>
      tpu.vector_store %arg5[%swap3A_2187, %swap3A_2188], %swap3A_2191 {strides = array<i32>} : memref<16x16xf32, #tpu.memory_space<vmem>>, vector<1x16xf32>,
      "tpu.region"() ({
        %run_scoped3A = tpu.sem_alloc : memref<!tpu.dma_semaphore, #tpu.memory_space<semaphore_mem>>
        %dma_start3A = arith.constant 0 : i32
        %dma_start3A_2192 = tpu.memref_slice %arg6[%mul3A_3, %dma_start3A] : memref<128x16xf32, #tpu.memory_space<vmem_shared>> -> memref<16x16xf32, #tpu.memory_space<vmem_shared>>
        %dma_start3A_2193 = arith.constant 0 : i32
        %dma_start3A_2194 = tpu.memref_slice %arg6[%mul3A_3, %dma_start3A_2193] : memref<128x16xf32, #tpu.memory_space<vmem_shared>> -> memref<16x16xf32, #tpu.memory_space<vmem_shared>>
        tpu.enqueue_dma source(%arg5 : memref<16x16xf32, #tpu.memory_space<vmem>>) target(%dma_start3A_2194 : memref<16x16xf32, #tpu.memory_space<vmem_shared>>) target_semaphore(%run_scoped3A : memref<!tpu.dma_semaphore, #tpu.memory_space<semaphore_mem>>)
        %dma_wait3A = arith.constant 0 : i32
        %dma_wait3A_2195 = tpu.memref_slice %arg6[%mul3A_3, %dma_wait3A] : memref<128x16xf32, #tpu.memory_space<vmem_shared>> -> memref<16x16xf32, #tpu.memory_space<vmem_shared>>
        %dma_wait3A_2196 = arith.constant 0 : i32
        %dma_wait3A_2197 = tpu.memref_slice %arg6[%mul3A_3, %dma_wait3A_2196] : memref<128x16xf32, #tpu.memory_space<vmem_shared>> -> memref<16x16xf32, #tpu.memory_space<vmem_shared>>
        tpu.wait_dma2 semaphore(%run_scoped3A : memref<!tpu.dma_semaphore, #tpu.memory_space<semaphore_mem>>) src(%arg5 : memref<16x16xf32, #tpu.memory_space<vmem>>) dst(%dma_wait3A_2197 : memref<16x16xf32, #tpu.memory_space<vmem_shared>>)
        tpu.yield
      }) : () -> ()
    } else {
    }
    %barrier3A = arith.constant 0 : index
    tpu.barrier barrier_id(%barrier3A)
    %eq3A_5 = arith.constant 0 : i32
    %eq3A_6 = arith.cmpi eq, %arg0, %eq3A_5 : i32
    %eq3A_7 = arith.constant 0 : i32
    %eq3A_8 = arith.cmpi eq, %arg1, %eq3A_7 : i32
    %and3A_9 = arith.andi %eq3A_6, %eq3A_8 : i1
    %convert_element_type3A_10 = arith.extui %and3A_9 : i1 to i32
    %cond3A_11 = arith.constant 0 : i32
    %cond3A_12 = arith.cmpi ne, %convert_element_type3A_10, %cond3A_11 : i32
    scf.if %cond3A_12 {
      "tpu.region"() ({
        %run_scoped3A = tpu.sem_alloc : memref<!tpu.dma_semaphore, #tpu.memory_space<semaphore_mem>>
        tpu.enqueue_dma source(%arg6 : memref<128x16xf32, #tpu.memory_space<vmem_shared>>) target(%arg3 : memref<128x16xf32, #tpu.memory_space<hbm>>) target_semaphore(%run_scoped3A : memref<!tpu.dma_semaphore, #tpu.memory_space<semaphore_mem>>)
        tpu.wait_dma2 semaphore(%run_scoped3A : memref<!tpu.dma_semaphore, #tpu.memory_space<semaphore_mem>>) src(%arg6 : memref<128x16xf32, #tpu.memory_space<vmem_shared>>) dst(%arg3 : memref<128x16xf32, #tpu.memory_space<hbm>>)
        tpu.yield
      }) : () -> ()
    } else {
    }
    return
  }
}

module attributes {stable_mosaic.version = 14 : i64} {
  func.func @_ffn_body(%arg0: i32, %arg1: memref<128x1024xf32, #tpu.memory_space<vmem>>, %arg2: memref<128x16xf32, #tpu.memory_space<vmem>>, %arg3: memref<1x1024x1024xf32, #tpu.memory_space<vmem>>, %arg4: memref<1x1024x1024xf32, #tpu.memory_space<vmem>>, %arg5: memref<1x128x1024xf32, #tpu.memory_space<vmem>>, %arg6: memref<128x1024xf32, #tpu.memory_space<vmem>>) attributes {dimension_semantics = [#tpu.dimension_semantics<arbitrary>], iteration_bounds = array<i64: 64>, scalar_prefetch = 0 : i64, scratch_operands = 0 : i64, tpu.core_type = #tpu.core_type<tc>, window_params = [{pipeline_mode = #tpu.pipeline_mode<synchronous>, transform_indices = @transform_0, window_bounds = array<i64: 128, 1024>}, {pipeline_mode = #tpu.pipeline_mode<synchronous>, transform_indices = @transform_1, window_bounds = array<i64: 128, 16>}, {transform_indices = @transform_2, window_bounds = array<i64: 1, 1024, 1024>}, {transform_indices = @transform_3, window_bounds = array<i64: 1, 1024, 1024>}, {transform_indices = @transform_4, window_bounds = array<i64: 1, 128, 1024>}, {pipeline_mode = #tpu.pipeline_mode<synchronous>, transform_indices = @transform_5, window_bounds = array<i64: 128, 1024>}]} {
    %lt3A = arith.constant 60 : i32
    %lt3A_0 = arith.cmpi slt, %arg0, %lt3A : i32
    %add3A = arith.constant 4 : i32
    %add3A_1 = arith.addi %arg0, %add3A : i32
    %sub3A = arith.constant 60 : i32
    %sub3A_2 = arith.subi %arg0, %sub3A : i32
    %select_n3A = arith.select %lt3A_0, %add3A_1, %sub3A_2 : i32
    %convert_element_type3A = arith.sitofp %select_n3A : i32 to f32
    %get3A = arith.constant 0 : index
    %get3A_3 = arith.constant 0 : index
    %get3A_4 = vector.load %arg2[%get3A, %get3A_3] : memref<128x16xf32, #tpu.memory_space<vmem>>, vector<128x1xf32>
    %eq3A = vector.broadcast %convert_element_type3A : f32 to vector<128x1xf32>
    %eq3A_5 = arith.cmpf oeq, %get3A_4, %eq3A : vector<128x1xf32>
    %get3A_6 = arith.constant 0 : index
    %get3A_7 = arith.constant 2 : index
    %get3A_8 = vector.load %arg2[%get3A_6, %get3A_7] : memref<128x16xf32, #tpu.memory_space<vmem>>, vector<128x1xf32>
    %jit3A = arith.constant 0.000000e+00 : f32
    %broadcast_in_dim3A = vector.broadcast %jit3A : f32 to vector<128x1xf32>
    %select_n3A_9 = arith.select %eq3A_5, %get3A_8, %broadcast_in_dim3A : vector<128x1xi1>, vector<128x1xf32>
    %get3A_10 = arith.constant 0 : index
    %get3A_11 = arith.constant 1 : index
    %get3A_12 = vector.load %arg2[%get3A_10, %get3A_11] : memref<128x16xf32, #tpu.memory_space<vmem>>, vector<128x1xf32>
    %eq3A_13 = vector.broadcast %convert_element_type3A : f32 to vector<128x1xf32>
    %eq3A_14 = arith.cmpf oeq, %get3A_12, %eq3A_13 : vector<128x1xf32>
    %get3A_15 = arith.constant 0 : index
    %get3A_16 = arith.constant 3 : index
    %get3A_17 = vector.load %arg2[%get3A_15, %get3A_16] : memref<128x16xf32, #tpu.memory_space<vmem>>, vector<128x1xf32>
    %jit3A_18 = arith.constant 0.000000e+00 : f32
    %broadcast_in_dim3A_19 = vector.broadcast %jit3A_18 : f32 to vector<128x1xf32>
    %select_n3A_20 = arith.select %eq3A_14, %get3A_17, %broadcast_in_dim3A_19 : vector<128x1xi1>, vector<128x1xf32>
    %add3A_21 = arith.addf %select_n3A_9, %select_n3A_20 : vector<128x1xf32>
    %lt3A_22 = arith.constant 60 : i32
    %lt3A_23 = arith.cmpi slt, %arg0, %lt3A_22 : i32
    %convert_element_type3A_24 = arith.extui %lt3A_23 : i1 to i32
    %cond3A = arith.constant 0 : i32
    %cond3A_25 = arith.cmpi ne, %convert_element_type3A_24, %cond3A : i32
    scf.if %cond3A_25 {
      %get3A_30 = arith.constant 0 : index
      %get3A_31 = arith.constant 0 : index
      %get3A_32 = vector.load %arg1[%get3A_30, %get3A_31] : memref<128x1024xf32, #tpu.memory_space<vmem>>, vector<128x1024xf32>
      %get3A_33 = arith.constant 0 : index
      %get3A_34 = arith.constant 0 : index
      %get3A_35 = arith.constant 0 : index
      %get3A_36 = vector.load %arg3[%get3A_33, %get3A_34, %get3A_35] : memref<1x1024x1024xf32, #tpu.memory_space<vmem>>, vector<1x1024x1024xf32>
      %get3A_37 = vector.shape_cast %get3A_36 : vector<1x1024x1024xf32> to vector<1024x1024xf32>
      %dot_general3A = arith.constant dense<0.000000e+00> : vector<128x1024xf32>
      %dot_general3A_38 = tpu.matmul %get3A_32, %get3A_37, %dot_general3A {dimension_numbers = #tpu.dot_dimension_numbers<[1], [0], [0], [1], [0, 0, 1, 1], [], []>, transpose_lhs_hint = false} : vector<128x1024xf32>, vector<1024x1024xf32>, vector<128x1024xf32> -> vector<128x1024xf32>
      %logistic3A = arith.negf %dot_general3A_38 : vector<128x1024xf32>
      %logistic3A_39 = math.exp %logistic3A : vector<128x1024xf32>
      %logistic3A_40 = arith.constant 1.000000e+00 : f32
      %logistic3A_41 = vector.broadcast %logistic3A_40 : f32 to vector<128x1024xf32>
      %logistic3A_42 = arith.addf %logistic3A_41, %logistic3A_39 : vector<128x1024xf32>
      %logistic3A_43 = arith.divf %logistic3A_41, %logistic3A_42 : vector<128x1024xf32>
      %mul3A = arith.mulf %dot_general3A_38, %logistic3A_43 : vector<128x1024xf32>
      %mul3A_44 = vector.broadcast %add3A_21 : vector<128x1xf32> to vector<128x1024xf32>
      %mul3A_45 = arith.mulf %mul3A, %mul3A_44 : vector<128x1024xf32>
      %get3A_46 = arith.constant 0 : index
      %get3A_47 = arith.constant 0 : index
      %get3A_48 = arith.constant 0 : index
      %get3A_49 = vector.load %arg4[%get3A_46, %get3A_47, %get3A_48] : memref<1x1024x1024xf32, #tpu.memory_space<vmem>>, vector<1x1024x1024xf32>
      %get3A_50 = vector.shape_cast %get3A_49 : vector<1x1024x1024xf32> to vector<1024x1024xf32>
      %dot_general3A_51 = arith.constant dense<0.000000e+00> : vector<128x1024xf32>
      %dot_general3A_52 = tpu.matmul %mul3A_45, %get3A_50, %dot_general3A_51 {dimension_numbers = #tpu.dot_dimension_numbers<[1], [0], [0], [1], [0, 0, 1, 1], [], []>, transpose_lhs_hint = false} : vector<128x1024xf32>, vector<1024x1024xf32>, vector<128x1024xf32> -> vector<128x1024xf32>
      %eq3A_53 = arith.constant 0 : i32
      %eq3A_54 = arith.cmpi eq, %arg0, %eq3A_53 : i32
      %convert_element_type3A_55 = arith.extui %eq3A_54 : i1 to i32
      %cond3A_56 = arith.constant 0 : i32
      %cond3A_57 = arith.cmpi ne, %convert_element_type3A_55, %cond3A_56 : i32
      scf.if %cond3A_57 {
        %swap3A = arith.constant 0 : index
        %swap3A_62 = arith.constant 0 : index
        %swap3A_63 = vector.load %arg6[%swap3A, %swap3A_62] : memref<128x1024xf32, #tpu.memory_space<vmem>>, vector<128x1024xf32>
        tpu.vector_store %arg6[%swap3A, %swap3A_62], %dot_general3A_52 {strides = array<i32>} : memref<128x1024xf32, #tpu.memory_space<vmem>>, vector<128x1024xf32>,
      } else {
      }
      %gt3A = arith.constant 0 : i32
      %gt3A_58 = arith.cmpi sgt, %arg0, %gt3A : i32
      %convert_element_type3A_59 = arith.extui %gt3A_58 : i1 to i32
      %cond3A_60 = arith.constant 0 : i32
      %cond3A_61 = arith.cmpi ne, %convert_element_type3A_59, %cond3A_60 : i32
      scf.if %cond3A_61 {
        %get3A_62 = arith.constant 0 : index
        %get3A_63 = arith.constant 0 : index
        %get3A_64 = vector.load %arg6[%get3A_62, %get3A_63] : memref<128x1024xf32, #tpu.memory_space<vmem>>, vector<128x1024xf32>
        %add3A_65 = arith.addf %get3A_64, %dot_general3A_52 : vector<128x1024xf32>
        %swap3A = arith.constant 0 : index
        %swap3A_66 = arith.constant 0 : index
        %swap3A_67 = vector.load %arg6[%swap3A, %swap3A_66] : memref<128x1024xf32, #tpu.memory_space<vmem>>, vector<128x1024xf32>
        tpu.vector_store %arg6[%swap3A, %swap3A_66], %add3A_65 {strides = array<i32>} : memref<128x1024xf32, #tpu.memory_space<vmem>>, vector<128x1024xf32>,
      } else {
      }
    } else {
    }
    %ge3A = arith.constant 60 : i32
    %ge3A_26 = arith.cmpi sge, %arg0, %ge3A : i32
    %convert_element_type3A_27 = arith.extui %ge3A_26 : i1 to i32
    %cond3A_28 = arith.constant 0 : i32
    %cond3A_29 = arith.cmpi ne, %convert_element_type3A_27, %cond3A_28 : i32
    scf.if %cond3A_29 {
      %get3A_30 = arith.constant 0 : index
      %get3A_31 = arith.constant 0 : index
      %get3A_32 = vector.load %arg6[%get3A_30, %get3A_31] : memref<128x1024xf32, #tpu.memory_space<vmem>>, vector<128x1024xf32>
      %get3A_33 = arith.constant 0 : index
      %get3A_34 = arith.constant 0 : index
      %get3A_35 = arith.constant 0 : index
      %get3A_36 = vector.load %arg5[%get3A_33, %get3A_34, %get3A_35] : memref<1x128x1024xf32, #tpu.memory_space<vmem>>, vector<1x128x1024xf32>
      %get3A_37 = vector.shape_cast %get3A_36 : vector<1x128x1024xf32> to vector<128x1024xf32>
      %mul3A = vector.broadcast %add3A_21 : vector<128x1xf32> to vector<128x1024xf32>
      %mul3A_38 = arith.mulf %get3A_37, %mul3A : vector<128x1024xf32>
      %add3A_39 = arith.addf %get3A_32, %mul3A_38 : vector<128x1024xf32>
      %swap3A = arith.constant 0 : index
      %swap3A_40 = arith.constant 0 : index
      %swap3A_41 = vector.load %arg6[%swap3A, %swap3A_40] : memref<128x1024xf32, #tpu.memory_space<vmem>>, vector<128x1024xf32>
      tpu.vector_store %arg6[%swap3A, %swap3A_40], %add3A_39 {strides = array<i32>} : memref<128x1024xf32, #tpu.memory_space<vmem>>, vector<128x1024xf32>,
    } else {
    }
    return
  }
  func.func @transform_0(%arg0: i32) -> (i32, i32) {
    %c0_i32 = arith.constant 0 : i32
    %c0_i32_0 = arith.constant 0 : i32
    %c0_i32_1 = arith.constant 0 : i32
    return %c0_i32, %c0_i32_0 : i32, i32
  }
  func.func @transform_1(%arg0: i32) -> (i32, i32) {
    %c0_i32 = arith.constant 0 : i32
    %c0_i32_0 = arith.constant 0 : i32
    %c0_i32_1 = arith.constant 0 : i32
    return %c0_i32, %c0_i32_0 : i32, i32
  }
  func.func @transform_2(%arg0: i32) -> (i32, i32, i32) {
    %add3A = arith.constant 4 : i32
    %add3A_0 = arith.addi %arg0, %add3A : i32
    %min3A = arith.constant 63 : i32
    %min3A_1 = arith.minsi %add3A_0, %min3A : i32
    %c0_i32 = arith.constant 0 : i32
    %c0_i32_2 = arith.constant 0 : i32
    %c0_i32_3 = arith.constant 0 : i32
    return %min3A_1, %c0_i32, %c0_i32_2 : i32, i32, i32
  }
  func.func @transform_3(%arg0: i32) -> (i32, i32, i32) {
    %add3A = arith.constant 4 : i32
    %add3A_0 = arith.addi %arg0, %add3A : i32
    %min3A = arith.constant 63 : i32
    %min3A_1 = arith.minsi %add3A_0, %min3A : i32
    %c0_i32 = arith.constant 0 : i32
    %c0_i32_2 = arith.constant 0 : i32
    %c0_i32_3 = arith.constant 0 : i32
    return %min3A_1, %c0_i32, %c0_i32_2 : i32, i32, i32
  }
  func.func @transform_4(%arg0: i32) -> (i32, i32, i32) {
    %sub3A = arith.constant 60 : i32
    %sub3A_0 = arith.subi %arg0, %sub3A : i32
    %max3A = arith.constant 0 : i32
    %max3A_1 = arith.maxsi %sub3A_0, %max3A : i32
    %c0_i32 = arith.constant 0 : i32
    %c0_i32_2 = arith.constant 0 : i32
    %c0_i32_3 = arith.constant 0 : i32
    return %max3A_1, %c0_i32, %c0_i32_2 : i32, i32, i32
  }
  func.func @transform_5(%arg0: i32) -> (i32, i32) {
    %c0_i32 = arith.constant 0 : i32
    %c0_i32_0 = arith.constant 0 : i32
    %c0_i32_1 = arith.constant 0 : i32
    return %c0_i32, %c0_i32_0 : i32, i32
  }
}

module attributes {stable_mosaic.version = 14 : i64} {
  func.func @_prefix_body(%arg0: i32, %arg1: memref<128x1024xf32, #tpu.memory_space<vmem>>, %arg2: memref<1x1024x1024xf32, #tpu.memory_space<vmem>>, %arg3: memref<1x1024x1024xf32, #tpu.memory_space<vmem>>, %arg4: memref<1x128x1024xf32, #tpu.memory_space<vmem>>) attributes {dimension_semantics = [#tpu.dimension_semantics<arbitrary>], iteration_bounds = array<i64: 4>, scalar_prefetch = 0 : i64, scratch_operands = 0 : i64, tpu.core_type = #tpu.core_type<tc>, window_params = [{pipeline_mode = #tpu.pipeline_mode<synchronous>, transform_indices = @transform_0, window_bounds = array<i64: 128, 1024>}, {transform_indices = @transform_1, window_bounds = array<i64: 1, 1024, 1024>}, {transform_indices = @transform_2, window_bounds = array<i64: 1, 1024, 1024>}, {transform_indices = @transform_3, window_bounds = array<i64: 1, 128, 1024>}]} {
    %get3A = arith.constant 0 : index
    %get3A_0 = arith.constant 0 : index
    %get3A_1 = vector.load %arg1[%get3A, %get3A_0] : memref<128x1024xf32, #tpu.memory_space<vmem>>, vector<128x1024xf32>
    %get3A_2 = arith.constant 0 : index
    %get3A_3 = arith.constant 0 : index
    %get3A_4 = arith.constant 0 : index
    %get3A_5 = vector.load %arg2[%get3A_2, %get3A_3, %get3A_4] : memref<1x1024x1024xf32, #tpu.memory_space<vmem>>, vector<1x1024x1024xf32>
    %get3A_6 = vector.shape_cast %get3A_5 : vector<1x1024x1024xf32> to vector<1024x1024xf32>
    %dot_general3A = arith.constant dense<0.000000e+00> : vector<128x1024xf32>
    %dot_general3A_7 = tpu.matmul %get3A_1, %get3A_6, %dot_general3A {dimension_numbers = #tpu.dot_dimension_numbers<[1], [0], [0], [1], [0, 0, 1, 1], [], []>, transpose_lhs_hint = false} : vector<128x1024xf32>, vector<1024x1024xf32>, vector<128x1024xf32> -> vector<128x1024xf32>
    %logistic3A = arith.negf %dot_general3A_7 : vector<128x1024xf32>
    %logistic3A_8 = math.exp %logistic3A : vector<128x1024xf32>
    %logistic3A_9 = arith.constant 1.000000e+00 : f32
    %logistic3A_10 = vector.broadcast %logistic3A_9 : f32 to vector<128x1024xf32>
    %logistic3A_11 = arith.addf %logistic3A_10, %logistic3A_8 : vector<128x1024xf32>
    %logistic3A_12 = arith.divf %logistic3A_10, %logistic3A_11 : vector<128x1024xf32>
    %mul3A = arith.mulf %dot_general3A_7, %logistic3A_12 : vector<128x1024xf32>
    %get3A_13 = arith.constant 0 : index
    %get3A_14 = arith.constant 0 : index
    %get3A_15 = arith.constant 0 : index
    %get3A_16 = vector.load %arg3[%get3A_13, %get3A_14, %get3A_15] : memref<1x1024x1024xf32, #tpu.memory_space<vmem>>, vector<1x1024x1024xf32>
    %get3A_17 = vector.shape_cast %get3A_16 : vector<1x1024x1024xf32> to vector<1024x1024xf32>
    %dot_general3A_18 = arith.constant dense<0.000000e+00> : vector<128x1024xf32>
    %dot_general3A_19 = tpu.matmul %mul3A, %get3A_17, %dot_general3A_18 {dimension_numbers = #tpu.dot_dimension_numbers<[1], [0], [0], [1], [0, 0, 1, 1], [], []>, transpose_lhs_hint = false} : vector<128x1024xf32>, vector<1024x1024xf32>, vector<128x1024xf32> -> vector<128x1024xf32>
    %swap3A = arith.constant 0 : index
    %swap3A_20 = arith.constant 0 : index
    %swap3A_21 = arith.constant 0 : index
    %swap3A_22 = vector.load %arg4[%swap3A, %swap3A_20, %swap3A_21] : memref<1x128x1024xf32, #tpu.memory_space<vmem>>, vector<1x128x1024xf32>
    %swap3A_23 = vector.shape_cast %swap3A_22 : vector<1x128x1024xf32> to vector<128x1024xf32>
    %swap3A_24 = vector.shape_cast %dot_general3A_19 : vector<128x1024xf32> to vector<1x128x1024xf32>
    tpu.vector_store %arg4[%swap3A, %swap3A_20, %swap3A_21], %swap3A_24 {strides = array<i32>} : memref<1x128x1024xf32, #tpu.memory_space<vmem>>, vector<1x128x1024xf32>,
    return
  }
  func.func @transform_0(%arg0: i32) -> (i32, i32) {
    %c0_i32 = arith.constant 0 : i32
    %c0_i32_0 = arith.constant 0 : i32
    %c0_i32_1 = arith.constant 0 : i32
    return %c0_i32, %c0_i32_0 : i32, i32
  }
  func.func @transform_1(%arg0: i32) -> (i32, i32, i32) {
    %c0_i32 = arith.constant 0 : i32
    %c0_i32_0 = arith.constant 0 : i32
    %c0_i32_1 = arith.constant 0 : i32
    return %arg0, %c0_i32, %c0_i32_0 : i32, i32, i32
  }
  func.func @transform_2(%arg0: i32) -> (i32, i32, i32) {
    %c0_i32 = arith.constant 0 : i32
    %c0_i32_0 = arith.constant 0 : i32
    %c0_i32_1 = arith.constant 0 : i32
    return %arg0, %c0_i32, %c0_i32_0 : i32, i32, i32
  }
  func.func @transform_3(%arg0: i32) -> (i32, i32, i32) {
    %c0_i32 = arith.constant 0 : i32
    %c0_i32_0 = arith.constant 0 : i32
    %c0_i32_1 = arith.constant 0 : i32
    return %arg0, %c0_i32, %c0_i32_0 : i32, i32, i32
  }
}

module attributes {stable_mosaic.version = 14 : i64} {
  func.func @_logits_body(%arg0: memref<1024x64xf32, #tpu.memory_space<vmem>>, %arg1: memref<128x1024xf32, #tpu.memory_space<vmem>>, %arg2: memref<64x128xf32, #tpu.memory_space<vmem>>) attributes {dimension_semantics = [], scalar_prefetch = 0 : i64, scratch_operands = 0 : i64, tpu.core_type = #tpu.core_type<tc>} {
    %get3A = arith.constant 0 : index
    %get3A_0 = arith.constant 0 : index
    %get3A_1 = vector.load %arg0[%get3A, %get3A_0] : memref<1024x64xf32, #tpu.memory_space<vmem>>, vector<1024x64xf32>
    %get3A_2 = arith.constant 0 : index
    %get3A_3 = arith.constant 0 : index
    %get3A_4 = vector.load %arg1[%get3A_2, %get3A_3] : memref<128x1024xf32, #tpu.memory_space<vmem>>, vector<128x1024xf32>
    %dot_general3A = arith.constant dense<0.000000e+00> : vector<64x128xf32>
    %dot_general3A_5 = tpu.matmul %get3A_1, %get3A_4, %dot_general3A {dimension_numbers = #tpu.dot_dimension_numbers<[0], [1], [1], [0], [0, 1, 1, 0], [], []>, transpose_lhs_hint = false} : vector<1024x64xf32>, vector<128x1024xf32>, vector<64x128xf32> -> vector<64x128xf32>
    %swap3A = arith.constant 0 : index
    %swap3A_6 = arith.constant 0 : index
    %swap3A_7 = vector.load %arg2[%swap3A, %swap3A_6] : memref<64x128xf32, #tpu.memory_space<vmem>>, vector<64x128xf32>
    tpu.vector_store %arg2[%swap3A, %swap3A_6], %dot_general3A_5 {strides = array<i32>} : memref<64x128xf32, #tpu.memory_space<vmem>>, vector<64x128xf32>,
    return
  }
}

</mosaic_0001>

<sc_bundles>
// kernel: kernel.6.cloned.1.call-start
scs
__scs_entry_jumppad:
0x0: {  	(pc) =	sbr.rel $0x88, $3  }
0x1: {  	(tag) =	ssettag $0x0;
	lr =	simm.s32 $0x1  }
0x2: {  	[smem:$0x3F9D] =	sst lr;
	_ =	strace $0xD0000000  }
0x3: {  	_ = 	snop  }
0x4: {  	_ = 	snop  }
0x5: {  	_ = 	snop  }
0x6: {  	_ = 	snop  }
0x7: {  	_ = 	snop  }
__scs_overlays_trampoline_lowered:
0x8: {  	[smem:$0x3FAC] =	sst s0  }
0x9: {  	[smem:$0x3FAD] =	sst s1  }
0xa: {  	[smem:$0x3FAE] =	sst s2  }
0xb: {  	[smem:$0x3FAF] =	sst s3  }
0xc: {  	[smem:$0x3FB0] =	sst s4  }
0xd: {  	[smem:$0x3FB1] =	sst s5  }
0xe: {  	[smem:$0x3FB2] =	sst s6  }
0xf: {  	[smem:$0x3FB3] =	sst s7  }
0x10: {  	[smem:$0x3FB4] =	sst s8  }
0x11: {  	[smem:$0x3FB5] =	sst s9;
	s0 =	simm.s32 @!p0 $0x0  }
0x12: {  	s1 =	sld [smem:$0x3F9B];
	s0 =	simm.s32 @p0 $0x1  }
0x13: {  	[smem:$0x3FB6] =	sst s0;
	s0 =	simm.s32 @!p1 $0x0  }
0x14: {  	s2 =	sld [smem:$0x3F9A];
	s0 =	simm.s32 @p1 $0x1  }
0x15: {  	[smem:$0x3FB7] =	sst s0;
	s0 =	simm.s32 @!p2 $0x0  }
0x16: {  	s3 =	sld [smem:$0x3FDB];
	s0 =	simm.s32 @p2 $0x1  }
0x17: {  	s4 =	simm.s32 $0x1BF5;
	[smem:$0x3FB9] =	sst s0  }
0x18: {  	s0 =	sld [smem:$0x3F9C];
	_ =	swait.ge [sflag:s4], $0x0  }
0x19: {  	s7 =	sld [smem:$0x3F9D]  }
0x1a: {  	s8 =	sadd.s32 $0xFFFFE003, lr  }
0x1b: {  	s9 =	sadd.s32 $0xFFFFFEF7, lr;
	s5 =	simm.s32 $0xFFFFFFFF;
	p2 =	slt.u32 s8, $0xFFFFF086  }
0x1c: {  	p1 =	slt.u32 s9, $0xF7A;
	s5 =	simm.s32 @!p2 $0x0  }
0x1d: {  	s5 =	simm.s32 @p1 $0x1;
	p0 =	seq.s32 s7, s2  }
0x1e: {  	s7 =	smul.u32 @!p0 $0xF7A, s2;
	p2 =	seq.s32 @!p0 s5, $0x0  }
0x1f: {  	s9 =	smul.u32 $0xF7A, s1;
	s8 =	simm.s32 @!p0 $0x1BF5;
	p2 =	por !p2, p0  }
0x20: {  	[sflag:s8] =	ssyncset.s32 @!p0 $0xFFFFF086;
	s6 =	sadd.s32 @!p0 s3, s7;
	s7 =	simm.s32 @!p0 $0x108  }
0x21: {  	s3 =	sadd.s32 s3, s9;
	s6 =	sadd.s32 @!p0 $0x88, s6;
	s7 =	simm.s32 @p2 $0x1082  }
0x22: {  	[simem:s7], [sflag:s8] =	dma.local @!p0 [hbm:s6], $0xF7A  }
0x23: {  	s9 =	sor.u32 $0xD0000000, s2;
	s6 =	simm.s32 $0x108;
	_ =	swait.ge @!p0 [sflag:s8], $0x0  }
0x24: {  	s3 =	sadd.s32 $0x88, s3;
	s6 =	simm.s32 @!p1 $0x1082;
	[sflag:s4] =	ssyncset.s32 $0xFFFFF086  }
0x25: {  	[simem:s6], [sflag:s4] =	dma.local [hbm:s3], $0xF7A  }
0x26: {  	[smem:$0x3F9D] =	sst s1;
	(tag) =	ssettag s2;
	_ =	strace s9  }
0x27: {  	s1 =	sld [smem:$0x3FAD]  }
0x28: {  	s2 =	sld [smem:$0x3FAE]  }
0x29: {  	s4 =	sld [smem:$0x3FB0]  }
0x2a: {  	p0 =	seq.s32 s5, $0x0;
	s5 =	sld [smem:$0x3FB1]  }
0x2b: {  	s6 =	sld [smem:$0x3FB2]  }
0x2c: {  	s7 =	sld [smem:$0x3FB3]  }
0x2d: {  	s3 =	simm.s32 $0x108;
	s8 =	sld [smem:$0x3FB4]  }
0x2e: {  	s3 =	simm.s32 @!p0 $0x1082;
	s9 =	sld [smem:$0x3FB5]  }
0x2f: {  	lr =	sadd.s32 s0, s3;
	s0 =	sld [smem:$0x3FAC]  }
0x30: {  	s3 =	sld [smem:$0x3FAF]  }
0x31: {  	[smem:$0x3FB8] =	sst s10  }
0x32: {  	s10 =	sld [smem:$0x3FB6];
	_ =	sdelay $0x3  }
0x33: {  	p0 =	seq.s32 s10, $0x1;
	s10 =	sld [smem:$0x3FB8];
	_ =	sdelay $0x3  }
0x34: {  	[smem:$0x3FB8] =	sst s10  }
0x35: {  	s10 =	sld [smem:$0x3FB7];
	_ =	sdelay $0x3  }
0x36: {  	p1 =	seq.s32 s10, $0x1;
	s10 =	sld [smem:$0x3FB8];
	_ =	sdelay $0x3  }
0x37: {  	[smem:$0x3FB8] =	sst s10  }
0x38: {  	s10 =	sld [smem:$0x3FB9]  }
0x39: {  	_ = 	snop;
	(pc) =	sbr.ind lr, $3  }
0x3a: {  	_ = 	snop  }
0x3b: {  	_ = 	snop  }
0x3c: {  	p2 =	seq.s32 s10, $0x1;
	s10 =	sld [smem:$0x3FB8]  }
0x3d: {  	_ =	shalt  }
0x3e: {  	_ =	shalt  }
0x3f: {  	_ =	shalt  }
0x40: {  	_ =	shalt  }
0x41: {  	_ =	shalt  }
0x42: {  	_ =	shalt  }
0x43: {  	_ =	shalt  }
0x44: {  	_ =	shalt  }
0x45: {  	_ =	shalt  }
0x46: {  	_ =	shalt  }
0x47: {  	_ =	shalt  }
0x48: {  	_ =	shalt  }
0x49: {  	_ =	shalt  }
0x4a: {  	_ =	shalt  }
0x4b: {  	_ =	shalt  }
0x4c: {  	_ =	shalt  }
0x4d: {  	_ =	shalt  }
0x4e: {  	_ =	shalt  }
0x4f: {  	_ =	shalt  }
0x50: {  	_ =	shalt  }
0x51: {  	_ =	shalt  }
0x52: {  	_ =	shalt  }
0x53: {  	_ =	shalt  }
0x54: {  	_ =	shalt  }
0x55: {  	_ =	shalt  }
0x56: {  	_ =	shalt  }
0x57: {  	_ =	shalt  }
0x58: {  	_ =	shalt  }
0x59: {  	_ =	shalt  }
0x5a: {  	_ =	shalt  }
0x5b: {  	_ =	shalt  }
0x5c: {  	_ =	shalt  }
0x5d: {  	_ =	shalt  }
0x5e: {  	_ =	shalt  }
0x5f: {  	_ =	shalt  }
0x60: {  	_ =	shalt  }
0x61: {  	_ =	shalt  }
0x62: {  	_ =	shalt  }
0x63: {  	_ =	shalt  }
0x64: {  	_ =	shalt  }
0x65: {  	_ =	shalt  }
0x66: {  	_ =	shalt  }
0x67: {  	_ =	shalt  }
0x68: {  	_ =	shalt  }
0x69: {  	_ =	shalt  }
0x6a: {  	_ =	shalt  }
0x6b: {  	_ =	shalt  }
0x6c: {  	_ =	shalt  }
0x6d: {  	_ =	shalt  }
0x6e: {  	_ =	shalt  }
0x6f: {  	_ =	shalt  }
0x70: {  	_ =	shalt  }
0x71: {  	_ =	shalt  }
0x72: {  	_ =	shalt  }
0x73: {  	_ =	shalt  }
0x74: {  	_ =	shalt  }
0x75: {  	_ =	shalt  }
0x76: {  	_ =	shalt  }
0x77: {  	_ =	shalt  }
0x78: {  	_ =	shalt  }
0x79: {  	_ =	shalt  }
0x7a: {  	_ =	shalt  }
0x7b: {  	_ =	shalt  }
0x7c: {  	_ =	shalt  }
0x7d: {  	_ =	shalt  }
0x7e: {  	_ =	shalt  }
0x7f: {  	_ =	shalt  }
0x80: {  	_ =	shalt  }
0x81: {  	_ =	shalt  }
0x82: {  	_ =	shalt  }
0x83: {  	_ =	shalt  }
0x84: {  	_ =	shalt  }
0x85: {  	_ =	shalt  }
0x86: {  	_ =	shalt  }
0x87: {  	_ =	shalt  }
.Lfunc_end0:
.L_simem_size_0:
called_computation_lowered:
.L_overlay_start_0:
0x88: {  	s2 =	sld [smem:$0x3FD9]  }
0x89: {  	s3 =	sld [smem:$0x3FFE];
	_ =	sdelay $0x1  }
0x8a: {  	s1 =	srdreg.scid  }
0x8b: {  	s0 =	sand.u32 $0x1, s1  }
0x8c: {  	s17 =	sshll.u32 s0, $0xA;
	s2 =	sadd.s32 s3, s2  }
0x8d: {  	s2 =	sadd.s32 s2, s17  }
0x8e: {  	[smem:$0x3FC4] =	sst s2  }
0x8f: {  	_ = 	snop  }
0x90: {  	s2 =	sld [smem:$0x3FD0];
	(tm) =	ssettm $0x1  }
0x91: {  	s18 =	sld [smem:$0x3FFB];
	_ =	sdelay $0x3  }
0x92: {  	_ =	strace s18  }
0x93: {  	s3 =	sld [smem:$0x3FFC];
	_ =	sdelay $0x3  }
0x94: {  	_ =	strace s3  }
0x95: {  	s3 =	sld [smem:$0x3FFD];
	_ =	sdelay $0x3  }
0x96: {  	_ =	strace s3  }
0x97: {  	_ =	strace $0x8FFFFFFF  }
0x98: {  	s19 =	sld [smem:$0x3FDB];
	_ =	sdelay $0x1  }
0x99: {  	s4 =	simm.s32 $_scs_section_size  }
0x9a: {  	s5 =	simm.s32 $_size__tile_overlayer_lowered;
	s6 =	simm.s32 $_tile_overlayer_lowered  }
0x9b: {  	s22 =	simm.s32 $0x1BFF;
	s21 =	sshll.u32 s6, $0x1;
	s3 =	sadd.s32 s4, s19  }
0x9c: {  	s7 =	simm.s32 $0x0;
	s20 =	sshll.u32 s5, $0x1;
	s5 =	sadd.s32 s21, s3  }
0x9d: {  	[timem:s7], [sflag:s22] =	dma.local [hbm:s5], s20  }
0x9e: {  	_ =	swait.ge [sflag:s22], s20  }
0x9f: {  	s4 =	ssub.s32 $0x0, s20;
	[sflag:s22] =	ssyncset.done $0x0  }
0xa0: {  	[sflag:s22] =	ssyncadd.s32 s4;
	_ =	sdelay $0x1  }
0xa1: {  	s23 =	simm.s32 $0x1B8B  }
0xa2: {  	_ =	swait.ge [sflag:s23], $0x1  }
0xa3: {  	[sflag:s23] =	ssyncset.done $0x0  }
0xa4: {  	s25 =	simm.s32 $0x1B8E;
	s24 =	sld [smem:$0x3FFE];
	[sflag:s23] =	ssyncadd.s32 $0xFFFFFFFF  }
0xa5: {  	s26 =	simm.s32 $execute0_lowered;
	[smem:$0x3FD2] =	sst s25  }
0xa6: {  	s5 =	sshll.u32 s26, $0x1;
	_ =	strace $0x80000046;
	[dreg:$0x1] =	wrdreg $0xFFFFFFFF  }
0xa7: {  	s28 =	simm.s32 $_size_execute0_lowered;
	s3 =	sadd.s32 s3, s5;
	[dreg:$0x0] =	wrdreg $0x0  }
0xa8: {  	s5 =	sshll.u32 s28, $0x1;
	[dreg:$0x2] =	wrdreg s3  }
0xa9: {  	[dreg:$0x3] =	wrdreg s5  }
0xaa: {  	[dreg:$0x4] =	wrdreg $0xC0  }
0xab: {  	_ =	task [dreg:s7], $0x5FFFF  }
0xac: {  	[dreg:$0x1] =	wrdreg $0xFFFFFFFF  }
0xad: {  	[dreg:$0x0] =	wrdreg $0x60  }
0xae: {  	[dreg:$0x2] =	wrdreg s24  }
0xaf: {  	[dreg:$0x3] =	wrdreg s2  }
0xb0: {  	[dreg:$0x4] =	wrdreg $0x28000  }
0xb1: {  	[dreg:$0x5] =	wrdreg $0x9  }
0xb2: {  	_ =	task.clear_ibuf [dreg:s7], $0x6FFFF;
	_ =	strace $0x90000046  }
0xb3: {  	s29 =	simm.s32 $0x9;
	_ =	strace $0x80000048  }
0xb4: {  	_ =	swait.ge [sflag:s29], $0x1  }
0xb5: {  	[sflag:s29] =	ssyncadd.s32 $0xFFFFFFFF  }
0xb6: {  	_ =	strace $0x90000048  }
0xb7: {  	_ =	sfence  }
0xb8: {  	s30 =	sld [smem:$0x0];
	_ =	sdelay $0x2  }
0xb9: {  	s31 =	sshll.u32 s1, $0xD;
	s1 =	sshrl.u32 s1, $0x2  }
0xba: {  	s3 =	sand.u32 $0x4000, s31;
	s1 =	sadd.s32 s1, s30  }
0xbb: {  	s0 =	sor.u32 s3, s0;
	s1 =	sshll.u32 s1, $0x11  }
0xbc: {  	s0 =	sor.u32 s1, s0  }
0xbd: {  	s0 =	sadd.s32 $0x8F2B, s0  }
0xbe: {  	[sflag:s0] =	ssyncadd.remote.s32 $0x1  }
0xbf: {  	_ =	sfence.sel $0xFFFF  }
0xc0: {  	[dreg:$0x0] =	wrdreg $0xFFFFFFFF;
	(pc) =	sbr.abs _section_cstart, $3  }
0xc1: {  	[dreg:$0x1] =	wrdreg $0xFFFFFFFF  }
0xc2: {  	_ =	task.clear_ibuf [dreg:s7], $0x2FFFF;
	_ =	strace $0x9FFFFFFF  }
0xc3: {  	(tm) =	ssettm $0x7FFFFFFF  }
tec
execute0_lowered:
.L_overlay_start_1:
0x0: {  	(tag) =	ssettag $0x1  }
0x1: {  	s3 =	rddreg [dreg:$0x0]  }
0x2: {  	s2 =	rddreg [dreg:$0x1]  }
0x3: {  	s11 =	rddreg [dreg:$0x2]  }
0x4: {  	s4 =	srdreg.scid;
	s0 =	rddreg [dreg:$0x3]  }
0x5: {  	s1 =	stileid.u32;
	_ =	strace $0x80000047;
	s9 =	simm.s32 $0x2000  }
0x6: {  	s5 =	sand.u32 $0x1, s4;
	p1 =	slt.u32 s1, $0x8;
	s3 =	sadd.s32 $0xE00, s3  }
0x7: {  	s7 =	sshll.u32 s1, $0xB;
	s4 =	ssub.s32 $0x2, s5;
	p0 =	seq.s32 s5, $0x0  }
.Ltmp0:
0x8: {  	s8 =	sor.u32 s1, s5;
	s5 =	sadd.s32 s7, s11;
	(pc) =	sbr.rel .LBB2_1-.Ltmp0, $4  }
0x9: {  	s7 =	simm.s32 $0x0;
	s6 =	sshrl.u32 s4, $0x1;
	p0 =	por !p0, !p1  }
0xa: {  	p1 =	sne.s32 s8, $0x0;
	s8 =	simm.s32 $0x1;
	s6 =	ssub.s32 s4, s6  }
0xb: {  	vm0 =	vcmask $0xF0C;
	vm1 =	vcmask $0x3F0C;
	vm2 =	vcmask $0x3F08;
	p0 =	por !p0, !p0;
	s4 =	sshll.u32 s1, $0x4;
	s10 =	sshll.u32 @!p1 s1, $0x6  }
0xc: {  	vm3 =	vmmov $0x1;
	vm4 =	vcmask $0x3F04;
	vm5 =	vcmask $0x3F10;
	s11 =	sshrl.u32 @!p1 s11, $0x3;
	s6 =	smax.u32 s6, $0x1;
	s10 =	sor.u32 @!p1 $0x1C01, s10  }
.LBB2_3:
0xd: {  	s6 =	sadd.s32 $0xFFFFFFFF, s6  }
0xe: {  	p2 =	sne.s32 s6, $0x0  }
.Ltmp1:
0xf: {  	[bflag:$0x0] =	sbarrier.arrive $0xFFFF;
	s12 =	simm.s32 @!p1 $0x1;
	(pc) =	sbr.rel @!p2 .LBB2_4-.Ltmp1, $4  }
0x10: {  	[hbm:s2], [sflag:s10] =	dma.local @!p1 [spmem:s11], $0x800  }
0x11: {  	_ =	swait.ge @!p1 [sflag:s12], $0x800  }
0x12: {  	[sflag:s12] =	ssyncset.done @!p1 $0x0  }
0x13: {  	[sflag:s12] =	ssyncadd.s32 @!p1 $0xFFFFF800  }
.LBB2_1:
.Ltmp2:
0x14: {  	(pc) =	sbr.rel @!p0 .LBB2_3-.Ltmp2, $1  }
0x15: {  	_ =	sdelay $0x3  }
0x16: {  	[tilespmem:s7], [sflag:$0x1] =	stream.linear.gather [hbm4b:s3+s7], $0x2000, $0x38;
	[tilespmem:$0x2880] =	vst v63  }
0x17: {  	_ =	swait.ge [sflag:s8], $0x2000  }
0x18: {  	[sflag:s8] =	ssyncset.done $0x0  }
0x19: {  	[sflag:s8] =	ssyncadd.s32 $0xFFFFE000  }
0x1a: {  	v32 =	vld [tilespmem:s4+$0x0]  }
0x1b: {  	v33 =	vld [tilespmem:s4+$0x80]  }
0x1c: {  	v34 =	vld [tilespmem:s4+$0x100]  }
0x1d: {  	v36 =	vld [tilespmem:s4+$0x180]  }
0x1e: {  	v37 =	vld [tilespmem:s4+$0x200]  }
0x1f: {  	v38 =	vld [tilespmem:s4+$0x280]  }
0x20: {  	v40 =	vld [tilespmem:s4+$0x300];
	v2 =	vmax.f32 v32, v33  }
0x21: {  	v46 =	vld [tilespmem:s4+$0x380];
	v2 =	vmax.f32 v2, v34  }
0x22: {  	v52 =	vld [tilespmem:s4+$0x400];
	v2 =	vmax.f32 v2, v36  }
0x23: {  	v58 =	vld [tilespmem:s4+$0x480];
	v2 =	vmax.f32 v2, v37  }
0x24: {  	v41 =	vld [tilespmem:s4+$0x500];
	v2 =	vmax.f32 v2, v38  }
0x25: {  	v42 =	vld [tilespmem:s4+$0x580];
	v2 =	vmax.f32 v2, v40  }
0x26: {  	v43 =	vld [tilespmem:s4+$0x600];
	v2 =	vmax.f32 v2, v46  }
0x27: {  	v44 =	vld [tilespmem:s4+$0x680];
	v2 =	vmax.f32 v2, v52  }
0x28: {  	v63 =	vld [tilespmem:s4+$0x700];
	v2 =	vmax.f32 v2, v58  }
0x29: {  	v62 =	vld [tilespmem:s4+$0x780];
	v2 =	vmax.f32 v2, v41  }
0x2a: {  	v61 =	vld [tilespmem:s4+$0x800];
	v2 =	vmax.f32 v2, v42  }
0x2b: {  	v60 =	vld [tilespmem:s4+$0x880];
	v2 =	vmax.f32 v2, v43  }
0x2c: {  	v59 =	vld [tilespmem:s4+$0x900];
	v2 =	vmax.f32 v2, v44  }
0x2d: {  	v57 =	vld [tilespmem:s4+$0x980];
	v2 =	vmax.f32 v2, v63  }
0x2e: {  	v56 =	vld [tilespmem:s4+$0xA00];
	v2 =	vmax.f32 v2, v62  }
0x2f: {  	v55 =	vld [tilespmem:s4+$0xA80];
	v2 =	vmax.f32 v2, v61  }
0x30: {  	v54 =	vld [tilespmem:s4+$0xB00];
	v2 =	vmax.f32 v2, v60  }
0x31: {  	v53 =	vld [tilespmem:s4+$0xB80];
	v2 =	vmax.f32 v2, v59  }
0x32: {  	v51 =	vld [tilespmem:s4+$0xC00];
	v2 =	vmax.f32 v2, v57  }
0x33: {  	v50 =	vld [tilespmem:s4+$0xC80];
	v2 =	vmax.f32 v2, v56  }
0x34: {  	v49 =	vld [tilespmem:s4+$0xD00];
	v2 =	vmax.f32 v2, v55  }
0x35: {  	v48 =	vld [tilespmem:s4+$0xD80];
	v2 =	vmax.f32 v2, v54  }
0x36: {  	v0 =	vld [tilespmem:s4+$0xE00];
	v2 =	vmax.f32 v2, v53  }
0x37: {  	v47 =	vld [tilespmem:s4+$0xE80];
	v2 =	vmax.f32 v2, v51  }
0x38: {  	v45 =	vld [tilespmem:s4+$0xF00];
	v2 =	vmax.f32 v2, v50  }
0x39: {  	v39 =	vld [tilespmem:s4+$0xF80];
	v2 =	vmax.f32 v2, v49  }
0x3a: {  	v35 =	vld [tilespmem:s4+$0x1000];
	v2 =	vmax.f32 v2, v48  }
0x3b: {  	v31 =	vld [tilespmem:s4+$0x1080];
	v2 =	vmax.f32 v2, v0  }
0x3c: {  	v30 =	vld [tilespmem:s4+$0x1100];
	v2 =	vmax.f32 v2, v47  }
0x3d: {  	v29 =	vld [tilespmem:s4+$0x1180];
	v2 =	vmax.f32 v2, v45  }
0x3e: {  	v28 =	vld [tilespmem:s4+$0x1200];
	v2 =	vmax.f32 v2, v39  }
0x3f: {  	v27 =	vld [tilespmem:s4+$0x1280];
	v2 =	vmax.f32 v2, v35  }
0x40: {  	v26 =	vld [tilespmem:s4+$0x1300];
	v2 =	vmax.f32 v2, v31  }
0x41: {  	v25 =	vld [tilespmem:s4+$0x1380];
	v2 =	vmax.f32 v2, v30  }
0x42: {  	v24 =	vld [tilespmem:s4+$0x1400];
	v2 =	vmax.f32 v2, v29  }
0x43: {  	v23 =	vld [tilespmem:s4+$0x1480];
	v2 =	vmax.f32 v2, v28  }
0x44: {  	v22 =	vld [tilespmem:s4+$0x1500];
	v2 =	vmax.f32 v2, v27  }
0x45: {  	v21 =	vld [tilespmem:s4+$0x1580];
	v2 =	vmax.f32 v2, v26  }
0x46: {  	v20 =	vld [tilespmem:s4+$0x1600];
	v2 =	vmax.f32 v2, v25  }
0x47: {  	v19 =	vld [tilespmem:s4+$0x1680];
	v2 =	vmax.f32 v2, v24  }
0x48: {  	v18 =	vld [tilespmem:s4+$0x1700];
	v2 =	vmax.f32 v2, v23  }
0x49: {  	v17 =	vld [tilespmem:s4+$0x1780];
	v2 =	vmax.f32 v2, v22  }
0x4a: {  	v16 =	vld [tilespmem:s4+$0x1800];
	v2 =	vmax.f32 v2, v21  }
0x4b: {  	v15 =	vld [tilespmem:s4+$0x1880];
	v2 =	vmax.f32 v2, v20  }
0x4c: {  	v14 =	vld [tilespmem:s4+$0x1900];
	v2 =	vmax.f32 v2, v19  }
0x4d: {  	v13 =	vld [tilespmem:s4+$0x1980];
	v2 =	vmax.f32 v2, v18  }
0x4e: {  	v12 =	vld [tilespmem:s4+$0x1A00];
	v2 =	vmax.f32 v2, v17  }
0x4f: {  	v11 =	vld [tilespmem:s4+$0x1A80];
	v2 =	vmax.f32 v2, v16  }
0x50: {  	v10 =	vld [tilespmem:s4+$0x1B00];
	v2 =	vmax.f32 v2, v15  }
0x51: {  	v9 =	vld [tilespmem:s4+$0x1B80];
	v2 =	vmax.f32 v2, v14  }
0x52: {  	v8 =	vld [tilespmem:s4+$0x1C00];
	v2 =	vmax.f32 v2, v13  }
0x53: {  	v7 =	vld [tilespmem:s4+$0x1C80];
	v2 =	vmax.f32 v2, v12  }
0x54: {  	v6 =	vld [tilespmem:s4+$0x1D00];
	v2 =	vmax.f32 v2, v11  }
0x55: {  	v5 =	vld [tilespmem:s4+$0x1D80];
	v2 =	vmax.f32 v2, v10  }
0x56: {  	v4 =	vld [tilespmem:s4+$0x1E00];
	v2 =	vmax.f32 v2, v9  }
0x57: {  	v1 =	vld [tilespmem:s4+$0x1E80];
	v2 =	vmax.f32 v2, v8  }
0x58: {  	v3 =	vld [tilespmem:s4+$0x1F00];
	v2 =	vmax.f32 v2, v7  }
0x59: {  	[tilespmem:$0x1FEF0] =	vst v0;
	v0 =	vld [tilespmem:s4+$0x1F80];
	v2 =	vmax.f32 v2, v6  }
0x5a: {  	v2 =	vmax.f32 v2, v5  }
0x5b: {  	v2 =	vmax.f32 v2, v4  }
0x5c: {  	v2 =	vmax.f32 v2, v1  }
0x5d: {  	v2 =	vmax.f32 v2, v3  }
0x5e: {  	v2 =	vmax.f32 v2, v0  }
0x5f: {  	[tilespmem:$0x1FF90] =	vst v3;
	vm6 =	veq.f32 v0, v2;
	vm7 =	veq.f32 v3, v2;
	v3 =	vimm.s32 $0x40  }
0x60: {  	v3 =	vsel vm6, $0x3F, v3  }
0x61: {  	vm6 =	veq.f32 v1, v2;
	v3 =	vsel vm7, $0x3E, v3  }
0x62: {  	vm7 =	veq.f32 v4, v2;
	v3 =	vsel vm6, $0x3D, v3  }
0x63: {  	vm6 =	veq.f32 v5, v2;
	v3 =	vsel vm7, $0x3C, v3  }
0x64: {  	vm7 =	veq.f32 v6, v2;
	v3 =	vsel vm6, $0x3B, v3  }
0x65: {  	vm6 =	veq.f32 v7, v2;
	v3 =	vsel vm7, $0x3A, v3  }
0x66: {  	vm7 =	veq.f32 v8, v2;
	v3 =	vsel vm6, $0x39, v3  }
0x67: {  	vm6 =	veq.f32 v9, v2;
	v3 =	vsel vm7, $0x38, v3  }
0x68: {  	vm7 =	veq.f32 v10, v2;
	v3 =	vsel vm6, $0x37, v3  }
0x69: {  	vm6 =	veq.f32 v11, v2;
	v3 =	vsel vm7, $0x36, v3  }
0x6a: {  	vm7 =	veq.f32 v12, v2;
	v3 =	vsel vm6, $0x35, v3  }
0x6b: {  	vm6 =	veq.f32 v13, v2;
	v3 =	vsel vm7, $0x34, v3  }
0x6c: {  	vm7 =	veq.f32 v14, v2;
	v3 =	vsel vm6, $0x33, v3  }
0x6d: {  	vm6 =	veq.f32 v15, v2;
	v3 =	vsel vm7, $0x32, v3  }
0x6e: {  	vm7 =	veq.f32 v16, v2;
	v3 =	vsel vm6, $0x31, v3  }
0x6f: {  	vm6 =	veq.f32 v17, v2;
	v3 =	vsel vm7, $0x30, v3  }
0x70: {  	vm7 =	veq.f32 v18, v2;
	v3 =	vsel vm6, $0x2F, v3  }
0x71: {  	vm6 =	veq.f32 v19, v2;
	v3 =	vsel vm7, $0x2E, v3  }
0x72: {  	vm7 =	veq.f32 v20, v2;
	v3 =	vsel vm6, $0x2D, v3  }
0x73: {  	vm6 =	veq.f32 v21, v2;
	v3 =	vsel vm7, $0x2C, v3  }
0x74: {  	vm7 =	veq.f32 v22, v2;
	v3 =	vsel vm6, $0x2B, v3  }
0x75: {  	vm6 =	veq.f32 v23, v2;
	v3 =	vsel vm7, $0x2A, v3  }
0x76: {  	vm7 =	veq.f32 v24, v2;
	v3 =	vsel vm6, $0x29, v3  }
0x77: {  	vm6 =	veq.f32 v25, v2;
	v3 =	vsel vm7, $0x28, v3  }
0x78: {  	vm7 =	veq.f32 v26, v2;
	v3 =	vsel vm6, $0x27, v3  }
0x79: {  	vm6 =	veq.f32 v27, v2;
	v3 =	vsel vm7, $0x26, v3  }
0x7a: {  	vm7 =	veq.f32 v28, v2;
	v3 =	vsel vm6, $0x25, v3  }
0x7b: {  	vm6 =	veq.f32 v29, v2;
	v3 =	vsel vm7, $0x24, v3  }
0x7c: {  	vm7 =	veq.f32 v30, v2;
	v3 =	vsel vm6, $0x23, v3  }
0x7d: {  	[tilespmem:$0x1FF40] =	vst v7;
	v7 =	vld [tilespmem:$0x1FEF0];
	vm6 =	veq.f32 v31, v2;
	v3 =	vsel vm7, $0x22, v3  }
0x7e: {  	vm7 =	veq.f32 v35, v2;
	v3 =	vsel vm6, $0x21, v3  }
0x7f: {  	vm6 =	veq.f32 v39, v2;
	v3 =	vsel vm7, $0x20, v3  }
0x80: {  	vm7 =	veq.f32 v45, v2;
	v3 =	vsel vm6, $0x1F, v3  }
0x81: {  	vm6 =	veq.f32 v47, v2;
	v3 =	vsel vm7, $0x1E, v3  }
0x82: {  	vm7 =	veq.f32 v7, v2;
	v3 =	vsel vm6, $0x1D, v3  }
0x83: {  	vm6 =	veq.f32 v48, v2;
	v3 =	vsel vm7, $0x1C, v3  }
0x84: {  	vm7 =	veq.f32 v49, v2;
	v3 =	vsel vm6, $0x1B, v3  }
0x85: {  	vm6 =	veq.f32 v50, v2;
	v3 =	vsel vm7, $0x1A, v3  }
0x86: {  	vm7 =	veq.f32 v51, v2;
	v3 =	vsel vm6, $0x19, v3  }
0x87: {  	vm6 =	veq.f32 v53, v2;
	v3 =	vsel vm7, $0x18, v3  }
0x88: {  	vm7 =	veq.f32 v54, v2;
	v3 =	vsel vm6, $0x17, v3  }
0x89: {  	vm6 =	veq.f32 v55, v2;
	v3 =	vsel vm7, $0x16, v3  }
0x8a: {  	vm7 =	veq.f32 v56, v2;
	v3 =	vsel vm6, $0x15, v3  }
0x8b: {  	vm6 =	veq.f32 v57, v2;
	v3 =	vsel vm7, $0x14, v3  }
0x8c: {  	vm7 =	veq.f32 v59, v2;
	v3 =	vsel vm6, $0x13, v3  }
0x8d: {  	vm6 =	veq.f32 v60, v2;
	v3 =	vsel vm7, $0x12, v3  }
0x8e: {  	vm7 =	veq.f32 v61, v2;
	v3 =	vsel vm6, $0x11, v3  }
0x8f: {  	vm6 =	veq.f32 v62, v2;
	v3 =	vsel vm7, $0x10, v3  }
0x90: {  	vm7 =	veq.f32 v63, v2;
	v3 =	vsel vm6, $0xF, v3  }
0x91: {  	vm6 =	veq.f32 v44, v2;
	v3 =	vsel vm7, $0xE, v3  }
0x92: {  	vm7 =	veq.f32 v43, v2;
	v3 =	vsel vm6, $0xD, v3  }
0x93: {  	vm6 =	veq.f32 v42, v2;
	v3 =	vsel vm7, $0xC, v3  }
0x94: {  	vm7 =	veq.f32 v41, v2;
	v3 =	vsel vm6, $0xB, v3  }
0x95: {  	vm6 =	veq.f32 v58, v2;
	v3 =	vsel vm7, $0xA, v3  }
0x96: {  	vm7 =	veq.f32 v52, v2;
	v3 =	vsel vm6, $0x9, v3  }
0x97: {  	vm6 =	veq.f32 v46, v2;
	v3 =	vsel vm7, $0x8, v3  }
0x98: {  	vm7 =	veq.f32 v40, v2;
	v3 =	vsel vm6, $0x7, v3  }
0x99: {  	vm6 =	veq.f32 v38, v2;
	v3 =	vsel vm7, $0x6, v3  }
0x9a: {  	vm7 =	veq.f32 v37, v2;
	v3 =	vsel vm6, $0x5, v3  }
0x9b: {  	vm6 =	veq.f32 v36, v2;
	v3 =	vsel vm7, $0x4, v3  }
0x9c: {  	vm7 =	veq.f32 v34, v2;
	v3 =	vsel vm6, $0x3, v3  }
0x9d: {  	vm6 =	veq.f32 v33, v2;
	v3 =	vsel vm7, $0x2, v3  }
0x9e: {  	vm7 =	veq.f32 v32, v2;
	v3 =	vsel vm6, $0x1, v3  }
0x9f: {  	v3 =	vsel vm7, $0x0, v3  }
0xa0: {  	vm6 =	veq.s32 v3, $0x0  }
0xa1: {  	v32 =	vsel vm6, $0xFF800000, v32;
	vm6 =	veq.s32 v3, $0x2  }
0xa2: {  	vm7 =	veq.s32 v3, $0x1;
	v34 =	vsel vm6, $0xFF800000, v34;
	vm6 =	veq.s32 v3, $0x3  }
0xa3: {  	[tilespmem:$0x1FF80] =	vst v1;
	v33 =	vsel vm7, $0xFF800000, v33;
	v36 =	vsel vm6, $0xFF800000, v36;
	vm6 =	veq.s32 v3, $0x4  }
0xa4: {  	[tilespmem:$0x1FFA0] =	vst v0;
	v1 =	vmax.f32 v32, v33;
	v37 =	vsel vm6, $0xFF800000, v37;
	vm6 =	veq.s32 v3, $0x5  }
0xa5: {  	[tilespmem:$0x1FFD0] =	vst v34;
	v0 =	vmax.f32 v1, v34;
	v34 =	vsel vm6, $0xFF800000, v38;
	vm6 =	veq.s32 v3, $0x6  }
0xa6: {  	v40 =	vsel vm6, $0xFF800000, v40;
	vm6 =	veq.s32 v3, $0x7  }
0xa7: {  	v46 =	vsel vm6, $0xFF800000, v46;
	vm6 =	veq.s32 v3, $0x8  }
0xa8: {  	v0 =	vmax.f32 v0, v36;
	v52 =	vsel vm6, $0xFF800000, v52;
	vm6 =	veq.s32 v3, $0x9  }
0xa9: {  	v0 =	vmax.f32 v0, v37;
	v58 =	vsel vm6, $0xFF800000, v58;
	vm6 =	veq.s32 v3, $0xA  }
0xaa: {  	[tilespmem:$0x1FF30] =	vst v8;
	v8 =	vmovc v28;
	v0 =	vmax.f32 v0, v34;
	v28 =	vsel vm6, $0xFF800000, v41;
	vm6 =	veq.s32 v3, $0xB  }
0xab: {  	[tilespmem:$0x1FF10] =	vst v10;
	v10 =	vmovc v22;
	v0 =	vmax.f32 v0, v40;
	v22 =	vsel vm6, $0xFF800000, v42;
	vm6 =	veq.s32 v3, $0xC  }
0xac: {  	[tilespmem:$0x1FF00] =	vst v11;
	v11 =	vmovc v15;
	v0 =	vmax.f32 v0, v46;
	v15 =	vsel vm6, $0xFF800000, v43;
	vm6 =	veq.s32 v3, $0xD  }
0xad: {  	[tilespmem:$0x1FF20] =	vst v9;
	v0 =	vmax.f32 v0, v52;
	v9 =	vsel vm6, $0xFF800000, v44;
	vm6 =	veq.s32 v3, $0xE  }
0xae: {  	[tilespmem:$0x1FF60] =	vst v5;
	v41 =	vmax.f32 v0, v58;
	v5 =	vsel vm6, $0xFF800000, v63;
	vm6 =	veq.s32 v3, $0xF  }
0xaf: {  	[tilespmem:$0x1FF50] =	vst v6;
	v42 =	vmax.f32 v41, v28;
	v6 =	vsel vm6, $0xFF800000, v62;
	vm6 =	veq.s32 v3, $0x10  }
0xb0: {  	v43 =	vmax.f32 v42, v22;
	v61 =	vsel vm6, $0xFF800000, v61;
	vm6 =	veq.s32 v3, $0x11  }
0xb1: {  	v0 =	vmax.f32 v43, v15;
	v60 =	vsel vm6, $0xFF800000, v60;
	vm6 =	veq.s32 v3, $0x12  }
0xb2: {  	v1 =	vmax.f32 v0, v9;
	v59 =	vsel vm6, $0xFF800000, v59;
	vm6 =	veq.s32 v3, $0x13  }
0xb3: {  	[tilespmem:$0x1FF70] =	vst v4;
	v4 =	vmax.f32 v1, v5;
	v57 =	vsel vm6, $0xFF800000, v57;
	vm6 =	veq.s32 v3, $0x14  }
0xb4: {  	v62 =	vmax.f32 v4, v6;
	v56 =	vsel vm6, $0xFF800000, v56;
	vm6 =	veq.s32 v3, $0x15  }
0xb5: {  	v62 =	vmax.f32 v62, v61;
	v55 =	vsel vm6, $0xFF800000, v55;
	vm6 =	veq.s32 v3, $0x16  }
0xb6: {  	v62 =	vmax.f32 v62, v60;
	v54 =	vsel vm6, $0xFF800000, v54;
	vm6 =	veq.s32 v3, $0x17  }
0xb7: {  	v62 =	vmax.f32 v62, v59;
	v53 =	vsel vm6, $0xFF800000, v53;
	vm6 =	veq.s32 v3, $0x18  }
0xb8: {  	v62 =	vmax.f32 v62, v57;
	v51 =	vsel vm6, $0xFF800000, v51;
	vm6 =	veq.s32 v3, $0x19  }
0xb9: {  	v62 =	vmax.f32 v62, v56;
	v50 =	vsel vm6, $0xFF800000, v50;
	vm6 =	veq.s32 v3, $0x1A  }
0xba: {  	v62 =	vmax.f32 v62, v55;
	v49 =	vsel vm6, $0xFF800000, v49;
	vm6 =	veq.s32 v3, $0x1B  }
0xbb: {  	v62 =	vmax.f32 v62, v54;
	v48 =	vsel vm6, $0xFF800000, v48;
	vm6 =	veq.s32 v3, $0x1C  }
0xbc: {  	v62 =	vmax.f32 v62, v53;
	v4 =	vsel vm6, $0xFF800000, v7;
	vm6 =	veq.s32 v3, $0x1D  }
0xbd: {  	v62 =	vmax.f32 v62, v51;
	v1 =	vsel vm6, $0xFF800000, v47;
	vm6 =	veq.s32 v3, $0x1E  }
0xbe: {  	v62 =	vmax.f32 v62, v50;
	v44 =	vsel vm6, $0xFF800000, v45;
	vm6 =	veq.s32 v3, $0x1F  }
0xbf: {  	v62 =	vmax.f32 v62, v49;
	v43 =	vsel vm6, $0xFF800000, v39;
	vm6 =	veq.s32 v3, $0x20  }
0xc0: {  	v62 =	vmax.f32 v62, v48;
	v42 =	vsel vm6, $0xFF800000, v35;
	vm6 =	veq.s32 v3, $0x21  }
0xc1: {  	v62 =	vmax.f32 v62, v4;
	v41 =	vsel vm6, $0xFF800000, v31;
	vm6 =	veq.s32 v3, $0x22  }
0xc2: {  	v62 =	vmax.f32 v62, v1;
	v39 =	vsel vm6, $0xFF800000, v30;
	vm6 =	veq.s32 v3, $0x23  }
0xc3: {  	v62 =	vmax.f32 v62, v44;
	v38 =	vsel vm6, $0xFF800000, v29;
	vm6 =	veq.s32 v3, $0x24  }
0xc4: {  	[tilespmem:$0x1FFB0] =	vst v37;
	v62 =	vmax.f32 v62, v43;
	v37 =	vsel vm6, $0xFF800000, v8;
	vm6 =	veq.s32 v3, $0x25  }
0xc5: {  	[tilespmem:$0x1FFC0] =	vst v36;
	v62 =	vmax.f32 v62, v42;
	v36 =	vsel vm6, $0xFF800000, v27;
	vm6 =	veq.s32 v3, $0x26  }
0xc6: {  	v62 =	vmax.f32 v62, v41;
	v35 =	vsel vm6, $0xFF800000, v26;
	vm6 =	veq.s32 v3, $0x27  }
0xc7: {  	[tilespmem:$0x1FFE0] =	vst v33;
	v62 =	vmax.f32 v62, v39;
	v33 =	vsel vm6, $0xFF800000, v25;
	vm6 =	veq.s32 v3, $0x28  }
0xc8: {  	[tilespmem:$0x1FFF0] =	vst v32;
	v62 =	vmax.f32 v62, v38;
	v32 =	vsel vm6, $0xFF800000, v24;
	vm6 =	veq.s32 v3, $0x29  }
0xc9: {  	v62 =	vmax.f32 v62, v37;
	v31 =	vsel vm6, $0xFF800000, v23;
	vm6 =	veq.s32 v3, $0x2A  }
0xca: {  	v62 =	vmax.f32 v62, v36;
	v30 =	vsel vm6, $0xFF800000, v10;
	vm6 =	veq.s32 v3, $0x2B  }
0xcb: {  	v62 =	vmax.f32 v62, v35;
	v29 =	vsel vm6, $0xFF800000, v21;
	vm6 =	veq.s32 v3, $0x2C  }
0xcc: {  	v62 =	vmax.f32 v62, v33;
	v27 =	vsel vm6, $0xFF800000, v20;
	vm6 =	veq.s32 v3, $0x2D  }
0xcd: {  	v62 =	vmax.f32 v62, v32;
	v26 =	vsel vm6, $0xFF800000, v19;
	vm6 =	veq.s32 v3, $0x2E  }
0xce: {  	v62 =	vmax.f32 v62, v31;
	v25 =	vsel vm6, $0xFF800000, v18;
	vm6 =	veq.s32 v3, $0x2F  }
0xcf: {  	v62 =	vmax.f32 v62, v30;
	v24 =	vsel vm6, $0xFF800000, v17;
	vm6 =	veq.s32 v3, $0x30  }
0xd0: {  	v62 =	vmax.f32 v62, v29;
	v23 =	vsel vm6, $0xFF800000, v16;
	vm6 =	veq.s32 v3, $0x31  }
0xd1: {  	v62 =	vmax.f32 v62, v27;
	v21 =	vsel vm6, $0xFF800000, v11;
	vm6 =	veq.s32 v3, $0x32  }
0xd2: {  	v62 =	vmax.f32 v62, v26;
	v20 =	vsel vm6, $0xFF800000, v14;
	vm6 =	veq.s32 v3, $0x33  }
0xd3: {  	v62 =	vmax.f32 v62, v25;
	v19 =	vsel vm6, $0xFF800000, v13;
	vm6 =	veq.s32 v3, $0x34  }
0xd4: {  	v62 =	vmax.f32 v62, v24;
	v18 =	vsel vm6, $0xFF800000, v12;
	v12 =	vld [tilespmem:$0x1FF00]  }
0xd5: {  	v62 =	vmax.f32 v62, v23;
	v13 =	vld [tilespmem:$0x1FF10]  }
0xd6: {  	v62 =	vmax.f32 v62, v21;
	v14 =	vld [tilespmem:$0x1FF20]  }
0xd7: {  	v45 =	vld [tilespmem:$0x1FF30];
	v62 =	vmax.f32 v62, v20  }
0xd8: {  	v47 =	vld [tilespmem:$0x1FF40];
	vm6 =	veq.s32 v3, $0x35;
	v62 =	vmax.f32 v62, v19  }
0xd9: {  	v63 =	vld [tilespmem:$0x1FF50];
	v62 =	vmax.f32 v62, v18;
	v17 =	vsel vm6, $0xFF800000, v12;
	vm6 =	veq.s32 v3, $0x36  }
0xda: {  	v7 =	vld [tilespmem:$0x1FF60];
	v16 =	vsel vm6, $0xFF800000, v13;
	vm6 =	veq.s32 v3, $0x37;
	v62 =	vmax.f32 v62, v17  }
0xdb: {  	v8 =	vld [tilespmem:$0x1FF70];
	v14 =	vsel vm6, $0xFF800000, v14;
	vm6 =	veq.s32 v3, $0x38;
	v62 =	vmax.f32 v62, v16  }
0xdc: {  	v13 =	vsel vm6, $0xFF800000, v45;
	vm6 =	veq.s32 v3, $0x39;
	v62 =	vmax.f32 v62, v14;
	v45 =	vld [tilespmem:$0x1FF80]  }
0xdd: {  	v12 =	vsel vm6, $0xFF800000, v47;
	vm6 =	veq.s32 v3, $0x3A;
	v62 =	vmax.f32 v62, v13  }
0xde: {  	v11 =	vsel vm6, $0xFF800000, v63;
	vm6 =	veq.s32 v3, $0x3B;
	v62 =	vmax.f32 v62, v12  }
0xdf: {  	v10 =	vsel vm6, $0xFF800000, v7;
	vm6 =	veq.s32 v3, $0x3C;
	v62 =	vmax.f32 v62, v11  }
0xe0: {  	v8 =	vsel vm6, $0xFF800000, v8;
	vm6 =	veq.s32 v3, $0x3D;
	v62 =	vmax.f32 v62, v10  }
0xe1: {  	v63 =	vsel vm6, $0xFF800000, v45;
	v47 =	vmax.f32 v62, v8;
	v62 =	vld [tilespmem:$0x1FF90]  }
0xe2: {  	v7 =	vmax.f32 v47, v63;
	v47 =	vld [tilespmem:$0x1FFA0];
	_ =	sdelay $0x2  }
0xe3: {  	vm6 =	veq.s32 v3, $0x3E  }
0xe4: {  	v45 =	vsel vm6, $0xFF800000, v62;
	vm6 =	veq.s32 v3, $0x3F  }
0xe5: {  	v0 =	vsel vm6, $0xFF800000, v47;
	v7 =	vmax.f32 v7, v45  }
0xe6: {  	v7 =	vmax.f32 v7, v0  }
0xe7: {  	v62 =	vimm.f32 $6.400000000e+01;
	vm6 =	veq.f32 v0, v7  }
0xe8: {  	vm7 =	veq.f32 v45, v7;
	v0 =	vsel vm6, $0x427C0000, v62  }
0xe9: {  	vm6 =	veq.f32 v63, v7;
	v0 =	vsel vm7, $0x42780000, v0  }
0xea: {  	vm7 =	veq.f32 v8, v7;
	v0 =	vsel vm6, $0x42740000, v0  }
0xeb: {  	vm6 =	veq.f32 v10, v7;
	v0 =	vsel vm7, $0x42700000, v0  }
0xec: {  	v0 =	vsel vm6, $0x426C0000, v0;
	vm6 =	veq.f32 v11, v7  }
0xed: {  	v0 =	vsel vm6, $0x42680000, v0;
	vm6 =	veq.f32 v12, v7  }
0xee: {  	v0 =	vsel vm6, $0x42640000, v0;
	vm6 =	veq.f32 v13, v7  }
0xef: {  	v0 =	vsel vm6, $0x42600000, v0;
	vm6 =	veq.f32 v14, v7  }
0xf0: {  	v0 =	vsel vm6, $0x425C0000, v0;
	vm6 =	veq.f32 v16, v7  }
0xf1: {  	v0 =	vsel vm6, $0x42580000, v0;
	vm6 =	veq.f32 v17, v7  }
0xf2: {  	v0 =	vsel vm6, $0x42540000, v0;
	vm6 =	veq.f32 v18, v7  }
0xf3: {  	v0 =	vsel vm6, $0x42500000, v0;
	vm6 =	veq.f32 v19, v7  }
0xf4: {  	v0 =	vsel vm6, $0x424C0000, v0;
	vm6 =	veq.f32 v20, v7  }
0xf5: {  	v0 =	vsel vm6, $0x42480000, v0;
	vm6 =	veq.f32 v21, v7  }
0xf6: {  	v0 =	vsel vm6, $0x42440000, v0;
	vm6 =	veq.f32 v23, v7  }
0xf7: {  	v0 =	vsel vm6, $0x42400000, v0;
	vm6 =	veq.f32 v24, v7  }
0xf8: {  	v0 =	vsel vm6, $0x423C0000, v0;
	vm6 =	veq.f32 v25, v7  }
0xf9: {  	v0 =	vsel vm6, $0x42380000, v0;
	vm6 =	veq.f32 v26, v7  }
0xfa: {  	v0 =	vsel vm6, $0x42340000, v0;
	vm6 =	veq.f32 v27, v7  }
0xfb: {  	v0 =	vsel vm6, $0x42300000, v0;
	vm6 =	veq.f32 v29, v7  }
0xfc: {  	v0 =	vsel vm6, $0x422C0000, v0;
	vm6 =	veq.f32 v30, v7  }
0xfd: {  	v0 =	vsel vm6, $0x42280000, v0;
	vm6 =	veq.f32 v31, v7  }
0xfe: {  	v0 =	vsel vm6, $0x42240000, v0;
	vm6 =	veq.f32 v32, v7  }
0xff: {  	v0 =	vsel vm6, $0x42200000, v0;
	vm6 =	veq.f32 v33, v7  }
0x100: {  	v0 =	vsel vm6, $0x421C0000, v0;
	vm6 =	veq.f32 v35, v7  }
0x101: {  	v0 =	vsel vm6, $0x42180000, v0;
	vm6 =	veq.f32 v36, v7  }
0x102: {  	v0 =	vsel vm6, $0x42140000, v0;
	vm6 =	veq.f32 v37, v7  }
0x103: {  	v0 =	vsel vm6, $0x42100000, v0;
	vm6 =	veq.f32 v38, v7  }
0x104: {  	v0 =	vsel vm6, $0x420C0000, v0;
	vm6 =	veq.f32 v39, v7  }
0x105: {  	v0 =	vsel vm6, $0x42080000, v0;
	vm6 =	veq.f32 v41, v7  }
0x106: {  	v0 =	vsel vm6, $0x42040000, v0;
	vm6 =	veq.f32 v42, v7  }
0x107: {  	v0 =	vsel vm6, $0x42000000, v0;
	vm6 =	veq.f32 v43, v7  }
0x108: {  	v0 =	vsel vm6, $0x41F80000, v0;
	vm6 =	veq.f32 v44, v7  }
0x109: {  	v0 =	vsel vm6, $0x41F00000, v0;
	vm6 =	veq.f32 v1, v7  }
0x10a: {  	v0 =	vsel vm6, $0x41E80000, v0;
	vm6 =	veq.f32 v4, v7  }
0x10b: {  	v0 =	vsel vm6, $0x41E00000, v0;
	vm6 =	veq.f32 v48, v7  }
0x10c: {  	v2 =	vsub.f32 v7, v2;
	v0 =	vsel vm6, $0x41D80000, v0;
	vm6 =	veq.f32 v49, v7  }
0x10d: {  	v0 =	vsel vm6, $0x41D00000, v0;
	vm6 =	veq.f32 v50, v7  }
0x10e: {  	v2 =	vmul.f32 $1.442695020e+00, v2;
	v0 =	vsel vm6, $0x41C80000, v0;
	vm6 =	veq.f32 v51, v7  }
0x10f: {  	v0 =	vsel vm6, $0x41C00000, v0;
	vm6 =	veq.f32 v53, v7  }
0x110: {  	(erf) = vpow2.f32 v2;
	v0 =	vsel vm6, $0x41B80000, v0;
	vm6 =	veq.f32 v54, v7  }
0x111: {  	v0 =	vsel vm6, $0x41B00000, v0;
	vm6 =	veq.f32 v55, v7  }
0x112: {  	v0 =	vsel vm6, $0x41A80000, v0;
	vm6 =	veq.f32 v56, v7  }
0x113: {  	v0 =	vsel vm6, $0x41A00000, v0;
	vm6 =	veq.f32 v57, v7  }
0x114: {  	v0 =	vsel vm6, $0x41980000, v0;
	vm6 =	veq.f32 v59, v7  }
0x115: {  	v0 =	vsel vm6, $0x41900000, v0;
	vm6 =	veq.f32 v60, v7  }
0x116: {  	v0 =	vsel vm6, $0x41880000, v0;
	vm6 =	veq.f32 v61, v7  }
0x117: {  	v0 =	vsel vm6, $0x41800000, v0;
	vm6 =	veq.f32 v6, v7  }
0x118: {  	v0 =	vsel vm6, $0x41700000, v0;
	vm6 =	veq.f32 v5, v7  }
0x119: {  	v2 =	vpop (erf);
	v0 =	vsel vm6, $0x41600000, v0;
	vm6 =	veq.f32 v9, v7  }
0x11a: {  	v2 =	vadd.f32 $1.000000000e+00, v2;
	v0 =	vsel vm6, $0x41500000, v0;
	vm6 =	veq.f32 v15, v7  }
0x11b: {  	v0 =	vsel vm6, $0x41400000, v0;
	vm6 =	veq.f32 v22, v7  }
0x11c: {  	(erf) = vrcp.f32 v2;
	v0 =	vsel vm6, $0x41300000, v0;
	vm6 =	veq.f32 v28, v7  }
0x11d: {  	v0 =	vsel vm6, $0x41200000, v0;
	vm6 =	veq.f32 v58, v7  }
0x11e: {  	v31 =	vld [tilespmem:$0x1FFB0];
	v0 =	vsel vm6, $0x41100000, v0;
	vm6 =	veq.f32 v52, v7  }
0x11f: {  	v32 =	vld [tilespmem:$0x1FFC0];
	v0 =	vsel vm6, $0x41000000, v0;
	vm6 =	veq.f32 v46, v7  }
0x120: {  	v0 =	vsel vm6, $0x40E00000, v0;
	vm6 =	veq.f32 v40, v7  }
0x121: {  	v33 =	vld [tilespmem:$0x1FFD0];
	v0 =	vsel vm6, $0x40C00000, v0;
	vm6 =	veq.f32 v34, v7  }
0x122: {  	v0 =	vsel vm6, $0x40A00000, v0  }
0x123: {  	vm6 =	veq.f32 v31, v7  }
0x124: {  	v34 =	vld [tilespmem:$0x1FFE0];
	v1 =	vsel vm6, $0x40800000, v0;
	vm6 =	veq.f32 v32, v7  }
0x125: {  	v1 =	vsel vm6, $0x40400000, v1;
	v0 =	vpop (erf)  }
0x126: {  	v35 =	vld [tilespmem:$0x1FFF0];
	vm6 =	veq.f32 v33, v7;
	v37 =	vbroadcast v0, $0x0;
	v40 =	vbroadcast v0, $0x1  }
0x127: {  	v1 =	vsel vm6, $0x40000000, v1;
	v46 =	vbroadcast v0, $0x3;
	v52 =	vbroadcast v0, $0x4  }
0x128: {  	v4 =	vsub.f32 $1.000000000e+00, v0;
	v57 =	vbroadcast v0, $0x5;
	v61 =	vbroadcast v0, $0x6  }
0x129: {  	vm6 =	veq.f32 v34, v7;
	v18 =	vbroadcast v0, $0x7;
	v23 =	vbroadcast v0, $0x8  }
0x12a: {  	v27 =	vbroadcast v0, $0x9;
	v32 =	vbroadcast v0, $0xA;
	v1 =	vsel vm6, $0x3F800000, v1  }
0x12b: {  	vm6 =	veq.f32 v35, v7;
	v36 =	vbroadcast v4, $0x0;
	v38 =	vbroadcast v4, $0x1  }
0x12c: {  	v2 =	vsel vm6, $0x0, v1;
	v1 =	vcvt.s32.f32 v3;
	v43 =	vbroadcast v4, $0x2  }
0x12d: {  	v51 =	vbroadcast v4, $0x4;
	v56 =	vbroadcast v4, $0x5  }
0x12e: {  	v59 =	vbroadcast v4, $0x6;
	v17 =	vbroadcast v4, $0x7  }
0x12f: {  	v22 =	vbroadcast v4, $0x8;
	v25 =	vbroadcast v4, $0x9  }
0x130: {  	v31 =	vbroadcast v4, $0xA;
	v41 =	vbroadcast v2, $0x0  }
0x131: {  	v45 =	vbroadcast v2, $0x2;
	v49 =	vbroadcast v2, $0x3  }
0x132: {  	v54 =	vbroadcast v2, $0x4;
	v60 =	vbroadcast v2, $0x5  }
0x133: {  	v48 =	vsel vm5, $0x0, v4;
	v63 =	vbroadcast v2, $0x6;
	v20 =	vbroadcast v2, $0x7  }
0x134: {  	v50 =	vsel vm1, v48, v46;
	v26 =	vbroadcast v2, $0x8;
	v29 =	vbroadcast v2, $0x9  }
0x135: {  	v34 =	vbroadcast v2, $0xA;
	v39 =	vnsel vm0, $0x0, v36;
	v7 =	vnsel vm0, $0x0, v38  }
0x136: {  	v42 =	vbroadcast v1, $0x1;
	v44 =	vnsel vm0, $0x0, v43;
	v47 =	vbroadcast v1, $0x2  }
0x137: {  	v53 =	vbroadcast v1, $0x3;
	v8 =	vnsel vm0, $0x0, v51;
	v55 =	vbroadcast v1, $0x4  }
0x138: {  	v58 =	vnsel vm0, $0x0, v56;
	v62 =	vbroadcast v1, $0x5;
	v19 =	vbroadcast v1, $0x6  }
0x139: {  	v11 =	vnsel vm0, $0x0, v59;
	v21 =	vbroadcast v1, $0x7;
	v28 =	vbroadcast v1, $0x8  }
0x13a: {  	v24 =	vnsel vm0, $0x0, v22;
	v33 =	vbroadcast v1, $0x9;
	v35 =	vbroadcast v1, $0xA  }
0x13b: {  	v14 =	vnsel vm0, $0x0, v25;
	v36 =	vbroadcast v4, $0xB;
	v46 =	vbroadcast v1, $0xB  }
0x13c: {  	v51 =	vbroadcast v0, $0xD;
	v56 =	vbroadcast v4, $0xE;
	v3 =	vsel vm1, v39, v37  }
0x13d: {  	v5 =	vsel vm1, v7, v40;
	v6 =	vsel vm1, v44, v0;
	v7 =	vsel vm2, v50, v49  }
0x13e: {  	v8 =	vsel vm1, v8, v52;
	v9 =	vsel vm1, v58, v57;
	v16 =	vsel vm1, v11, v61  }
0x13f: {  	v11 =	vnsel vm0, $0x0, v17;
	v12 =	vsel vm1, v24, v23;
	v39 =	vbroadcast v0, $0xB  }
0x140: {  	v30 =	vsel vm1, v14, v27;
	v44 =	vbroadcast v2, $0xB;
	v49 =	vbroadcast v4, $0xD  }
0x141: {  	v14 =	vnsel vm0, $0x0, v31;
	v52 =	vbroadcast v1, $0xC;
	v57 =	vbroadcast v0, $0xE  }
0x142: {  	v61 =	vbroadcast v2, $0xE;
	v3 =	vsel vm2, v3, v41;
	v5 =	vsel vm2, v5, v2  }
0x143: {  	v6 =	vsel vm2, v6, v45;
	v7 =	vsel vm4, v7, v53;
	v8 =	vsel vm2, v8, v54  }
0x144: {  	v9 =	vsel vm2, v9, v60;
	v10 =	vsel vm2, v16, v63;
	v11 =	vsel vm1, v11, v18  }
0x145: {  	v12 =	vsel vm2, v12, v26;
	v13 =	vsel vm2, v30, v29;
	v14 =	vsel vm1, v14, v32  }
0x146: {  	v41 =	vnsel vm0, $0x0, v36;
	v45 =	vbroadcast v0, $0xC;
	v3 =	vsel vm3, v1, v3;
	[tilespmem:$0x2180] =	vst v7  }
0x147: {  	v54 =	vbroadcast v2, $0xD;
	v59 =	vnsel vm0, $0x0, v56;
	v5 =	vsel vm4, v5, v42;
	[tilespmem:$0x2000] =	vst v3  }
0x148: {  	v0 =	vbroadcast v0, $0xF;
	v6 =	vsel vm4, v6, v47;
	v8 =	vsel vm4, v8, v55;
	[tilespmem:$0x2080] =	vst v5  }
0x149: {  	v9 =	vsel vm4, v9, v62;
	v10 =	vsel vm4, v10, v19;
	v11 =	vsel vm2, v11, v20;
	[tilespmem:$0x2100] =	vst v6  }
0x14a: {  	v12 =	vsel vm4, v12, v28;
	v37 =	vsel vm4, v13, v33;
	v38 =	vsel vm2, v14, v34;
	[tilespmem:$0x2200] =	vst v8  }
0x14b: {  	v42 =	vbroadcast v4, $0xC;
	v43 =	vsel vm1, v41, v39;
	v47 =	vbroadcast v2, $0xC;
	[tilespmem:$0x2280] =	vst v9  }
0x14c: {  	v53 =	vnsel vm0, $0x0, v49;
	v55 =	vbroadcast v1, $0xD;
	v4 =	vbroadcast v4, $0xF;
	[tilespmem:$0x2300] =	vst v10  }
0x14d: {  	v60 =	vsel vm1, v59, v57;
	v62 =	vbroadcast v1, $0xE;
	v2 =	vbroadcast v2, $0xF;
	[tilespmem:$0x2400] =	vst v12  }
0x14e: {  	v1 =	vbroadcast v1, $0xF;
	v11 =	vsel vm4, v11, v21;
	v40 =	vsel vm4, v38, v35;
	[tilespmem:$0x2480] =	vst v37  }
0x14f: {  	v6 =	vsel vm2, v43, v44;
	v8 =	vsel vm1, v53, v51;
	v5 =	vsel vm2, v60, v61;
	[tilespmem:$0x2380] =	vst v11  }
0x150: {  	v15 =	vnsel vm0, $0x0, v42;
	v6 =	vsel vm4, v6, v46;
	v8 =	vsel vm2, v8, v54;
	[tilespmem:$0x2500] =	vst v40  }
0x151: {  	v4 =	vnsel vm0, $0x0, v4;
	v63 =	vsel vm4, v5, v62;
	v48 =	vsel vm1, v15, v45;
	[tilespmem:$0x2580] =	vst v6  }
0x152: {  	v58 =	vsel vm4, v8, v55;
	v0 =	vsel vm1, v4, v0;
	[tilespmem:$0x2700] =	vst v63;
	v50 =	vsel vm2, v48, v47  }
0x153: {  	[tilespmem:$0x2680] =	vst v58;
	v0 =	vsel vm2, v0, v2;
	v7 =	vsel vm4, v50, v52  }
0x154: {  	v0 =	vsel vm4, v0, v1;
	[tilespmem:$0x2600] =	vst v7  }
.Ltmp3:
0x155: {  	[tilespmem:$0x2780] =	vst v0;
	(pc) =	sbr.rel .LBB2_3-.Ltmp3, $4  }
0x156: {  	[spmem:s5] =	stream.linear.scatter [tilespmem:s9], [sflag:$0x1], $0x800, $0x38;
	[tilespmem:$0x2880] =	vst v63  }
0x157: {  	_ =	swait.ge [sflag:s8], $0x800  }
0x158: {  	[sflag:s8] =	ssyncset.done $0x0  }
0x159: {  	[sflag:s8] =	ssyncadd.s32 $0xFFFFF800  }
.LBB2_4:
0x15a: {  	_ =	sfence.sel $0x180000  }
0x15b: {  	[bflag:$0x0] =	sbarrier.arrive $0xFFFF  }
0x15c: {  	p0 =	sne.s32 s1, $0x0;
	_ =	strace $0x90000047  }
0x15d: {  	s0 =	sadd.s32 @!p0 $0x100000, s0;
	[bflag:$0x2] =	sbarrier.arrive $0xFFFF  }
0x15e: {  	[sflag:s0] =	ssyncadd.tile.s32 @!p0 $0x1;
	_ =	shalt  }
.Lfunc_end2:
_tile_overlayer_lowered:
.L_overlay_start_2:
0x15f: {  	(tag) =	ssettag $0x2  }
0x160: {  	s0 =	rddreg [dreg:$0x0];
	s2 =	stileid.u32  }
0x161: {  	s1 =	rddreg [dreg:$0x1];
	p0 =	sne.s32 s2, $0x0  }
0x162: {  	s3 =	rddreg [dreg:$0x2];
	[bflag:$0x3] =	sbarrier.arrive $0xFFFF;
	s2 =	simm.s32 @!p0 $0x1C01  }
0x163: {  	[timem:s3], [sflag:s2] =	dma.local @!p0 [hbm:s0], s1  }
0x164: {  	s0 =	simm.s32 @!p0 $0x1  }
0x165: {  	_ =	swait.ge @!p0 [sflag:s0], s1  }
0x166: {  	s1 =	ssub.s32 @!p0 $0x0, s1;
	[sflag:s0] =	ssyncset.done @!p0 $0x0  }
0x167: {  	[sflag:s0] =	ssyncadd.s32 @!p0 s1  }
0x168: {  	[bflag:$0x3] =	sbarrier.arrive $0xFFFF  }
0x169: {  	_ =	shalt  }

</sc_bundles>
